<compile_context>
chip_gen: v7x
topology: tpu7x:2x2x1
jax: 0.10.2.dev20260603
libtpu: 0.0.44.dev20260713+nightly
codegen_flags: <defaults>
</compile_context>

<pallas_src>
import functools

import jax
import jax.numpy as jnp
import numpy as np
from jax import lax
from jax.experimental import pallas as pl
from jax.experimental.pallas import tpu as pltpu
from jax.experimental.pallas import tpu_sc as plsc

NUM_TASKS = 1000000
EMB_DIM = 64
SEQ_FEAT = 320
H0 = 256
H1 = 128
OUT_W = 85
B = 16384

_LANES = 16
_NW = 32
_TILE_C = 128
_FULL_TILES = NUM_TASKS // _TILE_C
_TAIL_BASE = _FULL_TILES * _TILE_C
_CTILES = 5
_CHUNK_C = _CTILES * _TILE_C
_TPW = 245
_NCHUNKS = -(-_TPW // _CTILES)

_T0 = np.minimum(np.arange(_NW) * _TPW, _FULL_TILES - _TPW)
_C0 = (_T0[:, None] + np.minimum(np.arange(_NCHUNKS) * _CTILES,
                                 _TPW - _CTILES)[None, :]) * _TILE_C
_PTR_PAD = 16
_NPTR = _NW + _NW * _NCHUNKS + _PTR_PAD


@functools.lru_cache(maxsize=None)
def _gather_fn():
    info = plsc.get_sparse_core_info()
    mesh = plsc.VectorSubcoreMesh(core_axis_name="c", subcore_axis_name="s")

    @functools.partial(
        pl.kernel,
        mesh=mesh,
        out_type=jax.ShapeDtypeStruct(((B + _NW * _LANES) * EMB_DIM,),
                                      jnp.float32),
        scratch_types=[
            pltpu.VMEM((B,), jnp.int32),
            pltpu.VMEM((B,), jnp.int32),
            pltpu.VMEM((_NPTR,), jnp.int32),
            pltpu.VMEM((2, EMB_DIM, _CHUNK_C), jnp.float32),
            pltpu.VMEM((_LANES, EMB_DIM), jnp.float32),
            pltpu.SemaphoreType.DMA,
            pltpu.SemaphoreType.DMA,
        ],
        compiler_params=pltpu.CompilerParams(needs_layout_passes=False),
    )
    def gather_k(tt_hbm, sidx_hbm, spos_hbm, ptrs_hbm, out_hbm,
                 sidx_v, spos_v, ptrs_v, blk_v, stg_v, sem, osem):
        wid = lax.axis_index("s") * info.num_cores + lax.axis_index("c")
        pltpu.sync_copy(sidx_hbm, sidx_v)
        pltpu.sync_copy(spos_hbm, spos_v)
        pltpu.sync_copy(ptrs_hbm, ptrs_v)

        t0 = jnp.minimum(wid * _TPW, _FULL_TILES - _TPW)
        lanes = lax.iota(jnp.int32, _LANES)
        ptr0 = ptrs_v[pl.ds(wid, _LANES)][0]

        def window(ci):
            c0 = (t0 + jnp.minimum(ci * _CTILES, _TPW - _CTILES)) * _TILE_C
            c0 = pl.multiple_of(c0, _TILE_C)
            return c0

        pltpu.async_copy(tt_hbm.at[:, pl.ds(window(0), _CHUNK_C)],
                         blk_v.at[0], sem)

        def chunk_body(ci, ptr):
            b = lax.rem(ci, 2)
            c0 = window(ci)
            pltpu.make_async_copy(
                tt_hbm.at[:, pl.ds(c0, _CHUNK_C)], blk_v.at[b], sem
            ).wait()
            cn = window(jnp.minimum(ci + 1, _NCHUNKS - 1))
            pltpu.async_copy(
                tt_hbm.at[:, pl.ds(cn, _CHUNK_C)],
                blk_v.at[lax.rem(ci + 1, 2)], sem)

            pe = ptrs_v[pl.ds(_NW + wid * _NCHUNKS + ci, _LANES)][0]

            def group_body(g, carry2):
                base = ptr + g * _LANES
                rem = pe - base
                gm = lanes < rem
                vec = sidx_v[pl.ds(base, _LANES)]
                posv = spos_v[pl.ds(base, _LANES)]
                colv = jnp.where(gm, vec - c0, 0)
                bvec = jnp.full((_LANES,), b, jnp.int32)
                for j in range(EMB_DIM):
                    row = jnp.full((_LANES,), j, jnp.int32)
                    vals = plsc.load_gather(blk_v, [bvec, row, colv])
                    plsc.store_scatter(stg_v, [lanes, row], vals)
                ocopies = []
                for j in range(_LANES):
                    dummy = B + wid * _LANES + j
                    p = jnp.where(j < rem, posv[j], dummy)
                    ocopies.append(pltpu.async_copy(
                        stg_v.at[j],
                        out_hbm.at[pl.ds(p * EMB_DIM, EMB_DIM)],
                        osem,
                    ))
                for c in ocopies:
                    c.wait()
                return carry2

            ngx = (pe - ptr + _LANES - 1) // _LANES
            lax.fori_loop(0, ngx, group_body, jnp.int32(0))
            return pe

        lax.fori_loop(0, _NCHUNKS, chunk_body, ptr0)
        pltpu.make_async_copy(
            tt_hbm.at[:, pl.ds(window(_NCHUNKS - 1), _CHUNK_C)],
            blk_v.at[lax.rem(jnp.int32(_NCHUNKS), 2)], sem
        ).wait()

    return gather_k


def _mlp_body(seq_ref, emb_ref, tidx_ref, mrows_ref, w0s_ref, w0e_ref,
              s0_ref, t0_ref, w1_ref, s1_ref, t1_ref, wh_ref, bh_ref,
              out_ref):
    h = lax.dot_general(seq_ref[...], w0s_ref[...],
                        (((0,), (0,)), ((), ())),
                        preferred_element_type=jnp.float32)
    tidx = tidx_ref[...]
    tail = tidx >= _TAIL_BASE
    onehot = jnp.where(
        (tidx - _TAIL_BASE) == lax.broadcasted_iota(
            jnp.int32, (emb_ref.shape[0], EMB_DIM), 1),
        1.0, 0.0)
    emb_tail = jnp.dot(onehot, mrows_ref[...], preferred_element_type=jnp.float32)
    emb = jnp.where(tail, emb_tail, emb_ref[...])
    h = h + jnp.dot(emb, w0e_ref[...], preferred_element_type=jnp.float32)
    h = h * s0_ref[...] + t0_ref[...]
    h = jnp.maximum(h, 0.0)
    h = jnp.dot(h, w1_ref[...], preferred_element_type=jnp.float32)
    h = h * s1_ref[...] + t1_ref[...]
    h = jnp.maximum(h, 0.0)
    o = jnp.dot(h, wh_ref[...], preferred_element_type=jnp.float32) + bh_ref[...]
    col = lax.broadcasted_iota(jnp.int32, o.shape, 1)
    elu1 = jnp.where(o > 0, o, jnp.exp(jnp.minimum(o, 0.0)) - 1.0) + (1.0 + 1e-7)
    out_ref[...] = jnp.where((col >= 40) & (col < 80), elu1, o)


def kernel(sequence_input, task_input, table, W0, b0, gamma0, beta0, mm0, mv0,
           W1, b1, gamma1, beta1, mm1, mv1, Wmu, bmu, Wsig, bsig, Wpi, bpi):
    seq_t = jnp.transpose(jnp.reshape(sequence_input, (B, SEQ_FEAT)))
    tt = jnp.transpose(table)
    mrows = table[_TAIL_BASE:]

    sidx, spos = lax.sort((task_input, lax.iota(jnp.int32, B)), num_keys=1)
    bounds = jnp.concatenate([
        jnp.asarray(_T0 * _TILE_C, jnp.int32),
        jnp.asarray(_C0.reshape(-1) + _CHUNK_C, jnp.int32),
    ])
    ptrs = jnp.searchsorted(sidx, bounds, side="left").astype(jnp.int32)
    ptrs = jnp.concatenate([ptrs, jnp.zeros((_PTR_PAD,), jnp.int32)])

    emb1d = _gather_fn()(tt, sidx, spos, ptrs)
    emb = jnp.reshape(emb1d[:B * EMB_DIM], (B, EMB_DIM))

    s0 = gamma0 / jnp.sqrt(mv0 + 1e-3)
    t0 = (b0 - mm0) * s0 + beta0
    s1 = gamma1 / jnp.sqrt(mv1 + 1e-3)
    t1 = (b1 - mm1) * s1 + beta1
    wh = jnp.concatenate([Wmu, Wsig, Wpi], axis=1)
    bh = jnp.concatenate([bmu, bsig, bpi], axis=0)

    tile = 1024
    grid = (B // tile,)
    out = pl.pallas_call(
        _mlp_body,
        grid=grid,
        in_specs=[
            pl.BlockSpec((SEQ_FEAT, tile), lambda i: (0, i)),
            pl.BlockSpec((tile, EMB_DIM), lambda i: (i, 0)),
            pl.BlockSpec((tile, 1), lambda i: (i, 0)),
            pl.BlockSpec((EMB_DIM, EMB_DIM), lambda i: (0, 0)),
            pl.BlockSpec((SEQ_FEAT, H0), lambda i: (0, 0)),
            pl.BlockSpec((EMB_DIM, H0), lambda i: (0, 0)),
            pl.BlockSpec((1, H0), lambda i: (0, 0)),
            pl.BlockSpec((1, H0), lambda i: (0, 0)),
            pl.BlockSpec((H0, H1), lambda i: (0, 0)),
            pl.BlockSpec((1, H1), lambda i: (0, 0)),
            pl.BlockSpec((1, H1), lambda i: (0, 0)),
            pl.BlockSpec((H1, OUT_W), lambda i: (0, 0)),
            pl.BlockSpec((1, OUT_W), lambda i: (0, 0)),
        ],
        out_specs=pl.BlockSpec((tile, OUT_W), lambda i: (i, 0)),
        out_shape=jax.ShapeDtypeStruct((B, OUT_W), jnp.float32),
    )(
        seq_t, emb, task_input[:, None], mrows,
        W0[:SEQ_FEAT], W0[SEQ_FEAT:],
        s0[None, :], t0[None, :],
        W1, s1[None, :], t1[None, :],
        wh, bh[None, :],
    )
    return out

# --- scband reference (transcript-rebuilt; emitter-appended) ---
"""Pipeline reference for scband-multi-task-mdnmodel-59639915872296 (READ-ONLY COPY).

The authoritative reference and input builder live on the scoring server;
editing this copy changes nothing except your own understanding.
"""

import jax, jax.numpy as jnp
import numpy as np

NUM_TASKS = 1000000
EMB_DIM = 64
HIDDEN = [256, 128]
OUT_DIM = 8
NUM_MIX = 5
B = 16384
SEQ = 20
FEAT = 16
COMBINED = SEQ * FEAT + EMB_DIM


def setup_inputs(seed: int = 0) -> dict:
    key = jax.random.key(seed)
    ks = jax.random.split(key, 24)
    inp = {}
    inp["sequence_input"] = jax.random.normal(ks[0], (B, SEQ, FEAT), dtype=jnp.float32)
    inp["task_input"] = jax.random.randint(ks[1], (B,), 0, NUM_TASKS, dtype=jnp.int32)
    # learned parameters
    inp["table"] = jax.random.normal(ks[2], (NUM_TASKS, EMB_DIM), dtype=jnp.float32) * 0.02
    inp["W0"] = jax.random.normal(ks[3], (COMBINED, HIDDEN[0]), dtype=jnp.float32) * (1.0 / np.sqrt(COMBINED))
    inp["b0"] = jnp.zeros((HIDDEN[0],), dtype=jnp.float32)
    inp["gamma0"] = jnp.ones((HIDDEN[0],), dtype=jnp.float32)
    inp["beta0"] = jnp.zeros((HIDDEN[0],), dtype=jnp.float32)
    inp["mm0"] = jnp.zeros((HIDDEN[0],), dtype=jnp.float32)
    inp["mv0"] = jnp.ones((HIDDEN[0],), dtype=jnp.float32)
    inp["W1"] = jax.random.normal(ks[4], (HIDDEN[0], HIDDEN[1]), dtype=jnp.float32) * (1.0 / np.sqrt(HIDDEN[0]))
    inp["b1"] = jnp.zeros((HIDDEN[1],), dtype=jnp.float32)
    inp["gamma1"] = jnp.ones((HIDDEN[1],), dtype=jnp.float32)
    inp["beta1"] = jnp.zeros((HIDDEN[1],), dtype=jnp.float32)
    inp["mm1"] = jnp.zeros((HIDDEN[1],), dtype=jnp.float32)
    inp["mv1"] = jnp.ones((HIDDEN[1],), dtype=jnp.float32)
    inp["Wmu"] = jax.random.normal(ks[5], (HIDDEN[1], NUM_MIX * OUT_DIM), dtype=jnp.float32) * (1.0 / np.sqrt(HIDDEN[1]))
    inp["bmu"] = jnp.zeros((NUM_MIX * OUT_DIM,), dtype=jnp.float32)
    inp["Wsig"] = jax.random.normal(ks[6], (HIDDEN[1], NUM_MIX * OUT_DIM), dtype=jnp.float32) * (1.0 / np.sqrt(HIDDEN[1]))
    inp["bsig"] = jnp.zeros((NUM_MIX * OUT_DIM,), dtype=jnp.float32)
    inp["Wpi"] = jax.random.normal(ks[7], (HIDDEN[1], NUM_MIX), dtype=jnp.float32) * (1.0 / np.sqrt(HIDDEN[1]))
    inp["bpi"] = jnp.zeros((NUM_MIX,), dtype=jnp.float32)
    return inp


def _elu_plus_one(x):
    return jax.nn.elu(x) + 1.0 + 1e-07


def reference(sequence_input, task_input, table, W0, b0, gamma0, beta0, mm0, mv0, W1, b1, gamma1, beta1, mm1, mv1, Wmu, bmu, Wsig, bsig, Wpi, bpi):
    batch_size = sequence_input.shape[0]
    # flatten sequence
    sequence_flat = jnp.reshape(sequence_input, (batch_size, -1))
    # task embedding lookup (SparseCore gather)
    task_emb = jnp.take(table, task_input, axis=0)
    combined = jnp.concatenate([sequence_flat, task_emb], axis=-1)
    # MDN model: hidden dense -> batchnorm (inference) -> relu (dropout is identity at inference)
    h = combined @ W0 + b0
    h = gamma0 * (h - mm0) / jnp.sqrt(mv0 + 1e-3) + beta0
    h = jax.nn.relu(h)
    h = h @ W1 + b1
    h = gamma1 * (h - mm1) / jnp.sqrt(mv1 + 1e-3) + beta1
    h = jax.nn.relu(h)
    # MDN output layer: [mus, sigmas, pi_logits]
    mus = h @ Wmu + bmu
    sigmas = _elu_plus_one(h @ Wsig + bsig)
    pis = h @ Wpi + bpi
    return jnp.concatenate([mus, sigmas, pis], axis=-1)

if __name__ == "__main__":
    import jax
    _d = setup_inputs()
    print(jax.jit(kernel)(*tuple(_d.values())))

</pallas_src>

<mosaic_0001>
#map = affine_map<(d0, d1) -> (0, 0)>
#map1 = affine_map<(d0, d1) -> (0)>
module attributes {stable_mosaic.version = 14 : i64} {
  func.func @gather_k(%arg0: i32, %arg1: i32, %arg2: memref<64x1000000xf32, #tpu.memory_space<hbm>>, %arg3: memref<16384xi32, #tpu.memory_space<hbm>>, %arg4: memref<16384xi32, #tpu.memory_space<hbm>>, %arg5: memref<1616xi32, #tpu.memory_space<hbm>>, %arg6: memref<1081344xf32, #tpu.memory_space<hbm>>, %arg7: memref<16384xi32, #tpu.memory_space<vmem>>, %arg8: memref<16384xi32, #tpu.memory_space<vmem>>, %arg9: memref<1616xi32, #tpu.memory_space<vmem>>, %arg10: memref<2x64x640xf32, #tpu.memory_space<vmem>>, %arg11: memref<16x64xf32, #tpu.memory_space<vmem>>, %arg12: memref<!tpu.dma_semaphore, #tpu.memory_space<semaphore_mem>>, %arg13: memref<!tpu.dma_semaphore, #tpu.memory_space<semaphore_mem>>) attributes {dimension_semantics = [#tpu.dimension_semantics<core_parallel>, #tpu.dimension_semantics<subcore_parallel>], iteration_bounds = array<i64: 2, 16>, scalar_prefetch = 0 : i64, scratch_operands = 7 : i64, tpu.core_type = #tpu.core_type<sc_vector_subcore>, window_params = [{transform_indices = #map}, {transform_indices = #map1}, {transform_indices = #map1}, {transform_indices = #map1}, {transform_indices = #map1}]} {
    %mul3A = arith.constant 2 : i32
    %mul3A_0 = arith.muli %arg1, %mul3A : i32
    %add3A = arith.addi %mul3A_0, %arg0 : i32
    "tpu.region"() ({
      %run_scoped3A = tpu.sem_alloc : memref<!tpu.dma_semaphore, #tpu.memory_space<semaphore_mem>>
      tpu.enqueue_dma source(%arg3 : memref<16384xi32, #tpu.memory_space<hbm>>) target(%arg7 : memref<16384xi32, #tpu.memory_space<vmem>>) target_semaphore(%run_scoped3A : memref<!tpu.dma_semaphore, #tpu.memory_space<semaphore_mem>>)
      tpu.wait_dma2 semaphore(%run_scoped3A : memref<!tpu.dma_semaphore, #tpu.memory_space<semaphore_mem>>) src(%arg3 : memref<16384xi32, #tpu.memory_space<hbm>>) dst(%arg7 : memref<16384xi32, #tpu.memory_space<vmem>>)
      tpu.yield
    }) : () -> ()
    "tpu.region"() ({
      %run_scoped3A = tpu.sem_alloc : memref<!tpu.dma_semaphore, #tpu.memory_space<semaphore_mem>>
      tpu.enqueue_dma source(%arg4 : memref<16384xi32, #tpu.memory_space<hbm>>) target(%arg8 : memref<16384xi32, #tpu.memory_space<vmem>>) target_semaphore(%run_scoped3A : memref<!tpu.dma_semaphore, #tpu.memory_space<semaphore_mem>>)
      tpu.wait_dma2 semaphore(%run_scoped3A : memref<!tpu.dma_semaphore, #tpu.memory_space<semaphore_mem>>) src(%arg4 : memref<16384xi32, #tpu.memory_space<hbm>>) dst(%arg8 : memref<16384xi32, #tpu.memory_space<vmem>>)
      tpu.yield
    }) : () -> ()
    "tpu.region"() ({
      %run_scoped3A = tpu.sem_alloc : memref<!tpu.dma_semaphore, #tpu.memory_space<semaphore_mem>>
      tpu.enqueue_dma source(%arg5 : memref<1616xi32, #tpu.memory_space<hbm>>) target(%arg9 : memref<1616xi32, #tpu.memory_space<vmem>>) target_semaphore(%run_scoped3A : memref<!tpu.dma_semaphore, #tpu.memory_space<semaphore_mem>>)
      tpu.wait_dma2 semaphore(%run_scoped3A : memref<!tpu.dma_semaphore, #tpu.memory_space<semaphore_mem>>) src(%arg5 : memref<1616xi32, #tpu.memory_space<hbm>>) dst(%arg9 : memref<1616xi32, #tpu.memory_space<vmem>>)
      tpu.yield
    }) : () -> ()
    %mul3A_1 = arith.constant 245 : i32
    %mul3A_2 = arith.muli %add3A, %mul3A_1 : i32
    %min3A = arith.constant 7567 : i32
    %min3A_3 = arith.minsi %mul3A_2, %min3A : i32
    %iota3A = tpu.iota {dimensions = array<i32: 0>} : vector<16xi32>
    %get3A = arith.index_cast %add3A : i32 to index
    %get3A_4 = tpu.vector_load %arg9[%get3A] {strides = array<i32>} : memref<1616xi32, #tpu.memory_space<vmem>>, vector<16xi32>,
    %slice3A = vector.extract_strided_slice %get3A_4 {offsets = [0], sizes = [1], strides = [1]} : vector<16xi32> to vector<1xi32>
    %squeeze3A = vector.extract %slice3A[0] : i32 from vector<1xi32>
    %min3A_5 = arith.constant 0 : i32
    %min3A_6 = arith.constant 240 : i32
    %min3A_7 = arith.minsi %min3A_5, %min3A_6 : i32
    %add3A_8 = arith.addi %min3A_3, %min3A_7 : i32
    %mul3A_9 = arith.constant 128 : i32
    %mul3A_10 = arith.muli %add3A_8, %mul3A_9 : i32
    %multiple_of3A = tpu.assume_multiple %mul3A_10, 128 : i32
    %dma_start3A = arith.constant 0 : i32
    %dma_start3A_11 = arith.constant 0 : i32
    %dma_start3A_12 = arith.constant 0 : i32
    %dma_start3A_13 = tpu.memref_slice %arg10[%dma_start3A, %dma_start3A_11, %dma_start3A_12] : memref<2x64x640xf32, #tpu.memory_space<vmem>> -> memref<1x64x640xf32, #tpu.memory_space<vmem>>
    %dma_start3A_14 = tpu.memref_squeeze %dma_start3A_13 : memref<1x64x640xf32, #tpu.memory_space<vmem>> -> memref<64x640xf32, #tpu.memory_space<vmem>>
    %dma_start3A_15 = arith.constant 0 : i32
    %dma_start3A_16 = tpu.memref_slice %arg2[%dma_start3A_15, %multiple_of3A] : memref<64x1000000xf32, #tpu.memory_space<hbm>> -> memref<64x640xf32, #tpu.memory_space<hbm>>
    %dma_start3A_17 = arith.constant 0 : i32
    %dma_start3A_18 = arith.constant 0 : i32
    %dma_start3A_19 = tpu.memref_slice %arg10[%dma_start3A, %dma_start3A_17, %dma_start3A_18] : memref<2x64x640xf32, #tpu.memory_space<vmem>> -> memref<1x64x640xf32, #tpu.memory_space<vmem>>
    %dma_start3A_20 = tpu.memref_squeeze %dma_start3A_19 : memref<1x64x640xf32, #tpu.memory_space<vmem>> -> memref<64x640xf32, #tpu.memory_space<vmem>>
    %dma_start3A_21 = arith.constant 0 : i32
    %dma_start3A_22 = tpu.memref_slice %arg2[%dma_start3A_21, %multiple_of3A] : memref<64x1000000xf32, #tpu.memory_space<hbm>> -> memref<64x640xf32, #tpu.memory_space<hbm>>
    tpu.enqueue_dma source(%dma_start3A_22 : memref<64x640xf32, #tpu.memory_space<hbm>>) target(%dma_start3A_20 : memref<64x640xf32, #tpu.memory_space<vmem>>) target_semaphore(%arg12 : memref<!tpu.dma_semaphore, #tpu.memory_space<semaphore_mem>>)
    %scan3A = arith.constant 0 : i32
    %scan3A_23 = arith.constant 49 : i32
    %scan3A_24 = arith.addi %scan3A, %scan3A_23 : i32
    %scan3A_25 = arith.constant 1 : i32
    %scan3A_26 = scf.for %scan3A_48 = %scan3A to %scan3A_24 step %scan3A_25 iter_args(%scan3A_49 = %squeeze3A) -> (i32)  : i32 {
      %rem3A_50 = arith.constant 2 : i32
      %rem3A_51 = arith.remsi %scan3A_48, %rem3A_50 : i32
      %mul3A_52 = arith.constant 5 : i32
      %mul3A_53 = arith.muli %scan3A_48, %mul3A_52 : i32
      %min3A_54 = arith.constant 240 : i32
      %min3A_55 = arith.minsi %mul3A_53, %min3A_54 : i32
      %add3A_56 = arith.addi %min3A_3, %min3A_55 : i32
      %mul3A_57 = arith.constant 128 : i32
      %mul3A_58 = arith.muli %add3A_56, %mul3A_57 : i32
      %multiple_of3A_59 = tpu.assume_multiple %mul3A_58, 128 : i32
      %dma_wait3A_60 = arith.constant 0 : i32
      %dma_wait3A_61 = arith.constant 0 : i32
      %dma_wait3A_62 = tpu.memref_slice %arg10[%rem3A_51, %dma_wait3A_60, %dma_wait3A_61] : memref<2x64x640xf32, #tpu.memory_space<vmem>> -> memref<1x64x640xf32, #tpu.memory_space<vmem>>
      %dma_wait3A_63 = tpu.memref_squeeze %dma_wait3A_62 : memref<1x64x640xf32, #tpu.memory_space<vmem>> -> memref<64x640xf32, #tpu.memory_space<vmem>>
      %dma_wait3A_64 = arith.constant 0 : i32
      %dma_wait3A_65 = tpu.memref_slice %arg2[%dma_wait3A_64, %multiple_of3A_59] : memref<64x1000000xf32, #tpu.memory_space<hbm>> -> memref<64x640xf32, #tpu.memory_space<hbm>>
      %dma_wait3A_66 = arith.constant 0 : i32
      %dma_wait3A_67 = arith.constant 0 : i32
      %dma_wait3A_68 = tpu.memref_slice %arg10[%rem3A_51, %dma_wait3A_66, %dma_wait3A_67] : memref<2x64x640xf32, #tpu.memory_space<vmem>> -> memref<1x64x640xf32, #tpu.memory_space<vmem>>
      %dma_wait3A_69 = tpu.memref_squeeze %dma_wait3A_68 : memref<1x64x640xf32, #tpu.memory_space<vmem>> -> memref<64x640xf32, #tpu.memory_space<vmem>>
      %dma_wait3A_70 = arith.constant 0 : i32
      %dma_wait3A_71 = tpu.memref_slice %arg2[%dma_wait3A_70, %multiple_of3A_59] : memref<64x1000000xf32, #tpu.memory_space<hbm>> -> memref<64x640xf32, #tpu.memory_space<hbm>>
      tpu.wait_dma2 semaphore(%arg12 : memref<!tpu.dma_semaphore, #tpu.memory_space<semaphore_mem>>) src(%dma_wait3A_71 : memref<64x640xf32, #tpu.memory_space<hbm>>) dst(%dma_wait3A_69 : memref<64x640xf32, #tpu.memory_space<vmem>>)
      %add3A_72 = arith.constant 1 : i32
      %add3A_73 = arith.addi %scan3A_48, %add3A_72 : i32
      %min3A_74 = arith.constant 48 : i32
      %min3A_75 = arith.minsi %add3A_73, %min3A_74 : i32
      %mul3A_76 = arith.constant 5 : i32
      %mul3A_77 = arith.muli %min3A_75, %mul3A_76 : i32
      %min3A_78 = arith.constant 240 : i32
      %min3A_79 = arith.minsi %mul3A_77, %min3A_78 : i32
      %add3A_80 = arith.addi %min3A_3, %min3A_79 : i32
      %mul3A_81 = arith.constant 128 : i32
      %mul3A_82 = arith.muli %add3A_80, %mul3A_81 : i32
      %multiple_of3A_83 = tpu.assume_multiple %mul3A_82, 128 : i32
      %add3A_84 = arith.constant 1 : i32
      %add3A_85 = arith.addi %scan3A_48, %add3A_84 : i32
      %rem3A_86 = arith.constant 2 : i32
      %rem3A_87 = arith.remsi %add3A_85, %rem3A_86 : i32
      %dma_start3A_88 = arith.constant 0 : i32
      %dma_start3A_89 = arith.constant 0 : i32
      %dma_start3A_90 = tpu.memref_slice %arg10[%rem3A_87, %dma_start3A_88, %dma_start3A_89] : memref<2x64x640xf32, #tpu.memory_space<vmem>> -> memref<1x64x640xf32, #tpu.memory_space<vmem>>
      %dma_start3A_91 = tpu.memref_squeeze %dma_start3A_90 : memref<1x64x640xf32, #tpu.memory_space<vmem>> -> memref<64x640xf32, #tpu.memory_space<vmem>>
      %dma_start3A_92 = arith.constant 0 : i32
      %dma_start3A_93 = tpu.memref_slice %arg2[%dma_start3A_92, %multiple_of3A_83] : memref<64x1000000xf32, #tpu.memory_space<hbm>> -> memref<64x640xf32, #tpu.memory_space<hbm>>
      %dma_start3A_94 = arith.constant 0 : i32
      %dma_start3A_95 = arith.constant 0 : i32
      %dma_start3A_96 = tpu.memref_slice %arg10[%rem3A_87, %dma_start3A_94, %dma_start3A_95] : memref<2x64x640xf32, #tpu.memory_space<vmem>> -> memref<1x64x640xf32, #tpu.memory_space<vmem>>
      %dma_start3A_97 = tpu.memref_squeeze %dma_start3A_96 : memref<1x64x640xf32, #tpu.memory_space<vmem>> -> memref<64x640xf32, #tpu.memory_space<vmem>>
      %dma_start3A_98 = arith.constant 0 : i32
      %dma_start3A_99 = tpu.memref_slice %arg2[%dma_start3A_98, %multiple_of3A_83] : memref<64x1000000xf32, #tpu.memory_space<hbm>> -> memref<64x640xf32, #tpu.memory_space<hbm>>
      tpu.enqueue_dma source(%dma_start3A_99 : memref<64x640xf32, #tpu.memory_space<hbm>>) target(%dma_start3A_97 : memref<64x640xf32, #tpu.memory_space<vmem>>) target_semaphore(%arg12 : memref<!tpu.dma_semaphore, #tpu.memory_space<semaphore_mem>>)
      %mul3A_100 = arith.constant 49 : i32
      %mul3A_101 = arith.muli %add3A, %mul3A_100 : i32
      %add3A_102 = arith.constant 32 : i32
      %add3A_103 = arith.addi %add3A_102, %mul3A_101 : i32
      %add3A_104 = arith.addi %add3A_103, %scan3A_48 : i32
      %get3A_105 = arith.index_cast %add3A_104 : i32 to index
      %get3A_106 = tpu.vector_load %arg9[%get3A_105] {strides = array<i32>} : memref<1616xi32, #tpu.memory_space<vmem>>, vector<16xi32>,
      %slice3A_107 = vector.extract_strided_slice %get3A_106 {offsets = [0], sizes = [1], strides = [1]} : vector<16xi32> to vector<1xi32>
      %squeeze3A_108 = vector.extract %slice3A_107[0] : i32 from vector<1xi32>
      %sub3A = arith.subi %squeeze3A_108, %scan3A_49 : i32
      %add3A_109 = arith.constant 16 : i32
      %add3A_110 = arith.addi %sub3A, %add3A_109 : i32
      %sub3A_111 = arith.constant 1 : i32
      %sub3A_112 = arith.subi %add3A_110, %sub3A_111 : i32
      %jit3A = arith.constant 16 : i32
      %div3A = arith.divsi %sub3A_112, %jit3A : i32
      %sign3A = arith.constant 0 : i32
      %sign3A_113 = arith.cmpi sgt, %sub3A_112, %sign3A : i32
      %sign3A_114 = arith.extui %sign3A_113 : i1 to i32
      %sign3A_115 = arith.constant 0 : i32
      %sign3A_116 = arith.cmpi slt, %sub3A_112, %sign3A_115 : i32
      %sign3A_117 = arith.extui %sign3A_116 : i1 to i32
      %sign3A_118 = arith.subi %sign3A_114, %sign3A_117 : i32
      %sign3A_119 = arith.constant 0 : i32
      %sign3A_120 = arith.cmpi sgt, %jit3A, %sign3A_119 : i32
      %sign3A_121 = arith.extui %sign3A_120 : i1 to i32
      %sign3A_122 = arith.constant 0 : i32
      %sign3A_123 = arith.cmpi slt, %jit3A, %sign3A_122 : i32
      %sign3A_124 = arith.extui %sign3A_123 : i1 to i32
      %sign3A_125 = arith.subi %sign3A_121, %sign3A_124 : i32
      %ne3A = arith.cmpi ne, %sign3A_118, %sign3A_125 : i32
      %rem3A_126 = arith.remsi %sub3A_112, %jit3A : i32
      %ne3A_127 = arith.constant 0 : i32
      %ne3A_128 = arith.cmpi ne, %rem3A_126, %ne3A_127 : i32
      %and3A = arith.andi %ne3A, %ne3A_128 : i1
      %sub3A_129 = arith.constant 1 : i32
      %sub3A_130 = arith.subi %div3A, %sub3A_129 : i32
      %select_n3A = arith.select %and3A, %sub3A_130, %div3A : i32
      %while3A = arith.constant 0 : i32
      %while3A_131 = arith.constant 0 : i32
      %while3A_132 = arith.subi %select_n3A, %while3A_131 : i32
      %while3A_133 = arith.addi %while3A_131, %while3A_132 : i32
      %while3A_134 = arith.constant 1 : i32
      %while3A_135 = arith.divsi %while3A_132, %while3A_134 : i32
      %while3A_136 = arith.muli %while3A_135, %while3A_134 : i32
      %while3A_137 = arith.addi %while3A_131, %while3A_136 : i32
      %while3A_138 = arith.constant 1 : i32
      scf.for %while3A_140 = %while3A_131 to %while3A_137 step %while3A_138  : i32 {
        %mul3A_141 = arith.constant 16 : i32
        %mul3A_142 = arith.muli %while3A_140, %mul3A_141 : i32
        %add3A_143 = arith.addi %scan3A_49, %mul3A_142 : i32
        %sub3A_144 = arith.subi %squeeze3A_108, %add3A_143 : i32
        %lt3A = vector.broadcast %sub3A_144 : i32 to vector<16xi32>
        %lt3A_145 = arith.cmpi slt, %iota3A, %lt3A : vector<16xi32>
        %get3A_146 = arith.index_cast %add3A_143 : i32 to index
        %get3A_147 = tpu.vector_load %arg7[%get3A_146] {strides = array<i32>} : memref<16384xi32, #tpu.memory_space<vmem>>, vector<16xi32>,
        %get3A_148 = arith.index_cast %add3A_143 : i32 to index
        %get3A_149 = tpu.vector_load %arg8[%get3A_148] {strides = array<i32>} : memref<16384xi32, #tpu.memory_space<vmem>>, vector<16xi32>,
        %sub3A_150 = vector.broadcast %multiple_of3A_59 : i32 to vector<16xi32>
        %sub3A_151 = arith.subi %get3A_147, %sub3A_150 : vector<16xi32>
        %jit3A_152 = arith.constant 0 : i32
        %broadcast_in_dim3A = vector.broadcast %jit3A_152 : i32 to vector<16xi32>
        %select_n3A_153 = arith.select %lt3A_145, %sub3A_151, %broadcast_in_dim3A : vector<16xi1>, vector<16xi32>
        %broadcast_in_dim3A_154 = vector.broadcast %rem3A_51 : i32 to vector<16xi32>
        %broadcast_in_dim3A_155 = arith.constant 0 : i32
        %broadcast_in_dim3A_156 = vector.broadcast %broadcast_in_dim3A_155 : i32 to vector<16xi32>
        %gather3A = tpu.vector_load_idx %arg10[%broadcast_in_dim3A_154, %broadcast_in_dim3A_156, %select_n3A_153] : memref<2x64x640xf32, #tpu.memory_space<vmem>>[vector<16xi32>, vector<16xi32>, vector<16xi32>], vector<16xf32>,
        tpu.vector_store_idx %arg11[%iota3A, %broadcast_in_dim3A_156], %gather3A : memref<16x64xf32, #tpu.memory_space<vmem>>[vector<16xi32>, vector<16xi32>], vector<16xf32>,
        %broadcast_in_dim3A_157 = arith.constant 1 : i32
        %broadcast_in_dim3A_158 = vector.broadcast %broadcast_in_dim3A_157 : i32 to vector<16xi32>
        %gather3A_159 = tpu.vector_load_idx %arg10[%broadcast_in_dim3A_154, %broadcast_in_dim3A_158, %select_n3A_153] : memref<2x64x640xf32, #tpu.memory_space<vmem>>[vector<16xi32>, vector<16xi32>, vector<16xi32>], vector<16xf32>,
        tpu.vector_store_idx %arg11[%iota3A, %broadcast_in_dim3A_158], %gather3A_159 : memref<16x64xf32, #tpu.memory_space<vmem>>[vector<16xi32>, vector<16xi32>], vector<16xf32>,
        %broadcast_in_dim3A_160 = arith.constant 2 : i32
        %broadcast_in_dim3A_161 = vector.broadcast %broadcast_in_dim3A_160 : i32 to vector<16xi32>
        %gather3A_162 = tpu.vector_load_idx %arg10[%broadcast_in_dim3A_154, %broadcast_in_dim3A_161, %select_n3A_153] : memref<2x64x640xf32, #tpu.memory_space<vmem>>[vector<16xi32>, vector<16xi32>, vector<16xi32>], vector<16xf32>,
        tpu.vector_store_idx %arg11[%iota3A, %broadcast_in_dim3A_161], %gather3A_162 : memref<16x64xf32, #tpu.memory_space<vmem>>[vector<16xi32>, vector<16xi32>], vector<16xf32>,
        %broadcast_in_dim3A_163 = arith.constant 3 : i32
        %broadcast_in_dim3A_164 = vector.broadcast %broadcast_in_dim3A_163 : i32 to vector<16xi32>
        %gather3A_165 = tpu.vector_load_idx %arg10[%broadcast_in_dim3A_154, %broadcast_in_dim3A_164, %select_n3A_153] : memref<2x64x640xf32, #tpu.memory_space<vmem>>[vector<16xi32>, vector<16xi32>, vector<16xi32>], vector<16xf32>,
        tpu.vector_store_idx %arg11[%iota3A, %broadcast_in_dim3A_164], %gather3A_165 : memref<16x64xf32, #tpu.memory_space<vmem>>[vector<16xi32>, vector<16xi32>], vector<16xf32>,
        %broadcast_in_dim3A_166 = arith.constant 4 : i32
        %broadcast_in_dim3A_167 = vector.broadcast %broadcast_in_dim3A_166 : i32 to vector<16xi32>
        %gather3A_168 = tpu.vector_load_idx %arg10[%broadcast_in_dim3A_154, %broadcast_in_dim3A_167, %select_n3A_153] : memref<2x64x640xf32, #tpu.memory_space<vmem>>[vector<16xi32>, vector<16xi32>, vector<16xi32>], vector<16xf32>,
        tpu.vector_store_idx %arg11[%iota3A, %broadcast_in_dim3A_167], %gather3A_168 : memref<16x64xf32, #tpu.memory_space<vmem>>[vector<16xi32>, vector<16xi32>], vector<16xf32>,
        %broadcast_in_dim3A_169 = arith.constant 5 : i32
        %broadcast_in_dim3A_170 = vector.broadcast %broadcast_in_dim3A_169 : i32 to vector<16xi32>
        %gather3A_171 = tpu.vector_load_idx %arg10[%broadcast_in_dim3A_154, %broadcast_in_dim3A_170, %select_n3A_153] : memref<2x64x640xf32, #tpu.memory_space<vmem>>[vector<16xi32>, vector<16xi32>, vector<16xi32>], vector<16xf32>,
        tpu.vector_store_idx %arg11[%iota3A, %broadcast_in_dim3A_170], %gather3A_171 : memref<16x64xf32, #tpu.memory_space<vmem>>[vector<16xi32>, vector<16xi32>], vector<16xf32>,
        %broadcast_in_dim3A_172 = arith.constant 6 : i32
        %broadcast_in_dim3A_173 = vector.broadcast %broadcast_in_dim3A_172 : i32 to vector<16xi32>
        %gather3A_174 = tpu.vector_load_idx %arg10[%broadcast_in_dim3A_154, %broadcast_in_dim3A_173, %select_n3A_153] : memref<2x64x640xf32, #tpu.memory_space<vmem>>[vector<16xi32>, vector<16xi32>, vector<16xi32>], vector<16xf32>,
        tpu.vector_store_idx %arg11[%iota3A, %broadcast_in_dim3A_173], %gather3A_174 : memref<16x64xf32, #tpu.memory_space<vmem>>[vector<16xi32>, vector<16xi32>], vector<16xf32>,
        %broadcast_in_dim3A_175 = arith.constant 7 : i32
        %broadcast_in_dim3A_176 = vector.broadcast %broadcast_in_dim3A_175 : i32 to vector<16xi32>
        %gather3A_177 = tpu.vector_load_idx %arg10[%broadcast_in_dim3A_154, %broadcast_in_dim3A_176, %select_n3A_153] : memref<2x64x640xf32, #tpu.memory_space<vmem>>[vector<16xi32>, vector<16xi32>, vector<16xi32>], vector<16xf32>,
        tpu.vector_store_idx %arg11[%iota3A, %broadcast_in_dim3A_176], %gather3A_177 : memref<16x64xf32, #tpu.memory_space<vmem>>[vector<16xi32>, vector<16xi32>], vector<16xf32>,
        %broadcast_in_dim3A_178 = arith.constant 8 : i32
        %broadcast_in_dim3A_179 = vector.broadcast %broadcast_in_dim3A_178 : i32 to vector<16xi32>
        %gather3A_180 = tpu.vector_load_idx %arg10[%broadcast_in_dim3A_154, %broadcast_in_dim3A_179, %select_n3A_153] : memref<2x64x640xf32, #tpu.memory_space<vmem>>[vector<16xi32>, vector<16xi32>, vector<16xi32>], vector<16xf32>,
        tpu.vector_store_idx %arg11[%iota3A, %broadcast_in_dim3A_179], %gather3A_180 : memref<16x64xf32, #tpu.memory_space<vmem>>[vector<16xi32>, vector<16xi32>], vector<16xf32>,
        %broadcast_in_dim3A_181 = arith.constant 9 : i32
        %broadcast_in_dim3A_182 = vector.broadcast %broadcast_in_dim3A_181 : i32 to vector<16xi32>
        %gather3A_183 = tpu.vector_load_idx %arg10[%broadcast_in_dim3A_154, %broadcast_in_dim3A_182, %select_n3A_153] : memref<2x64x640xf32, #tpu.memory_space<vmem>>[vector<16xi32>, vector<16xi32>, vector<16xi32>], vector<16xf32>,
        tpu.vector_store_idx %arg11[%iota3A, %broadcast_in_dim3A_182], %gather3A_183 : memref<16x64xf32, #tpu.memory_space<vmem>>[vector<16xi32>, vector<16xi32>], vector<16xf32>,
        %broadcast_in_dim3A_184 = arith.constant 10 : i32
        %broadcast_in_dim3A_185 = vector.broadcast %broadcast_in_dim3A_184 : i32 to vector<16xi32>
        %gather3A_186 = tpu.vector_load_idx %arg10[%broadcast_in_dim3A_154, %broadcast_in_dim3A_185, %select_n3A_153] : memref<2x64x640xf32, #tpu.memory_space<vmem>>[vector<16xi32>, vector<16xi32>, vector<16xi32>], vector<16xf32>,
        tpu.vector_store_idx %arg11[%iota3A, %broadcast_in_dim3A_185], %gather3A_186 : memref<16x64xf32, #tpu.memory_space<vmem>>[vector<16xi32>, vector<16xi32>], vector<16xf32>,
        %broadcast_in_dim3A_187 = arith.constant 11 : i32
        %broadcast_in_dim3A_188 = vector.broadcast %broadcast_in_dim3A_187 : i32 to vector<16xi32>
        %gather3A_189 = tpu.vector_load_idx %arg10[%broadcast_in_dim3A_154, %broadcast_in_dim3A_188, %select_n3A_153] : memref<2x64x640xf32, #tpu.memory_space<vmem>>[vector<16xi32>, vector<16xi32>, vector<16xi32>], vector<16xf32>,
        tpu.vector_store_idx %arg11[%iota3A, %broadcast_in_dim3A_188], %gather3A_189 : memref<16x64xf32, #tpu.memory_space<vmem>>[vector<16xi32>, vector<16xi32>], vector<16xf32>,
        %broadcast_in_dim3A_190 = arith.constant 12 : i32
        %broadcast_in_dim3A_191 = vector.broadcast %broadcast_in_dim3A_190 : i32 to vector<16xi32>
        %gather3A_192 = tpu.vector_load_idx %arg10[%broadcast_in_dim3A_154, %broadcast_in_dim3A_191, %select_n3A_153] : memref<2x64x640xf32, #tpu.memory_space<vmem>>[vector<16xi32>, vector<16xi32>, vector<16xi32>], vector<16xf32>,
        tpu.vector_store_idx %arg11[%iota3A, %broadcast_in_dim3A_191], %gather3A_192 : memref<16x64xf32, #tpu.memory_space<vmem>>[vector<16xi32>, vector<16xi32>], vector<16xf32>,
        %broadcast_in_dim3A_193 = arith.constant 13 : i32
        %broadcast_in_dim3A_194 = vector.broadcast %broadcast_in_dim3A_193 : i32 to vector<16xi32>
        %gather3A_195 = tpu.vector_load_idx %arg10[%broadcast_in_dim3A_154, %broadcast_in_dim3A_194, %select_n3A_153] : memref<2x64x640xf32, #tpu.memory_space<vmem>>[vector<16xi32>, vector<16xi32>, vector<16xi32>], vector<16xf32>,
        tpu.vector_store_idx %arg11[%iota3A, %broadcast_in_dim3A_194], %gather3A_195 : memref<16x64xf32, #tpu.memory_space<vmem>>[vector<16xi32>, vector<16xi32>], vector<16xf32>,
        %broadcast_in_dim3A_196 = arith.constant 14 : i32
        %broadcast_in_dim3A_197 = vector.broadcast %broadcast_in_dim3A_196 : i32 to vector<16xi32>
        %gather3A_198 = tpu.vector_load_idx %arg10[%broadcast_in_dim3A_154, %broadcast_in_dim3A_197, %select_n3A_153] : memref<2x64x640xf32, #tpu.memory_space<vmem>>[vector<16xi32>, vector<16xi32>, vector<16xi32>], vector<16xf32>,
        tpu.vector_store_idx %arg11[%iota3A, %broadcast_in_dim3A_197], %gather3A_198 : memref<16x64xf32, #tpu.memory_space<vmem>>[vector<16xi32>, vector<16xi32>], vector<16xf32>,
        %broadcast_in_dim3A_199 = arith.constant 15 : i32
        %broadcast_in_dim3A_200 = vector.broadcast %broadcast_in_dim3A_199 : i32 to vector<16xi32>
        %gather3A_201 = tpu.vector_load_idx %arg10[%broadcast_in_dim3A_154, %broadcast_in_dim3A_200, %select_n3A_153] : memref<2x64x640xf32, #tpu.memory_space<vmem>>[vector<16xi32>, vector<16xi32>, vector<16xi32>], vector<16xf32>,
        tpu.vector_store_idx %arg11[%iota3A, %broadcast_in_dim3A_200], %gather3A_201 : memref<16x64xf32, #tpu.memory_space<vmem>>[vector<16xi32>, vector<16xi32>], vector<16xf32>,
        %broadcast_in_dim3A_202 = arith.constant 16 : i32
        %broadcast_in_dim3A_203 = vector.broadcast %broadcast_in_dim3A_202 : i32 to vector<16xi32>
        %gather3A_204 = tpu.vector_load_idx %arg10[%broadcast_in_dim3A_154, %broadcast_in_dim3A_203, %select_n3A_153] : memref<2x64x640xf32, #tpu.memory_space<vmem>>[vector<16xi32>, vector<16xi32>, vector<16xi32>], vector<16xf32>,
        tpu.vector_store_idx %arg11[%iota3A, %broadcast_in_dim3A_203], %gather3A_204 : memref<16x64xf32, #tpu.memory_space<vmem>>[vector<16xi32>, vector<16xi32>], vector<16xf32>,
        %broadcast_in_dim3A_205 = arith.constant 17 : i32
        %broadcast_in_dim3A_206 = vector.broadcast %broadcast_in_dim3A_205 : i32 to vector<16xi32>
        %gather3A_207 = tpu.vector_load_idx %arg10[%broadcast_in_dim3A_154, %broadcast_in_dim3A_206, %select_n3A_153] : memref<2x64x640xf32, #tpu.memory_space<vmem>>[vector<16xi32>, vector<16xi32>, vector<16xi32>], vector<16xf32>,
        tpu.vector_store_idx %arg11[%iota3A, %broadcast_in_dim3A_206], %gather3A_207 : memref<16x64xf32, #tpu.memory_space<vmem>>[vector<16xi32>, vector<16xi32>], vector<16xf32>,
        %broadcast_in_dim3A_208 = arith.constant 18 : i32
        %broadcast_in_dim3A_209 = vector.broadcast %broadcast_in_dim3A_208 : i32 to vector<16xi32>
        %gather3A_210 = tpu.vector_load_idx %arg10[%broadcast_in_dim3A_154, %broadcast_in_dim3A_209, %select_n3A_153] : memref<2x64x640xf32, #tpu.memory_space<vmem>>[vector<16xi32>, vector<16xi32>, vector<16xi32>], vector<16xf32>,
        tpu.vector_store_idx %arg11[%iota3A, %broadcast_in_dim3A_209], %gather3A_210 : memref<16x64xf32, #tpu.memory_space<vmem>>[vector<16xi32>, vector<16xi32>], vector<16xf32>,
        %broadcast_in_dim3A_211 = arith.constant 19 : i32
        %broadcast_in_dim3A_212 = vector.broadcast %broadcast_in_dim3A_211 : i32 to vector<16xi32>
        %gather3A_213 = tpu.vector_load_idx %arg10[%broadcast_in_dim3A_154, %broadcast_in_dim3A_212, %select_n3A_153] : memref<2x64x640xf32, #tpu.memory_space<vmem>>[vector<16xi32>, vector<16xi32>, vector<16xi32>], vector<16xf32>,
        tpu.vector_store_idx %arg11[%iota3A, %broadcast_in_dim3A_212], %gather3A_213 : memref<16x64xf32, #tpu.memory_space<vmem>>[vector<16xi32>, vector<16xi32>], vector<16xf32>,
        %broadcast_in_dim3A_214 = arith.constant 20 : i32
        %broadcast_in_dim3A_215 = vector.broadcast %broadcast_in_dim3A_214 : i32 to vector<16xi32>
        %gather3A_216 = tpu.vector_load_idx %arg10[%broadcast_in_dim3A_154, %broadcast_in_dim3A_215, %select_n3A_153] : memref<2x64x640xf32, #tpu.memory_space<vmem>>[vector<16xi32>, vector<16xi32>, vector<16xi32>], vector<16xf32>,
        tpu.vector_store_idx %arg11[%iota3A, %broadcast_in_dim3A_215], %gather3A_216 : memref<16x64xf32, #tpu.memory_space<vmem>>[vector<16xi32>, vector<16xi32>], vector<16xf32>,
        %broadcast_in_dim3A_217 = arith.constant 21 : i32
        %broadcast_in_dim3A_218 = vector.broadcast %broadcast_in_dim3A_217 : i32 to vector<16xi32>
        %gather3A_219 = tpu.vector_load_idx %arg10[%broadcast_in_dim3A_154, %broadcast_in_dim3A_218, %select_n3A_153] : memref<2x64x640xf32, #tpu.memory_space<vmem>>[vector<16xi32>, vector<16xi32>, vector<16xi32>], vector<16xf32>,
        tpu.vector_store_idx %arg11[%iota3A, %broadcast_in_dim3A_218], %gather3A_219 : memref<16x64xf32, #tpu.memory_space<vmem>>[vector<16xi32>, vector<16xi32>], vector<16xf32>,
        %broadcast_in_dim3A_220 = arith.constant 22 : i32
        %broadcast_in_dim3A_221 = vector.broadcast %broadcast_in_dim3A_220 : i32 to vector<16xi32>
        %gather3A_222 = tpu.vector_load_idx %arg10[%broadcast_in_dim3A_154, %broadcast_in_dim3A_221, %select_n3A_153] : memref<2x64x640xf32, #tpu.memory_space<vmem>>[vector<16xi32>, vector<16xi32>, vector<16xi32>], vector<16xf32>,
        tpu.vector_store_idx %arg11[%iota3A, %broadcast_in_dim3A_221], %gather3A_222 : memref<16x64xf32, #tpu.memory_space<vmem>>[vector<16xi32>, vector<16xi32>], vector<16xf32>,
        %broadcast_in_dim3A_223 = arith.constant 23 : i32
        %broadcast_in_dim3A_224 = vector.broadcast %broadcast_in_dim3A_223 : i32 to vector<16xi32>
        %gather3A_225 = tpu.vector_load_idx %arg10[%broadcast_in_dim3A_154, %broadcast_in_dim3A_224, %select_n3A_153] : memref<2x64x640xf32, #tpu.memory_space<vmem>>[vector<16xi32>, vector<16xi32>, vector<16xi32>], vector<16xf32>,
        tpu.vector_store_idx %arg11[%iota3A, %broadcast_in_dim3A_224], %gather3A_225 : memref<16x64xf32, #tpu.memory_space<vmem>>[vector<16xi32>, vector<16xi32>], vector<16xf32>,
        %broadcast_in_dim3A_226 = arith.constant 24 : i32
        %broadcast_in_dim3A_227 = vector.broadcast %broadcast_in_dim3A_226 : i32 to vector<16xi32>
        %gather3A_228 = tpu.vector_load_idx %arg10[%broadcast_in_dim3A_154, %broadcast_in_dim3A_227, %select_n3A_153] : memref<2x64x640xf32, #tpu.memory_space<vmem>>[vector<16xi32>, vector<16xi32>, vector<16xi32>], vector<16xf32>,
        tpu.vector_store_idx %arg11[%iota3A, %broadcast_in_dim3A_227], %gather3A_228 : memref<16x64xf32, #tpu.memory_space<vmem>>[vector<16xi32>, vector<16xi32>], vector<16xf32>,
        %broadcast_in_dim3A_229 = arith.constant 25 : i32
        %broadcast_in_dim3A_230 = vector.broadcast %broadcast_in_dim3A_229 : i32 to vector<16xi32>
        %gather3A_231 = tpu.vector_load_idx %arg10[%broadcast_in_dim3A_154, %broadcast_in_dim3A_230, %select_n3A_153] : memref<2x64x640xf32, #tpu.memory_space<vmem>>[vector<16xi32>, vector<16xi32>, vector<16xi32>], vector<16xf32>,
        tpu.vector_store_idx %arg11[%iota3A, %broadcast_in_dim3A_230], %gather3A_231 : memref<16x64xf32, #tpu.memory_space<vmem>>[vector<16xi32>, vector<16xi32>], vector<16xf32>,
        %broadcast_in_dim3A_232 = arith.constant 26 : i32
        %broadcast_in_dim3A_233 = vector.broadcast %broadcast_in_dim3A_232 : i32 to vector<16xi32>
        %gather3A_234 = tpu.vector_load_idx %arg10[%broadcast_in_dim3A_154, %broadcast_in_dim3A_233, %select_n3A_153] : memref<2x64x640xf32, #tpu.memory_space<vmem>>[vector<16xi32>, vector<16xi32>, vector<16xi32>], vector<16xf32>,
        tpu.vector_store_idx %arg11[%iota3A, %broadcast_in_dim3A_233], %gather3A_234 : memref<16x64xf32, #tpu.memory_space<vmem>>[vector<16xi32>, vector<16xi32>], vector<16xf32>,
        %broadcast_in_dim3A_235 = arith.constant 27 : i32
        %broadcast_in_dim3A_236 = vector.broadcast %broadcast_in_dim3A_235 : i32 to vector<16xi32>
        %gather3A_237 = tpu.vector_load_idx %arg10[%broadcast_in_dim3A_154, %broadcast_in_dim3A_236, %select_n3A_153] : memref<2x64x640xf32, #tpu.memory_space<vmem>>[vector<16xi32>, vector<16xi32>, vector<16xi32>], vector<16xf32>,
        tpu.vector_store_idx %arg11[%iota3A, %broadcast_in_dim3A_236], %gather3A_237 : memref<16x64xf32, #tpu.memory_space<vmem>>[vector<16xi32>, vector<16xi32>], vector<16xf32>,
        %broadcast_in_dim3A_238 = arith.constant 28 : i32
        %broadcast_in_dim3A_239 = vector.broadcast %broadcast_in_dim3A_238 : i32 to vector<16xi32>
        %gather3A_240 = tpu.vector_load_idx %arg10[%broadcast_in_dim3A_154, %broadcast_in_dim3A_239, %select_n3A_153] : memref<2x64x640xf32, #tpu.memory_space<vmem>>[vector<16xi32>, vector<16xi32>, vector<16xi32>], vector<16xf32>,
        tpu.vector_store_idx %arg11[%iota3A, %broadcast_in_dim3A_239], %gather3A_240 : memref<16x64xf32, #tpu.memory_space<vmem>>[vector<16xi32>, vector<16xi32>], vector<16xf32>,
        %broadcast_in_dim3A_241 = arith.constant 29 : i32
        %broadcast_in_dim3A_242 = vector.broadcast %broadcast_in_dim3A_241 : i32 to vector<16xi32>
        %gather3A_243 = tpu.vector_load_idx %arg10[%broadcast_in_dim3A_154, %broadcast_in_dim3A_242, %select_n3A_153] : memref<2x64x640xf32, #tpu.memory_space<vmem>>[vector<16xi32>, vector<16xi32>, vector<16xi32>], vector<16xf32>,
        tpu.vector_store_idx %arg11[%iota3A, %broadcast_in_dim3A_242], %gather3A_243 : memref<16x64xf32, #tpu.memory_space<vmem>>[vector<16xi32>, vector<16xi32>], vector<16xf32>,
        %broadcast_in_dim3A_244 = arith.constant 30 : i32
        %broadcast_in_dim3A_245 = vector.broadcast %broadcast_in_dim3A_244 : i32 to vector<16xi32>
        %gather3A_246 = tpu.vector_load_idx %arg10[%broadcast_in_dim3A_154, %broadcast_in_dim3A_245, %select_n3A_153] : memref<2x64x640xf32, #tpu.memory_space<vmem>>[vector<16xi32>, vector<16xi32>, vector<16xi32>], vector<16xf32>,
        tpu.vector_store_idx %arg11[%iota3A, %broadcast_in_dim3A_245], %gather3A_246 : memref<16x64xf32, #tpu.memory_space<vmem>>[vector<16xi32>, vector<16xi32>], vector<16xf32>,
        %broadcast_in_dim3A_247 = arith.constant 31 : i32
        %broadcast_in_dim3A_248 = vector.broadcast %broadcast_in_dim3A_247 : i32 to vector<16xi32>
        %gather3A_249 = tpu.vector_load_idx %arg10[%broadcast_in_dim3A_154, %broadcast_in_dim3A_248, %select_n3A_153] : memref<2x64x640xf32, #tpu.memory_space<vmem>>[vector<16xi32>, vector<16xi32>, vector<16xi32>], vector<16xf32>,
        tpu.vector_store_idx %arg11[%iota3A, %broadcast_in_dim3A_248], %gather3A_249 : memref<16x64xf32, #tpu.memory_space<vmem>>[vector<16xi32>, vector<16xi32>], vector<16xf32>,
        %broadcast_in_dim3A_250 = arith.constant 32 : i32
        %broadcast_in_dim3A_251 = vector.broadcast %broadcast_in_dim3A_250 : i32 to vector<16xi32>
        %gather3A_252 = tpu.vector_load_idx %arg10[%broadcast_in_dim3A_154, %broadcast_in_dim3A_251, %select_n3A_153] : memref<2x64x640xf32, #tpu.memory_space<vmem>>[vector<16xi32>, vector<16xi32>, vector<16xi32>], vector<16xf32>,
        tpu.vector_store_idx %arg11[%iota3A, %broadcast_in_dim3A_251], %gather3A_252 : memref<16x64xf32, #tpu.memory_space<vmem>>[vector<16xi32>, vector<16xi32>], vector<16xf32>,
        %broadcast_in_dim3A_253 = arith.constant 33 : i32
        %broadcast_in_dim3A_254 = vector.broadcast %broadcast_in_dim3A_253 : i32 to vector<16xi32>
        %gather3A_255 = tpu.vector_load_idx %arg10[%broadcast_in_dim3A_154, %broadcast_in_dim3A_254, %select_n3A_153] : memref<2x64x640xf32, #tpu.memory_space<vmem>>[vector<16xi32>, vector<16xi32>, vector<16xi32>], vector<16xf32>,
        tpu.vector_store_idx %arg11[%iota3A, %broadcast_in_dim3A_254], %gather3A_255 : memref<16x64xf32, #tpu.memory_space<vmem>>[vector<16xi32>, vector<16xi32>], vector<16xf32>,
        %broadcast_in_dim3A_256 = arith.constant 34 : i32
        %broadcast_in_dim3A_257 = vector.broadcast %broadcast_in_dim3A_256 : i32 to vector<16xi32>
        %gather3A_258 = tpu.vector_load_idx %arg10[%broadcast_in_dim3A_154, %broadcast_in_dim3A_257, %select_n3A_153] : memref<2x64x640xf32, #tpu.memory_space<vmem>>[vector<16xi32>, vector<16xi32>, vector<16xi32>], vector<16xf32>,
        tpu.vector_store_idx %arg11[%iota3A, %broadcast_in_dim3A_257], %gather3A_258 : memref<16x64xf32, #tpu.memory_space<vmem>>[vector<16xi32>, vector<16xi32>], vector<16xf32>,
        %broadcast_in_dim3A_259 = arith.constant 35 : i32
        %broadcast_in_dim3A_260 = vector.broadcast %broadcast_in_dim3A_259 : i32 to vector<16xi32>
        %gather3A_261 = tpu.vector_load_idx %arg10[%broadcast_in_dim3A_154, %broadcast_in_dim3A_260, %select_n3A_153] : memref<2x64x640xf32, #tpu.memory_space<vmem>>[vector<16xi32>, vector<16xi32>, vector<16xi32>], vector<16xf32>,
        tpu.vector_store_idx %arg11[%iota3A, %broadcast_in_dim3A_260], %gather3A_261 : memref<16x64xf32, #tpu.memory_space<vmem>>[vector<16xi32>, vector<16xi32>], vector<16xf32>,
        %broadcast_in_dim3A_262 = arith.constant 36 : i32
        %broadcast_in_dim3A_263 = vector.broadcast %broadcast_in_dim3A_262 : i32 to vector<16xi32>
        %gather3A_264 = tpu.vector_load_idx %arg10[%broadcast_in_dim3A_154, %broadcast_in_dim3A_263, %select_n3A_153] : memref<2x64x640xf32, #tpu.memory_space<vmem>>[vector<16xi32>, vector<16xi32>, vector<16xi32>], vector<16xf32>,
        tpu.vector_store_idx %arg11[%iota3A, %broadcast_in_dim3A_263], %gather3A_264 : memref<16x64xf32, #tpu.memory_space<vmem>>[vector<16xi32>, vector<16xi32>], vector<16xf32>,
        %broadcast_in_dim3A_265 = arith.constant 37 : i32
        %broadcast_in_dim3A_266 = vector.broadcast %broadcast_in_dim3A_265 : i32 to vector<16xi32>
        %gather3A_267 = tpu.vector_load_idx %arg10[%broadcast_in_dim3A_154, %broadcast_in_dim3A_266, %select_n3A_153] : memref<2x64x640xf32, #tpu.memory_space<vmem>>[vector<16xi32>, vector<16xi32>, vector<16xi32>], vector<16xf32>,
        tpu.vector_store_idx %arg11[%iota3A, %broadcast_in_dim3A_266], %gather3A_267 : memref<16x64xf32, #tpu.memory_space<vmem>>[vector<16xi32>, vector<16xi32>], vector<16xf32>,
        %broadcast_in_dim3A_268 = arith.constant 38 : i32
        %broadcast_in_dim3A_269 = vector.broadcast %broadcast_in_dim3A_268 : i32 to vector<16xi32>
        %gather3A_270 = tpu.vector_load_idx %arg10[%broadcast_in_dim3A_154, %broadcast_in_dim3A_269, %select_n3A_153] : memref<2x64x640xf32, #tpu.memory_space<vmem>>[vector<16xi32>, vector<16xi32>, vector<16xi32>], vector<16xf32>,
        tpu.vector_store_idx %arg11[%iota3A, %broadcast_in_dim3A_269], %gather3A_270 : memref<16x64xf32, #tpu.memory_space<vmem>>[vector<16xi32>, vector<16xi32>], vector<16xf32>,
        %broadcast_in_dim3A_271 = arith.constant 39 : i32
        %broadcast_in_dim3A_272 = vector.broadcast %broadcast_in_dim3A_271 : i32 to vector<16xi32>
        %gather3A_273 = tpu.vector_load_idx %arg10[%broadcast_in_dim3A_154, %broadcast_in_dim3A_272, %select_n3A_153] : memref<2x64x640xf32, #tpu.memory_space<vmem>>[vector<16xi32>, vector<16xi32>, vector<16xi32>], vector<16xf32>,
        tpu.vector_store_idx %arg11[%iota3A, %broadcast_in_dim3A_272], %gather3A_273 : memref<16x64xf32, #tpu.memory_space<vmem>>[vector<16xi32>, vector<16xi32>], vector<16xf32>,
        %broadcast_in_dim3A_274 = arith.constant 40 : i32
        %broadcast_in_dim3A_275 = vector.broadcast %broadcast_in_dim3A_274 : i32 to vector<16xi32>
        %gather3A_276 = tpu.vector_load_idx %arg10[%broadcast_in_dim3A_154, %broadcast_in_dim3A_275, %select_n3A_153] : memref<2x64x640xf32, #tpu.memory_space<vmem>>[vector<16xi32>, vector<16xi32>, vector<16xi32>], vector<16xf32>,
        tpu.vector_store_idx %arg11[%iota3A, %broadcast_in_dim3A_275], %gather3A_276 : memref<16x64xf32, #tpu.memory_space<vmem>>[vector<16xi32>, vector<16xi32>], vector<16xf32>,
        %broadcast_in_dim3A_277 = arith.constant 41 : i32
        %broadcast_in_dim3A_278 = vector.broadcast %broadcast_in_dim3A_277 : i32 to vector<16xi32>
        %gather3A_279 = tpu.vector_load_idx %arg10[%broadcast_in_dim3A_154, %broadcast_in_dim3A_278, %select_n3A_153] : memref<2x64x640xf32, #tpu.memory_space<vmem>>[vector<16xi32>, vector<16xi32>, vector<16xi32>], vector<16xf32>,
        tpu.vector_store_idx %arg11[%iota3A, %broadcast_in_dim3A_278], %gather3A_279 : memref<16x64xf32, #tpu.memory_space<vmem>>[vector<16xi32>, vector<16xi32>], vector<16xf32>,
        %broadcast_in_dim3A_280 = arith.constant 42 : i32
        %broadcast_in_dim3A_281 = vector.broadcast %broadcast_in_dim3A_280 : i32 to vector<16xi32>
        %gather3A_282 = tpu.vector_load_idx %arg10[%broadcast_in_dim3A_154, %broadcast_in_dim3A_281, %select_n3A_153] : memref<2x64x640xf32, #tpu.memory_space<vmem>>[vector<16xi32>, vector<16xi32>, vector<16xi32>], vector<16xf32>,
        tpu.vector_store_idx %arg11[%iota3A, %broadcast_in_dim3A_281], %gather3A_282 : memref<16x64xf32, #tpu.memory_space<vmem>>[vector<16xi32>, vector<16xi32>], vector<16xf32>,
        %broadcast_in_dim3A_283 = arith.constant 43 : i32
        %broadcast_in_dim3A_284 = vector.broadcast %broadcast_in_dim3A_283 : i32 to vector<16xi32>
        %gather3A_285 = tpu.vector_load_idx %arg10[%broadcast_in_dim3A_154, %broadcast_in_dim3A_284, %select_n3A_153] : memref<2x64x640xf32, #tpu.memory_space<vmem>>[vector<16xi32>, vector<16xi32>, vector<16xi32>], vector<16xf32>,
        tpu.vector_store_idx %arg11[%iota3A, %broadcast_in_dim3A_284], %gather3A_285 : memref<16x64xf32, #tpu.memory_space<vmem>>[vector<16xi32>, vector<16xi32>], vector<16xf32>,
        %broadcast_in_dim3A_286 = arith.constant 44 : i32
        %broadcast_in_dim3A_287 = vector.broadcast %broadcast_in_dim3A_286 : i32 to vector<16xi32>
        %gather3A_288 = tpu.vector_load_idx %arg10[%broadcast_in_dim3A_154, %broadcast_in_dim3A_287, %select_n3A_153] : memref<2x64x640xf32, #tpu.memory_space<vmem>>[vector<16xi32>, vector<16xi32>, vector<16xi32>], vector<16xf32>,
        tpu.vector_store_idx %arg11[%iota3A, %broadcast_in_dim3A_287], %gather3A_288 : memref<16x64xf32, #tpu.memory_space<vmem>>[vector<16xi32>, vector<16xi32>], vector<16xf32>,
        %broadcast_in_dim3A_289 = arith.constant 45 : i32
        %broadcast_in_dim3A_290 = vector.broadcast %broadcast_in_dim3A_289 : i32 to vector<16xi32>
        %gather3A_291 = tpu.vector_load_idx %arg10[%broadcast_in_dim3A_154, %broadcast_in_dim3A_290, %select_n3A_153] : memref<2x64x640xf32, #tpu.memory_space<vmem>>[vector<16xi32>, vector<16xi32>, vector<16xi32>], vector<16xf32>,
        tpu.vector_store_idx %arg11[%iota3A, %broadcast_in_dim3A_290], %gather3A_291 : memref<16x64xf32, #tpu.memory_space<vmem>>[vector<16xi32>, vector<16xi32>], vector<16xf32>,
        %broadcast_in_dim3A_292 = arith.constant 46 : i32
        %broadcast_in_dim3A_293 = vector.broadcast %broadcast_in_dim3A_292 : i32 to vector<16xi32>
        %gather3A_294 = tpu.vector_load_idx %arg10[%broadcast_in_dim3A_154, %broadcast_in_dim3A_293, %select_n3A_153] : memref<2x64x640xf32, #tpu.memory_space<vmem>>[vector<16xi32>, vector<16xi32>, vector<16xi32>], vector<16xf32>,
        tpu.vector_store_idx %arg11[%iota3A, %broadcast_in_dim3A_293], %gather3A_294 : memref<16x64xf32, #tpu.memory_space<vmem>>[vector<16xi32>, vector<16xi32>], vector<16xf32>,
        %broadcast_in_dim3A_295 = arith.constant 47 : i32
        %broadcast_in_dim3A_296 = vector.broadcast %broadcast_in_dim3A_295 : i32 to vector<16xi32>
        %gather3A_297 = tpu.vector_load_idx %arg10[%broadcast_in_dim3A_154, %broadcast_in_dim3A_296, %select_n3A_153] : memref<2x64x640xf32, #tpu.memory_space<vmem>>[vector<16xi32>, vector<16xi32>, vector<16xi32>], vector<16xf32>,
        tpu.vector_store_idx %arg11[%iota3A, %broadcast_in_dim3A_296], %gather3A_297 : memref<16x64xf32, #tpu.memory_space<vmem>>[vector<16xi32>, vector<16xi32>], vector<16xf32>,
        %broadcast_in_dim3A_298 = arith.constant 48 : i32
        %broadcast_in_dim3A_299 = vector.broadcast %broadcast_in_dim3A_298 : i32 to vector<16xi32>
        %gather3A_300 = tpu.vector_load_idx %arg10[%broadcast_in_dim3A_154, %broadcast_in_dim3A_299, %select_n3A_153] : memref<2x64x640xf32, #tpu.memory_space<vmem>>[vector<16xi32>, vector<16xi32>, vector<16xi32>], vector<16xf32>,
        tpu.vector_store_idx %arg11[%iota3A, %broadcast_in_dim3A_299], %gather3A_300 : memref<16x64xf32, #tpu.memory_space<vmem>>[vector<16xi32>, vector<16xi32>], vector<16xf32>,
        %broadcast_in_dim3A_301 = arith.constant 49 : i32
        %broadcast_in_dim3A_302 = vector.broadcast %broadcast_in_dim3A_301 : i32 to vector<16xi32>
        %gather3A_303 = tpu.vector_load_idx %arg10[%broadcast_in_dim3A_154, %broadcast_in_dim3A_302, %select_n3A_153] : memref<2x64x640xf32, #tpu.memory_space<vmem>>[vector<16xi32>, vector<16xi32>, vector<16xi32>], vector<16xf32>,
        tpu.vector_store_idx %arg11[%iota3A, %broadcast_in_dim3A_302], %gather3A_303 : memref<16x64xf32, #tpu.memory_space<vmem>>[vector<16xi32>, vector<16xi32>], vector<16xf32>,
        %broadcast_in_dim3A_304 = arith.constant 50 : i32
        %broadcast_in_dim3A_305 = vector.broadcast %broadcast_in_dim3A_304 : i32 to vector<16xi32>
        %gather3A_306 = tpu.vector_load_idx %arg10[%broadcast_in_dim3A_154, %broadcast_in_dim3A_305, %select_n3A_153] : memref<2x64x640xf32, #tpu.memory_space<vmem>>[vector<16xi32>, vector<16xi32>, vector<16xi32>], vector<16xf32>,
        tpu.vector_store_idx %arg11[%iota3A, %broadcast_in_dim3A_305], %gather3A_306 : memref<16x64xf32, #tpu.memory_space<vmem>>[vector<16xi32>, vector<16xi32>], vector<16xf32>,
        %broadcast_in_dim3A_307 = arith.constant 51 : i32
        %broadcast_in_dim3A_308 = vector.broadcast %broadcast_in_dim3A_307 : i32 to vector<16xi32>
        %gather3A_309 = tpu.vector_load_idx %arg10[%broadcast_in_dim3A_154, %broadcast_in_dim3A_308, %select_n3A_153] : memref<2x64x640xf32, #tpu.memory_space<vmem>>[vector<16xi32>, vector<16xi32>, vector<16xi32>], vector<16xf32>,
        tpu.vector_store_idx %arg11[%iota3A, %broadcast_in_dim3A_308], %gather3A_309 : memref<16x64xf32, #tpu.memory_space<vmem>>[vector<16xi32>, vector<16xi32>], vector<16xf32>,
        %broadcast_in_dim3A_310 = arith.constant 52 : i32
        %broadcast_in_dim3A_311 = vector.broadcast %broadcast_in_dim3A_310 : i32 to vector<16xi32>
        %gather3A_312 = tpu.vector_load_idx %arg10[%broadcast_in_dim3A_154, %broadcast_in_dim3A_311, %select_n3A_153] : memref<2x64x640xf32, #tpu.memory_space<vmem>>[vector<16xi32>, vector<16xi32>, vector<16xi32>], vector<16xf32>,
        tpu.vector_store_idx %arg11[%iota3A, %broadcast_in_dim3A_311], %gather3A_312 : memref<16x64xf32, #tpu.memory_space<vmem>>[vector<16xi32>, vector<16xi32>], vector<16xf32>,
        %broadcast_in_dim3A_313 = arith.constant 53 : i32
        %broadcast_in_dim3A_314 = vector.broadcast %broadcast_in_dim3A_313 : i32 to vector<16xi32>
        %gather3A_315 = tpu.vector_load_idx %arg10[%broadcast_in_dim3A_154, %broadcast_in_dim3A_314, %select_n3A_153] : memref<2x64x640xf32, #tpu.memory_space<vmem>>[vector<16xi32>, vector<16xi32>, vector<16xi32>], vector<16xf32>,
        tpu.vector_store_idx %arg11[%iota3A, %broadcast_in_dim3A_314], %gather3A_315 : memref<16x64xf32, #tpu.memory_space<vmem>>[vector<16xi32>, vector<16xi32>], vector<16xf32>,
        %broadcast_in_dim3A_316 = arith.constant 54 : i32
        %broadcast_in_dim3A_317 = vector.broadcast %broadcast_in_dim3A_316 : i32 to vector<16xi32>
        %gather3A_318 = tpu.vector_load_idx %arg10[%broadcast_in_dim3A_154, %broadcast_in_dim3A_317, %select_n3A_153] : memref<2x64x640xf32, #tpu.memory_space<vmem>>[vector<16xi32>, vector<16xi32>, vector<16xi32>], vector<16xf32>,
        tpu.vector_store_idx %arg11[%iota3A, %broadcast_in_dim3A_317], %gather3A_318 : memref<16x64xf32, #tpu.memory_space<vmem>>[vector<16xi32>, vector<16xi32>], vector<16xf32>,
        %broadcast_in_dim3A_319 = arith.constant 55 : i32
        %broadcast_in_dim3A_320 = vector.broadcast %broadcast_in_dim3A_319 : i32 to vector<16xi32>
        %gather3A_321 = tpu.vector_load_idx %arg10[%broadcast_in_dim3A_154, %broadcast_in_dim3A_320, %select_n3A_153] : memref<2x64x640xf32, #tpu.memory_space<vmem>>[vector<16xi32>, vector<16xi32>, vector<16xi32>], vector<16xf32>,
        tpu.vector_store_idx %arg11[%iota3A, %broadcast_in_dim3A_320], %gather3A_321 : memref<16x64xf32, #tpu.memory_space<vmem>>[vector<16xi32>, vector<16xi32>], vector<16xf32>,
        %broadcast_in_dim3A_322 = arith.constant 56 : i32
        %broadcast_in_dim3A_323 = vector.broadcast %broadcast_in_dim3A_322 : i32 to vector<16xi32>
        %gather3A_324 = tpu.vector_load_idx %arg10[%broadcast_in_dim3A_154, %broadcast_in_dim3A_323, %select_n3A_153] : memref<2x64x640xf32, #tpu.memory_space<vmem>>[vector<16xi32>, vector<16xi32>, vector<16xi32>], vector<16xf32>,
        tpu.vector_store_idx %arg11[%iota3A, %broadcast_in_dim3A_323], %gather3A_324 : memref<16x64xf32, #tpu.memory_space<vmem>>[vector<16xi32>, vector<16xi32>], vector<16xf32>,
        %broadcast_in_dim3A_325 = arith.constant 57 : i32
        %broadcast_in_dim3A_326 = vector.broadcast %broadcast_in_dim3A_325 : i32 to vector<16xi32>
        %gather3A_327 = tpu.vector_load_idx %arg10[%broadcast_in_dim3A_154, %broadcast_in_dim3A_326, %select_n3A_153] : memref<2x64x640xf32, #tpu.memory_space<vmem>>[vector<16xi32>, vector<16xi32>, vector<16xi32>], vector<16xf32>,
        tpu.vector_store_idx %arg11[%iota3A, %broadcast_in_dim3A_326], %gather3A_327 : memref<16x64xf32, #tpu.memory_space<vmem>>[vector<16xi32>, vector<16xi32>], vector<16xf32>,
        %broadcast_in_dim3A_328 = arith.constant 58 : i32
        %broadcast_in_dim3A_329 = vector.broadcast %broadcast_in_dim3A_328 : i32 to vector<16xi32>
        %gather3A_330 = tpu.vector_load_idx %arg10[%broadcast_in_dim3A_154, %broadcast_in_dim3A_329, %select_n3A_153] : memref<2x64x640xf32, #tpu.memory_space<vmem>>[vector<16xi32>, vector<16xi32>, vector<16xi32>], vector<16xf32>,
        tpu.vector_store_idx %arg11[%iota3A, %broadcast_in_dim3A_329], %gather3A_330 : memref<16x64xf32, #tpu.memory_space<vmem>>[vector<16xi32>, vector<16xi32>], vector<16xf32>,
        %broadcast_in_dim3A_331 = arith.constant 59 : i32
        %broadcast_in_dim3A_332 = vector.broadcast %broadcast_in_dim3A_331 : i32 to vector<16xi32>
        %gather3A_333 = tpu.vector_load_idx %arg10[%broadcast_in_dim3A_154, %broadcast_in_dim3A_332, %select_n3A_153] : memref<2x64x640xf32, #tpu.memory_space<vmem>>[vector<16xi32>, vector<16xi32>, vector<16xi32>], vector<16xf32>,
        tpu.vector_store_idx %arg11[%iota3A, %broadcast_in_dim3A_332], %gather3A_333 : memref<16x64xf32, #tpu.memory_space<vmem>>[vector<16xi32>, vector<16xi32>], vector<16xf32>,
        %broadcast_in_dim3A_334 = arith.constant 60 : i32
        %broadcast_in_dim3A_335 = vector.broadcast %broadcast_in_dim3A_334 : i32 to vector<16xi32>
        %gather3A_336 = tpu.vector_load_idx %arg10[%broadcast_in_dim3A_154, %broadcast_in_dim3A_335, %select_n3A_153] : memref<2x64x640xf32, #tpu.memory_space<vmem>>[vector<16xi32>, vector<16xi32>, vector<16xi32>], vector<16xf32>,
        tpu.vector_store_idx %arg11[%iota3A, %broadcast_in_dim3A_335], %gather3A_336 : memref<16x64xf32, #tpu.memory_space<vmem>>[vector<16xi32>, vector<16xi32>], vector<16xf32>,
        %broadcast_in_dim3A_337 = arith.constant 61 : i32
        %broadcast_in_dim3A_338 = vector.broadcast %broadcast_in_dim3A_337 : i32 to vector<16xi32>
        %gather3A_339 = tpu.vector_load_idx %arg10[%broadcast_in_dim3A_154, %broadcast_in_dim3A_338, %select_n3A_153] : memref<2x64x640xf32, #tpu.memory_space<vmem>>[vector<16xi32>, vector<16xi32>, vector<16xi32>], vector<16xf32>,
        tpu.vector_store_idx %arg11[%iota3A, %broadcast_in_dim3A_338], %gather3A_339 : memref<16x64xf32, #tpu.memory_space<vmem>>[vector<16xi32>, vector<16xi32>], vector<16xf32>,
        %broadcast_in_dim3A_340 = arith.constant 62 : i32
        %broadcast_in_dim3A_341 = vector.broadcast %broadcast_in_dim3A_340 : i32 to vector<16xi32>
        %gather3A_342 = tpu.vector_load_idx %arg10[%broadcast_in_dim3A_154, %broadcast_in_dim3A_341, %select_n3A_153] : memref<2x64x640xf32, #tpu.memory_space<vmem>>[vector<16xi32>, vector<16xi32>, vector<16xi32>], vector<16xf32>,
        tpu.vector_store_idx %arg11[%iota3A, %broadcast_in_dim3A_341], %gather3A_342 : memref<16x64xf32, #tpu.memory_space<vmem>>[vector<16xi32>, vector<16xi32>], vector<16xf32>,
        %broadcast_in_dim3A_343 = arith.constant 63 : i32
        %broadcast_in_dim3A_344 = vector.broadcast %broadcast_in_dim3A_343 : i32 to vector<16xi32>
        %gather3A_345 = tpu.vector_load_idx %arg10[%broadcast_in_dim3A_154, %broadcast_in_dim3A_344, %select_n3A_153] : memref<2x64x640xf32, #tpu.memory_space<vmem>>[vector<16xi32>, vector<16xi32>, vector<16xi32>], vector<16xf32>,
        tpu.vector_store_idx %arg11[%iota3A, %broadcast_in_dim3A_344], %gather3A_345 : memref<16x64xf32, #tpu.memory_space<vmem>>[vector<16xi32>, vector<16xi32>], vector<16xf32>,
        %mul3A_346 = arith.constant 16 : i32
        %mul3A_347 = arith.muli %add3A, %mul3A_346 : i32
        %add3A_348 = arith.constant 16384 : i32
        %add3A_349 = arith.addi %add3A_348, %mul3A_347 : i32
        %add3A_350 = arith.constant 0 : i32
        %add3A_351 = arith.addi %add3A_349, %add3A_350 : i32
        %gt3A = arith.constant 0 : i32
        %gt3A_352 = arith.cmpi sgt, %sub3A_144, %gt3A : i32
        %slice3A_353 = vector.extract_strided_slice %get3A_149 {offsets = [0], sizes = [1], strides = [1]} : vector<16xi32> to vector<1xi32>
        %squeeze3A_354 = vector.extract %slice3A_353[0] : i32 from vector<1xi32>
        %select_n3A_355 = arith.select %gt3A_352, %squeeze3A_354, %add3A_351 : i32
        %mul3A_356 = arith.constant 64 : i32
        %mul3A_357 = arith.muli %select_n3A_355, %mul3A_356 : i32
        %dma_start3A_358 = arith.constant 0 : i32
        %dma_start3A_359 = arith.constant 0 : i32
        %dma_start3A_360 = tpu.memref_slice %arg11[%dma_start3A_358, %dma_start3A_359] : memref<16x64xf32, #tpu.memory_space<vmem>> -> memref<1x64xf32, #tpu.memory_space<vmem>>
        %dma_start3A_361 = tpu.memref_squeeze %dma_start3A_360 : memref<1x64xf32, #tpu.memory_space<vmem>> -> memref<64xf32, #tpu.memory_space<vmem>>
        %dma_start3A_362 = tpu.memref_slice %arg6[%mul3A_357] : memref<1081344xf32, #tpu.memory_space<hbm>> -> memref<64xf32, #tpu.memory_space<hbm>>
        %dma_start3A_363 = tpu.memref_slice %arg6[%mul3A_357] : memref<1081344xf32, #tpu.memory_space<hbm>> -> memref<64xf32, #tpu.memory_space<hbm>>
        %dma_start3A_364 = arith.constant 0 : i32
        %dma_start3A_365 = tpu.memref_slice %arg11[%dma_start3A_358, %dma_start3A_364] : memref<16x64xf32, #tpu.memory_space<vmem>> -> memref<1x64xf32, #tpu.memory_space<vmem>>
        %dma_start3A_366 = tpu.memref_squeeze %dma_start3A_365 : memref<1x64xf32, #tpu.memory_space<vmem>> -> memref<64xf32, #tpu.memory_space<vmem>>
        tpu.enqueue_dma source(%dma_start3A_366 : memref<64xf32, #tpu.memory_space<vmem>>) target(%dma_start3A_363 : memref<64xf32, #tpu.memory_space<hbm>>) target_semaphore(%arg13 : memref<!tpu.dma_semaphore, #tpu.memory_space<semaphore_mem>>)
        %mul3A_367 = arith.constant 16 : i32
        %mul3A_368 = arith.muli %add3A, %mul3A_367 : i32
        %add3A_369 = arith.constant 16384 : i32
        %add3A_370 = arith.addi %add3A_369, %mul3A_368 : i32
        %add3A_371 = arith.constant 1 : i32
        %add3A_372 = arith.addi %add3A_370, %add3A_371 : i32
        %gt3A_373 = arith.constant 1 : i32
        %gt3A_374 = arith.cmpi sgt, %sub3A_144, %gt3A_373 : i32
        %slice3A_375 = vector.extract_strided_slice %get3A_149 {offsets = [1], sizes = [1], strides = [1]} : vector<16xi32> to vector<1xi32>
        %squeeze3A_376 = vector.extract %slice3A_375[0] : i32 from vector<1xi32>
        %select_n3A_377 = arith.select %gt3A_374, %squeeze3A_376, %add3A_372 : i32
        %mul3A_378 = arith.constant 64 : i32
        %mul3A_379 = arith.muli %select_n3A_377, %mul3A_378 : i32
        %dma_start3A_380 = arith.constant 1 : i32
        %dma_start3A_381 = arith.constant 0 : i32
        %dma_start3A_382 = tpu.memref_slice %arg11[%dma_start3A_380, %dma_start3A_381] : memref<16x64xf32, #tpu.memory_space<vmem>> -> memref<1x64xf32, #tpu.memory_space<vmem>>
        %dma_start3A_383 = tpu.memref_squeeze %dma_start3A_382 : memref<1x64xf32, #tpu.memory_space<vmem>> -> memref<64xf32, #tpu.memory_space<vmem>>
        %dma_start3A_384 = tpu.memref_slice %arg6[%mul3A_379] : memref<1081344xf32, #tpu.memory_space<hbm>> -> memref<64xf32, #tpu.memory_space<hbm>>
        %dma_start3A_385 = tpu.memref_slice %arg6[%mul3A_379] : memref<1081344xf32, #tpu.memory_space<hbm>> -> memref<64xf32, #tpu.memory_space<hbm>>
        %dma_start3A_386 = arith.constant 0 : i32
        %dma_start3A_387 = tpu.memref_slice %arg11[%dma_start3A_380, %dma_start3A_386] : memref<16x64xf32, #tpu.memory_space<vmem>> -> memref<1x64xf32, #tpu.memory_space<vmem>>
        %dma_start3A_388 = tpu.memref_squeeze %dma_start3A_387 : memref<1x64xf32, #tpu.memory_space<vmem>> -> memref<64xf32, #tpu.memory_space<vmem>>
        tpu.enqueue_dma source(%dma_start3A_388 : memref<64xf32, #tpu.memory_space<vmem>>) target(%dma_start3A_385 : memref<64xf32, #tpu.memory_space<hbm>>) target_semaphore(%arg13 : memref<!tpu.dma_semaphore, #tpu.memory_space<semaphore_mem>>)
        %mul3A_389 = arith.constant 16 : i32
        %mul3A_390 = arith.muli %add3A, %mul3A_389 : i32
        %add3A_391 = arith.constant 16384 : i32
        %add3A_392 = arith.addi %add3A_391, %mul3A_390 : i32
        %add3A_393 = arith.constant 2 : i32
        %add3A_394 = arith.addi %add3A_392, %add3A_393 : i32
        %gt3A_395 = arith.constant 2 : i32
        %gt3A_396 = arith.cmpi sgt, %sub3A_144, %gt3A_395 : i32
        %slice3A_397 = vector.extract_strided_slice %get3A_149 {offsets = [2], sizes = [1], strides = [1]} : vector<16xi32> to vector<1xi32>
        %squeeze3A_398 = vector.extract %slice3A_397[0] : i32 from vector<1xi32>
        %select_n3A_399 = arith.select %gt3A_396, %squeeze3A_398, %add3A_394 : i32
        %mul3A_400 = arith.constant 64 : i32
        %mul3A_401 = arith.muli %select_n3A_399, %mul3A_400 : i32
        %dma_start3A_402 = arith.constant 2 : i32
        %dma_start3A_403 = arith.constant 0 : i32
        %dma_start3A_404 = tpu.memref_slice %arg11[%dma_start3A_402, %dma_start3A_403] : memref<16x64xf32, #tpu.memory_space<vmem>> -> memref<1x64xf32, #tpu.memory_space<vmem>>
        %dma_start3A_405 = tpu.memref_squeeze %dma_start3A_404 : memref<1x64xf32, #tpu.memory_space<vmem>> -> memref<64xf32, #tpu.memory_space<vmem>>
        %dma_start3A_406 = tpu.memref_slice %arg6[%mul3A_401] : memref<1081344xf32, #tpu.memory_space<hbm>> -> memref<64xf32, #tpu.memory_space<hbm>>
        %dma_start3A_407 = tpu.memref_slice %arg6[%mul3A_401] : memref<1081344xf32, #tpu.memory_space<hbm>> -> memref<64xf32, #tpu.memory_space<hbm>>
        %dma_start3A_408 = arith.constant 0 : i32
        %dma_start3A_409 = tpu.memref_slice %arg11[%dma_start3A_402, %dma_start3A_408] : memref<16x64xf32, #tpu.memory_space<vmem>> -> memref<1x64xf32, #tpu.memory_space<vmem>>
        %dma_start3A_410 = tpu.memref_squeeze %dma_start3A_409 : memref<1x64xf32, #tpu.memory_space<vmem>> -> memref<64xf32, #tpu.memory_space<vmem>>
        tpu.enqueue_dma source(%dma_start3A_410 : memref<64xf32, #tpu.memory_space<vmem>>) target(%dma_start3A_407 : memref<64xf32, #tpu.memory_space<hbm>>) target_semaphore(%arg13 : memref<!tpu.dma_semaphore, #tpu.memory_space<semaphore_mem>>)
        %mul3A_411 = arith.constant 16 : i32
        %mul3A_412 = arith.muli %add3A, %mul3A_411 : i32
        %add3A_413 = arith.constant 16384 : i32
        %add3A_414 = arith.addi %add3A_413, %mul3A_412 : i32
        %add3A_415 = arith.constant 3 : i32
        %add3A_416 = arith.addi %add3A_414, %add3A_415 : i32
        %gt3A_417 = arith.constant 3 : i32
        %gt3A_418 = arith.cmpi sgt, %sub3A_144, %gt3A_417 : i32
        %slice3A_419 = vector.extract_strided_slice %get3A_149 {offsets = [3], sizes = [1], strides = [1]} : vector<16xi32> to vector<1xi32>
        %squeeze3A_420 = vector.extract %slice3A_419[0] : i32 from vector<1xi32>
        %select_n3A_421 = arith.select %gt3A_418, %squeeze3A_420, %add3A_416 : i32
        %mul3A_422 = arith.constant 64 : i32
        %mul3A_423 = arith.muli %select_n3A_421, %mul3A_422 : i32
        %dma_start3A_424 = arith.constant 3 : i32
        %dma_start3A_425 = arith.constant 0 : i32
        %dma_start3A_426 = tpu.memref_slice %arg11[%dma_start3A_424, %dma_start3A_425] : memref<16x64xf32, #tpu.memory_space<vmem>> -> memref<1x64xf32, #tpu.memory_space<vmem>>
        %dma_start3A_427 = tpu.memref_squeeze %dma_start3A_426 : memref<1x64xf32, #tpu.memory_space<vmem>> -> memref<64xf32, #tpu.memory_space<vmem>>
        %dma_start3A_428 = tpu.memref_slice %arg6[%mul3A_423] : memref<1081344xf32, #tpu.memory_space<hbm>> -> memref<64xf32, #tpu.memory_space<hbm>>
        %dma_start3A_429 = tpu.memref_slice %arg6[%mul3A_423] : memref<1081344xf32, #tpu.memory_space<hbm>> -> memref<64xf32, #tpu.memory_space<hbm>>
        %dma_start3A_430 = arith.constant 0 : i32
        %dma_start3A_431 = tpu.memref_slice %arg11[%dma_start3A_424, %dma_start3A_430] : memref<16x64xf32, #tpu.memory_space<vmem>> -> memref<1x64xf32, #tpu.memory_space<vmem>>
        %dma_start3A_432 = tpu.memref_squeeze %dma_start3A_431 : memref<1x64xf32, #tpu.memory_space<vmem>> -> memref<64xf32, #tpu.memory_space<vmem>>
        tpu.enqueue_dma source(%dma_start3A_432 : memref<64xf32, #tpu.memory_space<vmem>>) target(%dma_start3A_429 : memref<64xf32, #tpu.memory_space<hbm>>) target_semaphore(%arg13 : memref<!tpu.dma_semaphore, #tpu.memory_space<semaphore_mem>>)
        %mul3A_433 = arith.constant 16 : i32
        %mul3A_434 = arith.muli %add3A, %mul3A_433 : i32
        %add3A_435 = arith.constant 16384 : i32
        %add3A_436 = arith.addi %add3A_435, %mul3A_434 : i32
        %add3A_437 = arith.constant 4 : i32
        %add3A_438 = arith.addi %add3A_436, %add3A_437 : i32
        %gt3A_439 = arith.constant 4 : i32
        %gt3A_440 = arith.cmpi sgt, %sub3A_144, %gt3A_439 : i32
        %slice3A_441 = vector.extract_strided_slice %get3A_149 {offsets = [4], sizes = [1], strides = [1]} : vector<16xi32> to vector<1xi32>
        %squeeze3A_442 = vector.extract %slice3A_441[0] : i32 from vector<1xi32>
        %select_n3A_443 = arith.select %gt3A_440, %squeeze3A_442, %add3A_438 : i32
        %mul3A_444 = arith.constant 64 : i32
        %mul3A_445 = arith.muli %select_n3A_443, %mul3A_444 : i32
        %dma_start3A_446 = arith.constant 4 : i32
        %dma_start3A_447 = arith.constant 0 : i32
        %dma_start3A_448 = tpu.memref_slice %arg11[%dma_start3A_446, %dma_start3A_447] : memref<16x64xf32, #tpu.memory_space<vmem>> -> memref<1x64xf32, #tpu.memory_space<vmem>>
        %dma_start3A_449 = tpu.memref_squeeze %dma_start3A_448 : memref<1x64xf32, #tpu.memory_space<vmem>> -> memref<64xf32, #tpu.memory_space<vmem>>
        %dma_start3A_450 = tpu.memref_slice %arg6[%mul3A_445] : memref<1081344xf32, #tpu.memory_space<hbm>> -> memref<64xf32, #tpu.memory_space<hbm>>
        %dma_start3A_451 = tpu.memref_slice %arg6[%mul3A_445] : memref<1081344xf32, #tpu.memory_space<hbm>> -> memref<64xf32, #tpu.memory_space<hbm>>
        %dma_start3A_452 = arith.constant 0 : i32
        %dma_start3A_453 = tpu.memref_slice %arg11[%dma_start3A_446, %dma_start3A_452] : memref<16x64xf32, #tpu.memory_space<vmem>> -> memref<1x64xf32, #tpu.memory_space<vmem>>
        %dma_start3A_454 = tpu.memref_squeeze %dma_start3A_453 : memref<1x64xf32, #tpu.memory_space<vmem>> -> memref<64xf32, #tpu.memory_space<vmem>>
        tpu.enqueue_dma source(%dma_start3A_454 : memref<64xf32, #tpu.memory_space<vmem>>) target(%dma_start3A_451 : memref<64xf32, #tpu.memory_space<hbm>>) target_semaphore(%arg13 : memref<!tpu.dma_semaphore, #tpu.memory_space<semaphore_mem>>)
        %mul3A_455 = arith.constant 16 : i32
        %mul3A_456 = arith.muli %add3A, %mul3A_455 : i32
        %add3A_457 = arith.constant 16384 : i32
        %add3A_458 = arith.addi %add3A_457, %mul3A_456 : i32
        %add3A_459 = arith.constant 5 : i32
        %add3A_460 = arith.addi %add3A_458, %add3A_459 : i32
        %gt3A_461 = arith.constant 5 : i32
        %gt3A_462 = arith.cmpi sgt, %sub3A_144, %gt3A_461 : i32
        %slice3A_463 = vector.extract_strided_slice %get3A_149 {offsets = [5], sizes = [1], strides = [1]} : vector<16xi32> to vector<1xi32>
        %squeeze3A_464 = vector.extract %slice3A_463[0] : i32 from vector<1xi32>
        %select_n3A_465 = arith.select %gt3A_462, %squeeze3A_464, %add3A_460 : i32
        %mul3A_466 = arith.constant 64 : i32
        %mul3A_467 = arith.muli %select_n3A_465, %mul3A_466 : i32
        %dma_start3A_468 = arith.constant 5 : i32
        %dma_start3A_469 = arith.constant 0 : i32
        %dma_start3A_470 = tpu.memref_slice %arg11[%dma_start3A_468, %dma_start3A_469] : memref<16x64xf32, #tpu.memory_space<vmem>> -> memref<1x64xf32, #tpu.memory_space<vmem>>
        %dma_start3A_471 = tpu.memref_squeeze %dma_start3A_470 : memref<1x64xf32, #tpu.memory_space<vmem>> -> memref<64xf32, #tpu.memory_space<vmem>>
        %dma_start3A_472 = tpu.memref_slice %arg6[%mul3A_467] : memref<1081344xf32, #tpu.memory_space<hbm>> -> memref<64xf32, #tpu.memory_space<hbm>>
        %dma_start3A_473 = tpu.memref_slice %arg6[%mul3A_467] : memref<1081344xf32, #tpu.memory_space<hbm>> -> memref<64xf32, #tpu.memory_space<hbm>>
        %dma_start3A_474 = arith.constant 0 : i32
        %dma_start3A_475 = tpu.memref_slice %arg11[%dma_start3A_468, %dma_start3A_474] : memref<16x64xf32, #tpu.memory_space<vmem>> -> memref<1x64xf32, #tpu.memory_space<vmem>>
        %dma_start3A_476 = tpu.memref_squeeze %dma_start3A_475 : memref<1x64xf32, #tpu.memory_space<vmem>> -> memref<64xf32, #tpu.memory_space<vmem>>
        tpu.enqueue_dma source(%dma_start3A_476 : memref<64xf32, #tpu.memory_space<vmem>>) target(%dma_start3A_473 : memref<64xf32, #tpu.memory_space<hbm>>) target_semaphore(%arg13 : memref<!tpu.dma_semaphore, #tpu.memory_space<semaphore_mem>>)
        %mul3A_477 = arith.constant 16 : i32
        %mul3A_478 = arith.muli %add3A, %mul3A_477 : i32
        %add3A_479 = arith.constant 16384 : i32
        %add3A_480 = arith.addi %add3A_479, %mul3A_478 : i32
        %add3A_481 = arith.constant 6 : i32
        %add3A_482 = arith.addi %add3A_480, %add3A_481 : i32
        %gt3A_483 = arith.constant 6 : i32
        %gt3A_484 = arith.cmpi sgt, %sub3A_144, %gt3A_483 : i32
        %slice3A_485 = vector.extract_strided_slice %get3A_149 {offsets = [6], sizes = [1], strides = [1]} : vector<16xi32> to vector<1xi32>
        %squeeze3A_486 = vector.extract %slice3A_485[0] : i32 from vector<1xi32>
        %select_n3A_487 = arith.select %gt3A_484, %squeeze3A_486, %add3A_482 : i32
        %mul3A_488 = arith.constant 64 : i32
        %mul3A_489 = arith.muli %select_n3A_487, %mul3A_488 : i32
        %dma_start3A_490 = arith.constant 6 : i32
        %dma_start3A_491 = arith.constant 0 : i32
        %dma_start3A_492 = tpu.memref_slice %arg11[%dma_start3A_490, %dma_start3A_491] : memref<16x64xf32, #tpu.memory_space<vmem>> -> memref<1x64xf32, #tpu.memory_space<vmem>>
        %dma_start3A_493 = tpu.memref_squeeze %dma_start3A_492 : memref<1x64xf32, #tpu.memory_space<vmem>> -> memref<64xf32, #tpu.memory_space<vmem>>
        %dma_start3A_494 = tpu.memref_slice %arg6[%mul3A_489] : memref<1081344xf32, #tpu.memory_space<hbm>> -> memref<64xf32, #tpu.memory_space<hbm>>
        %dma_start3A_495 = tpu.memref_slice %arg6[%mul3A_489] : memref<1081344xf32, #tpu.memory_space<hbm>> -> memref<64xf32, #tpu.memory_space<hbm>>
        %dma_start3A_496 = arith.constant 0 : i32
        %dma_start3A_497 = tpu.memref_slice %arg11[%dma_start3A_490, %dma_start3A_496] : memref<16x64xf32, #tpu.memory_space<vmem>> -> memref<1x64xf32, #tpu.memory_space<vmem>>
        %dma_start3A_498 = tpu.memref_squeeze %dma_start3A_497 : memref<1x64xf32, #tpu.memory_space<vmem>> -> memref<64xf32, #tpu.memory_space<vmem>>
        tpu.enqueue_dma source(%dma_start3A_498 : memref<64xf32, #tpu.memory_space<vmem>>) target(%dma_start3A_495 : memref<64xf32, #tpu.memory_space<hbm>>) target_semaphore(%arg13 : memref<!tpu.dma_semaphore, #tpu.memory_space<semaphore_mem>>)
        %mul3A_499 = arith.constant 16 : i32
        %mul3A_500 = arith.muli %add3A, %mul3A_499 : i32
        %add3A_501 = arith.constant 16384 : i32
        %add3A_502 = arith.addi %add3A_501, %mul3A_500 : i32
        %add3A_503 = arith.constant 7 : i32
        %add3A_504 = arith.addi %add3A_502, %add3A_503 : i32
        %gt3A_505 = arith.constant 7 : i32
        %gt3A_506 = arith.cmpi sgt, %sub3A_144, %gt3A_505 : i32
        %slice3A_507 = vector.extract_strided_slice %get3A_149 {offsets = [7], sizes = [1], strides = [1]} : vector<16xi32> to vector<1xi32>
        %squeeze3A_508 = vector.extract %slice3A_507[0] : i32 from vector<1xi32>
        %select_n3A_509 = arith.select %gt3A_506, %squeeze3A_508, %add3A_504 : i32
        %mul3A_510 = arith.constant 64 : i32
        %mul3A_511 = arith.muli %select_n3A_509, %mul3A_510 : i32
        %dma_start3A_512 = arith.constant 7 : i32
        %dma_start3A_513 = arith.constant 0 : i32
        %dma_start3A_514 = tpu.memref_slice %arg11[%dma_start3A_512, %dma_start3A_513] : memref<16x64xf32, #tpu.memory_space<vmem>> -> memref<1x64xf32, #tpu.memory_space<vmem>>
        %dma_start3A_515 = tpu.memref_squeeze %dma_start3A_514 : memref<1x64xf32, #tpu.memory_space<vmem>> -> memref<64xf32, #tpu.memory_space<vmem>>
        %dma_start3A_516 = tpu.memref_slice %arg6[%mul3A_511] : memref<1081344xf32, #tpu.memory_space<hbm>> -> memref<64xf32, #tpu.memory_space<hbm>>
        %dma_start3A_517 = tpu.memref_slice %arg6[%mul3A_511] : memref<1081344xf32, #tpu.memory_space<hbm>> -> memref<64xf32, #tpu.memory_space<hbm>>
        %dma_start3A_518 = arith.constant 0 : i32
        %dma_start3A_519 = tpu.memref_slice %arg11[%dma_start3A_512, %dma_start3A_518] : memref<16x64xf32, #tpu.memory_space<vmem>> -> memref<1x64xf32, #tpu.memory_space<vmem>>
        %dma_start3A_520 = tpu.memref_squeeze %dma_start3A_519 : memref<1x64xf32, #tpu.memory_space<vmem>> -> memref<64xf32, #tpu.memory_space<vmem>>
        tpu.enqueue_dma source(%dma_start3A_520 : memref<64xf32, #tpu.memory_space<vmem>>) target(%dma_start3A_517 : memref<64xf32, #tpu.memory_space<hbm>>) target_semaphore(%arg13 : memref<!tpu.dma_semaphore, #tpu.memory_space<semaphore_mem>>)
        %mul3A_521 = arith.constant 16 : i32
        %mul3A_522 = arith.muli %add3A, %mul3A_521 : i32
        %add3A_523 = arith.constant 16384 : i32
        %add3A_524 = arith.addi %add3A_523, %mul3A_522 : i32
        %add3A_525 = arith.constant 8 : i32
        %add3A_526 = arith.addi %add3A_524, %add3A_525 : i32
        %gt3A_527 = arith.constant 8 : i32
        %gt3A_528 = arith.cmpi sgt, %sub3A_144, %gt3A_527 : i32
        %slice3A_529 = vector.extract_strided_slice %get3A_149 {offsets = [8], sizes = [1], strides = [1]} : vector<16xi32> to vector<1xi32>
        %squeeze3A_530 = vector.extract %slice3A_529[0] : i32 from vector<1xi32>
        %select_n3A_531 = arith.select %gt3A_528, %squeeze3A_530, %add3A_526 : i32
        %mul3A_532 = arith.constant 64 : i32
        %mul3A_533 = arith.muli %select_n3A_531, %mul3A_532 : i32
        %dma_start3A_534 = arith.constant 8 : i32
        %dma_start3A_535 = arith.constant 0 : i32
        %dma_start3A_536 = tpu.memref_slice %arg11[%dma_start3A_534, %dma_start3A_535] : memref<16x64xf32, #tpu.memory_space<vmem>> -> memref<1x64xf32, #tpu.memory_space<vmem>>
        %dma_start3A_537 = tpu.memref_squeeze %dma_start3A_536 : memref<1x64xf32, #tpu.memory_space<vmem>> -> memref<64xf32, #tpu.memory_space<vmem>>
        %dma_start3A_538 = tpu.memref_slice %arg6[%mul3A_533] : memref<1081344xf32, #tpu.memory_space<hbm>> -> memref<64xf32, #tpu.memory_space<hbm>>
        %dma_start3A_539 = tpu.memref_slice %arg6[%mul3A_533] : memref<1081344xf32, #tpu.memory_space<hbm>> -> memref<64xf32, #tpu.memory_space<hbm>>
        %dma_start3A_540 = arith.constant 0 : i32
        %dma_start3A_541 = tpu.memref_slice %arg11[%dma_start3A_534, %dma_start3A_540] : memref<16x64xf32, #tpu.memory_space<vmem>> -> memref<1x64xf32, #tpu.memory_space<vmem>>
        %dma_start3A_542 = tpu.memref_squeeze %dma_start3A_541 : memref<1x64xf32, #tpu.memory_space<vmem>> -> memref<64xf32, #tpu.memory_space<vmem>>
        tpu.enqueue_dma source(%dma_start3A_542 : memref<64xf32, #tpu.memory_space<vmem>>) target(%dma_start3A_539 : memref<64xf32, #tpu.memory_space<hbm>>) target_semaphore(%arg13 : memref<!tpu.dma_semaphore, #tpu.memory_space<semaphore_mem>>)
        %mul3A_543 = arith.constant 16 : i32
        %mul3A_544 = arith.muli %add3A, %mul3A_543 : i32
        %add3A_545 = arith.constant 16384 : i32
        %add3A_546 = arith.addi %add3A_545, %mul3A_544 : i32
        %add3A_547 = arith.constant 9 : i32
        %add3A_548 = arith.addi %add3A_546, %add3A_547 : i32
        %gt3A_549 = arith.constant 9 : i32
        %gt3A_550 = arith.cmpi sgt, %sub3A_144, %gt3A_549 : i32
        %slice3A_551 = vector.extract_strided_slice %get3A_149 {offsets = [9], sizes = [1], strides = [1]} : vector<16xi32> to vector<1xi32>
        %squeeze3A_552 = vector.extract %slice3A_551[0] : i32 from vector<1xi32>
        %select_n3A_553 = arith.select %gt3A_550, %squeeze3A_552, %add3A_548 : i32
        %mul3A_554 = arith.constant 64 : i32
        %mul3A_555 = arith.muli %select_n3A_553, %mul3A_554 : i32
        %dma_start3A_556 = arith.constant 9 : i32
        %dma_start3A_557 = arith.constant 0 : i32
        %dma_start3A_558 = tpu.memref_slice %arg11[%dma_start3A_556, %dma_start3A_557] : memref<16x64xf32, #tpu.memory_space<vmem>> -> memref<1x64xf32, #tpu.memory_space<vmem>>
        %dma_start3A_559 = tpu.memref_squeeze %dma_start3A_558 : memref<1x64xf32, #tpu.memory_space<vmem>> -> memref<64xf32, #tpu.memory_space<vmem>>
        %dma_start3A_560 = tpu.memref_slice %arg6[%mul3A_555] : memref<1081344xf32, #tpu.memory_space<hbm>> -> memref<64xf32, #tpu.memory_space<hbm>>
        %dma_start3A_561 = tpu.memref_slice %arg6[%mul3A_555] : memref<1081344xf32, #tpu.memory_space<hbm>> -> memref<64xf32, #tpu.memory_space<hbm>>
        %dma_start3A_562 = arith.constant 0 : i32
        %dma_start3A_563 = tpu.memref_slice %arg11[%dma_start3A_556, %dma_start3A_562] : memref<16x64xf32, #tpu.memory_space<vmem>> -> memref<1x64xf32, #tpu.memory_space<vmem>>
        %dma_start3A_564 = tpu.memref_squeeze %dma_start3A_563 : memref<1x64xf32, #tpu.memory_space<vmem>> -> memref<64xf32, #tpu.memory_space<vmem>>
        tpu.enqueue_dma source(%dma_start3A_564 : memref<64xf32, #tpu.memory_space<vmem>>) target(%dma_start3A_561 : memref<64xf32, #tpu.memory_space<hbm>>) target_semaphore(%arg13 : memref<!tpu.dma_semaphore, #tpu.memory_space<semaphore_mem>>)
        %mul3A_565 = arith.constant 16 : i32
        %mul3A_566 = arith.muli %add3A, %mul3A_565 : i32
        %add3A_567 = arith.constant 16384 : i32
        %add3A_568 = arith.addi %add3A_567, %mul3A_566 : i32
        %add3A_569 = arith.constant 10 : i32
        %add3A_570 = arith.addi %add3A_568, %add3A_569 : i32
        %gt3A_571 = arith.constant 10 : i32
        %gt3A_572 = arith.cmpi sgt, %sub3A_144, %gt3A_571 : i32
        %slice3A_573 = vector.extract_strided_slice %get3A_149 {offsets = [10], sizes = [1], strides = [1]} : vector<16xi32> to vector<1xi32>
        %squeeze3A_574 = vector.extract %slice3A_573[0] : i32 from vector<1xi32>
        %select_n3A_575 = arith.select %gt3A_572, %squeeze3A_574, %add3A_570 : i32
        %mul3A_576 = arith.constant 64 : i32
        %mul3A_577 = arith.muli %select_n3A_575, %mul3A_576 : i32
        %dma_start3A_578 = arith.constant 10 : i32
        %dma_start3A_579 = arith.constant 0 : i32
        %dma_start3A_580 = tpu.memref_slice %arg11[%dma_start3A_578, %dma_start3A_579] : memref<16x64xf32, #tpu.memory_space<vmem>> -> memref<1x64xf32, #tpu.memory_space<vmem>>
        %dma_start3A_581 = tpu.memref_squeeze %dma_start3A_580 : memref<1x64xf32, #tpu.memory_space<vmem>> -> memref<64xf32, #tpu.memory_space<vmem>>
        %dma_start3A_582 = tpu.memref_slice %arg6[%mul3A_577] : memref<1081344xf32, #tpu.memory_space<hbm>> -> memref<64xf32, #tpu.memory_space<hbm>>
        %dma_start3A_583 = tpu.memref_slice %arg6[%mul3A_577] : memref<1081344xf32, #tpu.memory_space<hbm>> -> memref<64xf32, #tpu.memory_space<hbm>>
        %dma_start3A_584 = arith.constant 0 : i32
        %dma_start3A_585 = tpu.memref_slice %arg11[%dma_start3A_578, %dma_start3A_584] : memref<16x64xf32, #tpu.memory_space<vmem>> -> memref<1x64xf32, #tpu.memory_space<vmem>>
        %dma_start3A_586 = tpu.memref_squeeze %dma_start3A_585 : memref<1x64xf32, #tpu.memory_space<vmem>> -> memref<64xf32, #tpu.memory_space<vmem>>
        tpu.enqueue_dma source(%dma_start3A_586 : memref<64xf32, #tpu.memory_space<vmem>>) target(%dma_start3A_583 : memref<64xf32, #tpu.memory_space<hbm>>) target_semaphore(%arg13 : memref<!tpu.dma_semaphore, #tpu.memory_space<semaphore_mem>>)
        %mul3A_587 = arith.constant 16 : i32
        %mul3A_588 = arith.muli %add3A, %mul3A_587 : i32
        %add3A_589 = arith.constant 16384 : i32
        %add3A_590 = arith.addi %add3A_589, %mul3A_588 : i32
        %add3A_591 = arith.constant 11 : i32
        %add3A_592 = arith.addi %add3A_590, %add3A_591 : i32
        %gt3A_593 = arith.constant 11 : i32
        %gt3A_594 = arith.cmpi sgt, %sub3A_144, %gt3A_593 : i32
        %slice3A_595 = vector.extract_strided_slice %get3A_149 {offsets = [11], sizes = [1], strides = [1]} : vector<16xi32> to vector<1xi32>
        %squeeze3A_596 = vector.extract %slice3A_595[0] : i32 from vector<1xi32>
        %select_n3A_597 = arith.select %gt3A_594, %squeeze3A_596, %add3A_592 : i32
        %mul3A_598 = arith.constant 64 : i32
        %mul3A_599 = arith.muli %select_n3A_597, %mul3A_598 : i32
        %dma_start3A_600 = arith.constant 11 : i32
        %dma_start3A_601 = arith.constant 0 : i32
        %dma_start3A_602 = tpu.memref_slice %arg11[%dma_start3A_600, %dma_start3A_601] : memref<16x64xf32, #tpu.memory_space<vmem>> -> memref<1x64xf32, #tpu.memory_space<vmem>>
        %dma_start3A_603 = tpu.memref_squeeze %dma_start3A_602 : memref<1x64xf32, #tpu.memory_space<vmem>> -> memref<64xf32, #tpu.memory_space<vmem>>
        %dma_start3A_604 = tpu.memref_slice %arg6[%mul3A_599] : memref<1081344xf32, #tpu.memory_space<hbm>> -> memref<64xf32, #tpu.memory_space<hbm>>
        %dma_start3A_605 = tpu.memref_slice %arg6[%mul3A_599] : memref<1081344xf32, #tpu.memory_space<hbm>> -> memref<64xf32, #tpu.memory_space<hbm>>
        %dma_start3A_606 = arith.constant 0 : i32
        %dma_start3A_607 = tpu.memref_slice %arg11[%dma_start3A_600, %dma_start3A_606] : memref<16x64xf32, #tpu.memory_space<vmem>> -> memref<1x64xf32, #tpu.memory_space<vmem>>
        %dma_start3A_608 = tpu.memref_squeeze %dma_start3A_607 : memref<1x64xf32, #tpu.memory_space<vmem>> -> memref<64xf32, #tpu.memory_space<vmem>>
        tpu.enqueue_dma source(%dma_start3A_608 : memref<64xf32, #tpu.memory_space<vmem>>) target(%dma_start3A_605 : memref<64xf32, #tpu.memory_space<hbm>>) target_semaphore(%arg13 : memref<!tpu.dma_semaphore, #tpu.memory_space<semaphore_mem>>)
        %mul3A_609 = arith.constant 16 : i32
        %mul3A_610 = arith.muli %add3A, %mul3A_609 : i32
        %add3A_611 = arith.constant 16384 : i32
        %add3A_612 = arith.addi %add3A_611, %mul3A_610 : i32
        %add3A_613 = arith.constant 12 : i32
        %add3A_614 = arith.addi %add3A_612, %add3A_613 : i32
        %gt3A_615 = arith.constant 12 : i32
        %gt3A_616 = arith.cmpi sgt, %sub3A_144, %gt3A_615 : i32
        %slice3A_617 = vector.extract_strided_slice %get3A_149 {offsets = [12], sizes = [1], strides = [1]} : vector<16xi32> to vector<1xi32>
        %squeeze3A_618 = vector.extract %slice3A_617[0] : i32 from vector<1xi32>
        %select_n3A_619 = arith.select %gt3A_616, %squeeze3A_618, %add3A_614 : i32
        %mul3A_620 = arith.constant 64 : i32
        %mul3A_621 = arith.muli %select_n3A_619, %mul3A_620 : i32
        %dma_start3A_622 = arith.constant 12 : i32
        %dma_start3A_623 = arith.constant 0 : i32
        %dma_start3A_624 = tpu.memref_slice %arg11[%dma_start3A_622, %dma_start3A_623] : memref<16x64xf32, #tpu.memory_space<vmem>> -> memref<1x64xf32, #tpu.memory_space<vmem>>
        %dma_start3A_625 = tpu.memref_squeeze %dma_start3A_624 : memref<1x64xf32, #tpu.memory_space<vmem>> -> memref<64xf32, #tpu.memory_space<vmem>>
        %dma_start3A_626 = tpu.memref_slice %arg6[%mul3A_621] : memref<1081344xf32, #tpu.memory_space<hbm>> -> memref<64xf32, #tpu.memory_space<hbm>>
        %dma_start3A_627 = tpu.memref_slice %arg6[%mul3A_621] : memref<1081344xf32, #tpu.memory_space<hbm>> -> memref<64xf32, #tpu.memory_space<hbm>>
        %dma_start3A_628 = arith.constant 0 : i32
        %dma_start3A_629 = tpu.memref_slice %arg11[%dma_start3A_622, %dma_start3A_628] : memref<16x64xf32, #tpu.memory_space<vmem>> -> memref<1x64xf32, #tpu.memory_space<vmem>>
        %dma_start3A_630 = tpu.memref_squeeze %dma_start3A_629 : memref<1x64xf32, #tpu.memory_space<vmem>> -> memref<64xf32, #tpu.memory_space<vmem>>
        tpu.enqueue_dma source(%dma_start3A_630 : memref<64xf32, #tpu.memory_space<vmem>>) target(%dma_start3A_627 : memref<64xf32, #tpu.memory_space<hbm>>) target_semaphore(%arg13 : memref<!tpu.dma_semaphore, #tpu.memory_space<semaphore_mem>>)
        %mul3A_631 = arith.constant 16 : i32
        %mul3A_632 = arith.muli %add3A, %mul3A_631 : i32
        %add3A_633 = arith.constant 16384 : i32
        %add3A_634 = arith.addi %add3A_633, %mul3A_632 : i32
        %add3A_635 = arith.constant 13 : i32
        %add3A_636 = arith.addi %add3A_634, %add3A_635 : i32
        %gt3A_637 = arith.constant 13 : i32
        %gt3A_638 = arith.cmpi sgt, %sub3A_144, %gt3A_637 : i32
        %slice3A_639 = vector.extract_strided_slice %get3A_149 {offsets = [13], sizes = [1], strides = [1]} : vector<16xi32> to vector<1xi32>
        %squeeze3A_640 = vector.extract %slice3A_639[0] : i32 from vector<1xi32>
        %select_n3A_641 = arith.select %gt3A_638, %squeeze3A_640, %add3A_636 : i32
        %mul3A_642 = arith.constant 64 : i32
        %mul3A_643 = arith.muli %select_n3A_641, %mul3A_642 : i32
        %dma_start3A_644 = arith.constant 13 : i32
        %dma_start3A_645 = arith.constant 0 : i32
        %dma_start3A_646 = tpu.memref_slice %arg11[%dma_start3A_644, %dma_start3A_645] : memref<16x64xf32, #tpu.memory_space<vmem>> -> memref<1x64xf32, #tpu.memory_space<vmem>>
        %dma_start3A_647 = tpu.memref_squeeze %dma_start3A_646 : memref<1x64xf32, #tpu.memory_space<vmem>> -> memref<64xf32, #tpu.memory_space<vmem>>
        %dma_start3A_648 = tpu.memref_slice %arg6[%mul3A_643] : memref<1081344xf32, #tpu.memory_space<hbm>> -> memref<64xf32, #tpu.memory_space<hbm>>
        %dma_start3A_649 = tpu.memref_slice %arg6[%mul3A_643] : memref<1081344xf32, #tpu.memory_space<hbm>> -> memref<64xf32, #tpu.memory_space<hbm>>
        %dma_start3A_650 = arith.constant 0 : i32
        %dma_start3A_651 = tpu.memref_slice %arg11[%dma_start3A_644, %dma_start3A_650] : memref<16x64xf32, #tpu.memory_space<vmem>> -> memref<1x64xf32, #tpu.memory_space<vmem>>
        %dma_start3A_652 = tpu.memref_squeeze %dma_start3A_651 : memref<1x64xf32, #tpu.memory_space<vmem>> -> memref<64xf32, #tpu.memory_space<vmem>>
        tpu.enqueue_dma source(%dma_start3A_652 : memref<64xf32, #tpu.memory_space<vmem>>) target(%dma_start3A_649 : memref<64xf32, #tpu.memory_space<hbm>>) target_semaphore(%arg13 : memref<!tpu.dma_semaphore, #tpu.memory_space<semaphore_mem>>)
        %mul3A_653 = arith.constant 16 : i32
        %mul3A_654 = arith.muli %add3A, %mul3A_653 : i32
        %add3A_655 = arith.constant 16384 : i32
        %add3A_656 = arith.addi %add3A_655, %mul3A_654 : i32
        %add3A_657 = arith.constant 14 : i32
        %add3A_658 = arith.addi %add3A_656, %add3A_657 : i32
        %gt3A_659 = arith.constant 14 : i32
        %gt3A_660 = arith.cmpi sgt, %sub3A_144, %gt3A_659 : i32
        %slice3A_661 = vector.extract_strided_slice %get3A_149 {offsets = [14], sizes = [1], strides = [1]} : vector<16xi32> to vector<1xi32>
        %squeeze3A_662 = vector.extract %slice3A_661[0] : i32 from vector<1xi32>
        %select_n3A_663 = arith.select %gt3A_660, %squeeze3A_662, %add3A_658 : i32
        %mul3A_664 = arith.constant 64 : i32
        %mul3A_665 = arith.muli %select_n3A_663, %mul3A_664 : i32
        %dma_start3A_666 = arith.constant 14 : i32
        %dma_start3A_667 = arith.constant 0 : i32
        %dma_start3A_668 = tpu.memref_slice %arg11[%dma_start3A_666, %dma_start3A_667] : memref<16x64xf32, #tpu.memory_space<vmem>> -> memref<1x64xf32, #tpu.memory_space<vmem>>
        %dma_start3A_669 = tpu.memref_squeeze %dma_start3A_668 : memref<1x64xf32, #tpu.memory_space<vmem>> -> memref<64xf32, #tpu.memory_space<vmem>>
        %dma_start3A_670 = tpu.memref_slice %arg6[%mul3A_665] : memref<1081344xf32, #tpu.memory_space<hbm>> -> memref<64xf32, #tpu.memory_space<hbm>>
        %dma_start3A_671 = tpu.memref_slice %arg6[%mul3A_665] : memref<1081344xf32, #tpu.memory_space<hbm>> -> memref<64xf32, #tpu.memory_space<hbm>>
        %dma_start3A_672 = arith.constant 0 : i32
        %dma_start3A_673 = tpu.memref_slice %arg11[%dma_start3A_666, %dma_start3A_672] : memref<16x64xf32, #tpu.memory_space<vmem>> -> memref<1x64xf32, #tpu.memory_space<vmem>>
        %dma_start3A_674 = tpu.memref_squeeze %dma_start3A_673 : memref<1x64xf32, #tpu.memory_space<vmem>> -> memref<64xf32, #tpu.memory_space<vmem>>
        tpu.enqueue_dma source(%dma_start3A_674 : memref<64xf32, #tpu.memory_space<vmem>>) target(%dma_start3A_671 : memref<64xf32, #tpu.memory_space<hbm>>) target_semaphore(%arg13 : memref<!tpu.dma_semaphore, #tpu.memory_space<semaphore_mem>>)
        %mul3A_675 = arith.constant 16 : i32
        %mul3A_676 = arith.muli %add3A, %mul3A_675 : i32
        %add3A_677 = arith.constant 16384 : i32
        %add3A_678 = arith.addi %add3A_677, %mul3A_676 : i32
        %add3A_679 = arith.constant 15 : i32
        %add3A_680 = arith.addi %add3A_678, %add3A_679 : i32
        %gt3A_681 = arith.constant 15 : i32
        %gt3A_682 = arith.cmpi sgt, %sub3A_144, %gt3A_681 : i32
        %slice3A_683 = vector.extract_strided_slice %get3A_149 {offsets = [15], sizes = [1], strides = [1]} : vector<16xi32> to vector<1xi32>
        %squeeze3A_684 = vector.extract %slice3A_683[0] : i32 from vector<1xi32>
        %select_n3A_685 = arith.select %gt3A_682, %squeeze3A_684, %add3A_680 : i32
        %mul3A_686 = arith.constant 64 : i32
        %mul3A_687 = arith.muli %select_n3A_685, %mul3A_686 : i32
        %dma_start3A_688 = arith.constant 15 : i32
        %dma_start3A_689 = arith.constant 0 : i32
        %dma_start3A_690 = tpu.memref_slice %arg11[%dma_start3A_688, %dma_start3A_689] : memref<16x64xf32, #tpu.memory_space<vmem>> -> memref<1x64xf32, #tpu.memory_space<vmem>>
        %dma_start3A_691 = tpu.memref_squeeze %dma_start3A_690 : memref<1x64xf32, #tpu.memory_space<vmem>> -> memref<64xf32, #tpu.memory_space<vmem>>
        %dma_start3A_692 = tpu.memref_slice %arg6[%mul3A_687] : memref<1081344xf32, #tpu.memory_space<hbm>> -> memref<64xf32, #tpu.memory_space<hbm>>
        %dma_start3A_693 = tpu.memref_slice %arg6[%mul3A_687] : memref<1081344xf32, #tpu.memory_space<hbm>> -> memref<64xf32, #tpu.memory_space<hbm>>
        %dma_start3A_694 = arith.constant 0 : i32
        %dma_start3A_695 = tpu.memref_slice %arg11[%dma_start3A_688, %dma_start3A_694] : memref<16x64xf32, #tpu.memory_space<vmem>> -> memref<1x64xf32, #tpu.memory_space<vmem>>
        %dma_start3A_696 = tpu.memref_squeeze %dma_start3A_695 : memref<1x64xf32, #tpu.memory_space<vmem>> -> memref<64xf32, #tpu.memory_space<vmem>>
        tpu.enqueue_dma source(%dma_start3A_696 : memref<64xf32, #tpu.memory_space<vmem>>) target(%dma_start3A_693 : memref<64xf32, #tpu.memory_space<hbm>>) target_semaphore(%arg13 : memref<!tpu.dma_semaphore, #tpu.memory_space<semaphore_mem>>)
        %dma_wait3A_697 = arith.constant 0 : i32
        %dma_wait3A_698 = arith.constant 0 : i32
        %dma_wait3A_699 = tpu.memref_slice %arg11[%dma_wait3A_697, %dma_wait3A_698] : memref<16x64xf32, #tpu.memory_space<vmem>> -> memref<1x64xf32, #tpu.memory_space<vmem>>
        %dma_wait3A_700 = tpu.memref_squeeze %dma_wait3A_699 : memref<1x64xf32, #tpu.memory_space<vmem>> -> memref<64xf32, #tpu.memory_space<vmem>>
        %dma_wait3A_701 = tpu.memref_slice %arg6[%mul3A_357] : memref<1081344xf32, #tpu.memory_space<hbm>> -> memref<64xf32, #tpu.memory_space<hbm>>
        %dma_wait3A_702 = tpu.memref_slice %arg6[%mul3A_357] : memref<1081344xf32, #tpu.memory_space<hbm>> -> memref<64xf32, #tpu.memory_space<hbm>>
        %dma_wait3A_703 = arith.constant 0 : i32
        %dma_wait3A_704 = tpu.memref_slice %arg11[%dma_wait3A_697, %dma_wait3A_703] : memref<16x64xf32, #tpu.memory_space<vmem>> -> memref<1x64xf32, #tpu.memory_space<vmem>>
        %dma_wait3A_705 = tpu.memref_squeeze %dma_wait3A_704 : memref<1x64xf32, #tpu.memory_space<vmem>> -> memref<64xf32, #tpu.memory_space<vmem>>
        tpu.wait_dma2 semaphore(%arg13 : memref<!tpu.dma_semaphore, #tpu.memory_space<semaphore_mem>>) src(%dma_wait3A_705 : memref<64xf32, #tpu.memory_space<vmem>>) dst(%dma_wait3A_702 : memref<64xf32, #tpu.memory_space<hbm>>)
        %dma_wait3A_706 = arith.constant 1 : i32
        %dma_wait3A_707 = arith.constant 0 : i32
        %dma_wait3A_708 = tpu.memref_slice %arg11[%dma_wait3A_706, %dma_wait3A_707] : memref<16x64xf32, #tpu.memory_space<vmem>> -> memref<1x64xf32, #tpu.memory_space<vmem>>
        %dma_wait3A_709 = tpu.memref_squeeze %dma_wait3A_708 : memref<1x64xf32, #tpu.memory_space<vmem>> -> memref<64xf32, #tpu.memory_space<vmem>>
        %dma_wait3A_710 = tpu.memref_slice %arg6[%mul3A_379] : memref<1081344xf32, #tpu.memory_space<hbm>> -> memref<64xf32, #tpu.memory_space<hbm>>
        %dma_wait3A_711 = tpu.memref_slice %arg6[%mul3A_379] : memref<1081344xf32, #tpu.memory_space<hbm>> -> memref<64xf32, #tpu.memory_space<hbm>>
        %dma_wait3A_712 = arith.constant 0 : i32
        %dma_wait3A_713 = tpu.memref_slice %arg11[%dma_wait3A_706, %dma_wait3A_712] : memref<16x64xf32, #tpu.memory_space<vmem>> -> memref<1x64xf32, #tpu.memory_space<vmem>>
        %dma_wait3A_714 = tpu.memref_squeeze %dma_wait3A_713 : memref<1x64xf32, #tpu.memory_space<vmem>> -> memref<64xf32, #tpu.memory_space<vmem>>
        tpu.wait_dma2 semaphore(%arg13 : memref<!tpu.dma_semaphore, #tpu.memory_space<semaphore_mem>>) src(%dma_wait3A_714 : memref<64xf32, #tpu.memory_space<vmem>>) dst(%dma_wait3A_711 : memref<64xf32, #tpu.memory_space<hbm>>)
        %dma_wait3A_715 = arith.constant 2 : i32
        %dma_wait3A_716 = arith.constant 0 : i32
        %dma_wait3A_717 = tpu.memref_slice %arg11[%dma_wait3A_715, %dma_wait3A_716] : memref<16x64xf32, #tpu.memory_space<vmem>> -> memref<1x64xf32, #tpu.memory_space<vmem>>
        %dma_wait3A_718 = tpu.memref_squeeze %dma_wait3A_717 : memref<1x64xf32, #tpu.memory_space<vmem>> -> memref<64xf32, #tpu.memory_space<vmem>>
        %dma_wait3A_719 = tpu.memref_slice %arg6[%mul3A_401] : memref<1081344xf32, #tpu.memory_space<hbm>> -> memref<64xf32, #tpu.memory_space<hbm>>
        %dma_wait3A_720 = tpu.memref_slice %arg6[%mul3A_401] : memref<1081344xf32, #tpu.memory_space<hbm>> -> memref<64xf32, #tpu.memory_space<hbm>>
        %dma_wait3A_721 = arith.constant 0 : i32
        %dma_wait3A_722 = tpu.memref_slice %arg11[%dma_wait3A_715, %dma_wait3A_721] : memref<16x64xf32, #tpu.memory_space<vmem>> -> memref<1x64xf32, #tpu.memory_space<vmem>>
        %dma_wait3A_723 = tpu.memref_squeeze %dma_wait3A_722 : memref<1x64xf32, #tpu.memory_space<vmem>> -> memref<64xf32, #tpu.memory_space<vmem>>
        tpu.wait_dma2 semaphore(%arg13 : memref<!tpu.dma_semaphore, #tpu.memory_space<semaphore_mem>>) src(%dma_wait3A_723 : memref<64xf32, #tpu.memory_space<vmem>>) dst(%dma_wait3A_720 : memref<64xf32, #tpu.memory_space<hbm>>)
        %dma_wait3A_724 = arith.constant 3 : i32
        %dma_wait3A_725 = arith.constant 0 : i32
        %dma_wait3A_726 = tpu.memref_slice %arg11[%dma_wait3A_724, %dma_wait3A_725] : memref<16x64xf32, #tpu.memory_space<vmem>> -> memref<1x64xf32, #tpu.memory_space<vmem>>
        %dma_wait3A_727 = tpu.memref_squeeze %dma_wait3A_726 : memref<1x64xf32, #tpu.memory_space<vmem>> -> memref<64xf32, #tpu.memory_space<vmem>>
        %dma_wait3A_728 = tpu.memref_slice %arg6[%mul3A_423] : memref<1081344xf32, #tpu.memory_space<hbm>> -> memref<64xf32, #tpu.memory_space<hbm>>
        %dma_wait3A_729 = tpu.memref_slice %arg6[%mul3A_423] : memref<1081344xf32, #tpu.memory_space<hbm>> -> memref<64xf32, #tpu.memory_space<hbm>>
        %dma_wait3A_730 = arith.constant 0 : i32
        %dma_wait3A_731 = tpu.memref_slice %arg11[%dma_wait3A_724, %dma_wait3A_730] : memref<16x64xf32, #tpu.memory_space<vmem>> -> memref<1x64xf32, #tpu.memory_space<vmem>>
        %dma_wait3A_732 = tpu.memref_squeeze %dma_wait3A_731 : memref<1x64xf32, #tpu.memory_space<vmem>> -> memref<64xf32, #tpu.memory_space<vmem>>
        tpu.wait_dma2 semaphore(%arg13 : memref<!tpu.dma_semaphore, #tpu.memory_space<semaphore_mem>>) src(%dma_wait3A_732 : memref<64xf32, #tpu.memory_space<vmem>>) dst(%dma_wait3A_729 : memref<64xf32, #tpu.memory_space<hbm>>)
        %dma_wait3A_733 = arith.constant 4 : i32
        %dma_wait3A_734 = arith.constant 0 : i32
        %dma_wait3A_735 = tpu.memref_slice %arg11[%dma_wait3A_733, %dma_wait3A_734] : memref<16x64xf32, #tpu.memory_space<vmem>> -> memref<1x64xf32, #tpu.memory_space<vmem>>
        %dma_wait3A_736 = tpu.memref_squeeze %dma_wait3A_735 : memref<1x64xf32, #tpu.memory_space<vmem>> -> memref<64xf32, #tpu.memory_space<vmem>>
        %dma_wait3A_737 = tpu.memref_slice %arg6[%mul3A_445] : memref<1081344xf32, #tpu.memory_space<hbm>> -> memref<64xf32, #tpu.memory_space<hbm>>
        %dma_wait3A_738 = tpu.memref_slice %arg6[%mul3A_445] : memref<1081344xf32, #tpu.memory_space<hbm>> -> memref<64xf32, #tpu.memory_space<hbm>>
        %dma_wait3A_739 = arith.constant 0 : i32
        %dma_wait3A_740 = tpu.memref_slice %arg11[%dma_wait3A_733, %dma_wait3A_739] : memref<16x64xf32, #tpu.memory_space<vmem>> -> memref<1x64xf32, #tpu.memory_space<vmem>>
        %dma_wait3A_741 = tpu.memref_squeeze %dma_wait3A_740 : memref<1x64xf32, #tpu.memory_space<vmem>> -> memref<64xf32, #tpu.memory_space<vmem>>
        tpu.wait_dma2 semaphore(%arg13 : memref<!tpu.dma_semaphore, #tpu.memory_space<semaphore_mem>>) src(%dma_wait3A_741 : memref<64xf32, #tpu.memory_space<vmem>>) dst(%dma_wait3A_738 : memref<64xf32, #tpu.memory_space<hbm>>)
        %dma_wait3A_742 = arith.constant 5 : i32
        %dma_wait3A_743 = arith.constant 0 : i32
        %dma_wait3A_744 = tpu.memref_slice %arg11[%dma_wait3A_742, %dma_wait3A_743] : memref<16x64xf32, #tpu.memory_space<vmem>> -> memref<1x64xf32, #tpu.memory_space<vmem>>
        %dma_wait3A_745 = tpu.memref_squeeze %dma_wait3A_744 : memref<1x64xf32, #tpu.memory_space<vmem>> -> memref<64xf32, #tpu.memory_space<vmem>>
        %dma_wait3A_746 = tpu.memref_slice %arg6[%mul3A_467] : memref<1081344xf32, #tpu.memory_space<hbm>> -> memref<64xf32, #tpu.memory_space<hbm>>
        %dma_wait3A_747 = tpu.memref_slice %arg6[%mul3A_467] : memref<1081344xf32, #tpu.memory_space<hbm>> -> memref<64xf32, #tpu.memory_space<hbm>>
        %dma_wait3A_748 = arith.constant 0 : i32
        %dma_wait3A_749 = tpu.memref_slice %arg11[%dma_wait3A_742, %dma_wait3A_748] : memref<16x64xf32, #tpu.memory_space<vmem>> -> memref<1x64xf32, #tpu.memory_space<vmem>>
        %dma_wait3A_750 = tpu.memref_squeeze %dma_wait3A_749 : memref<1x64xf32, #tpu.memory_space<vmem>> -> memref<64xf32, #tpu.memory_space<vmem>>
        tpu.wait_dma2 semaphore(%arg13 : memref<!tpu.dma_semaphore, #tpu.memory_space<semaphore_mem>>) src(%dma_wait3A_750 : memref<64xf32, #tpu.memory_space<vmem>>) dst(%dma_wait3A_747 : memref<64xf32, #tpu.memory_space<hbm>>)
        %dma_wait3A_751 = arith.constant 6 : i32
        %dma_wait3A_752 = arith.constant 0 : i32
        %dma_wait3A_753 = tpu.memref_slice %arg11[%dma_wait3A_751, %dma_wait3A_752] : memref<16x64xf32, #tpu.memory_space<vmem>> -> memref<1x64xf32, #tpu.memory_space<vmem>>
        %dma_wait3A_754 = tpu.memref_squeeze %dma_wait3A_753 : memref<1x64xf32, #tpu.memory_space<vmem>> -> memref<64xf32, #tpu.memory_space<vmem>>
        %dma_wait3A_755 = tpu.memref_slice %arg6[%mul3A_489] : memref<1081344xf32, #tpu.memory_space<hbm>> -> memref<64xf32, #tpu.memory_space<hbm>>
        %dma_wait3A_756 = tpu.memref_slice %arg6[%mul3A_489] : memref<1081344xf32, #tpu.memory_space<hbm>> -> memref<64xf32, #tpu.memory_space<hbm>>
        %dma_wait3A_757 = arith.constant 0 : i32
        %dma_wait3A_758 = tpu.memref_slice %arg11[%dma_wait3A_751, %dma_wait3A_757] : memref<16x64xf32, #tpu.memory_space<vmem>> -> memref<1x64xf32, #tpu.memory_space<vmem>>
        %dma_wait3A_759 = tpu.memref_squeeze %dma_wait3A_758 : memref<1x64xf32, #tpu.memory_space<vmem>> -> memref<64xf32, #tpu.memory_space<vmem>>
        tpu.wait_dma2 semaphore(%arg13 : memref<!tpu.dma_semaphore, #tpu.memory_space<semaphore_mem>>) src(%dma_wait3A_759 : memref<64xf32, #tpu.memory_space<vmem>>) dst(%dma_wait3A_756 : memref<64xf32, #tpu.memory_space<hbm>>)
        %dma_wait3A_760 = arith.constant 7 : i32
        %dma_wait3A_761 = arith.constant 0 : i32
        %dma_wait3A_762 = tpu.memref_slice %arg11[%dma_wait3A_760, %dma_wait3A_761] : memref<16x64xf32, #tpu.memory_space<vmem>> -> memref<1x64xf32, #tpu.memory_space<vmem>>
        %dma_wait3A_763 = tpu.memref_squeeze %dma_wait3A_762 : memref<1x64xf32, #tpu.memory_space<vmem>> -> memref<64xf32, #tpu.memory_space<vmem>>
        %dma_wait3A_764 = tpu.memref_slice %arg6[%mul3A_511] : memref<1081344xf32, #tpu.memory_space<hbm>> -> memref<64xf32, #tpu.memory_space<hbm>>
        %dma_wait3A_765 = tpu.memref_slice %arg6[%mul3A_511] : memref<1081344xf32, #tpu.memory_space<hbm>> -> memref<64xf32, #tpu.memory_space<hbm>>
        %dma_wait3A_766 = arith.constant 0 : i32
        %dma_wait3A_767 = tpu.memref_slice %arg11[%dma_wait3A_760, %dma_wait3A_766] : memref<16x64xf32, #tpu.memory_space<vmem>> -> memref<1x64xf32, #tpu.memory_space<vmem>>
        %dma_wait3A_768 = tpu.memref_squeeze %dma_wait3A_767 : memref<1x64xf32, #tpu.memory_space<vmem>> -> memref<64xf32, #tpu.memory_space<vmem>>
        tpu.wait_dma2 semaphore(%arg13 : memref<!tpu.dma_semaphore, #tpu.memory_space<semaphore_mem>>) src(%dma_wait3A_768 : memref<64xf32, #tpu.memory_space<vmem>>) dst(%dma_wait3A_765 : memref<64xf32, #tpu.memory_space<hbm>>)
        %dma_wait3A_769 = arith.constant 8 : i32
        %dma_wait3A_770 = arith.constant 0 : i32
        %dma_wait3A_771 = tpu.memref_slice %arg11[%dma_wait3A_769, %dma_wait3A_770] : memref<16x64xf32, #tpu.memory_space<vmem>> -> memref<1x64xf32, #tpu.memory_space<vmem>>
        %dma_wait3A_772 = tpu.memref_squeeze %dma_wait3A_771 : memref<1x64xf32, #tpu.memory_space<vmem>> -> memref<64xf32, #tpu.memory_space<vmem>>
        %dma_wait3A_773 = tpu.memref_slice %arg6[%mul3A_533] : memref<1081344xf32, #tpu.memory_space<hbm>> -> memref<64xf32, #tpu.memory_space<hbm>>
        %dma_wait3A_774 = tpu.memref_slice %arg6[%mul3A_533] : memref<1081344xf32, #tpu.memory_space<hbm>> -> memref<64xf32, #tpu.memory_space<hbm>>
        %dma_wait3A_775 = arith.constant 0 : i32
        %dma_wait3A_776 = tpu.memref_slice %arg11[%dma_wait3A_769, %dma_wait3A_775] : memref<16x64xf32, #tpu.memory_space<vmem>> -> memref<1x64xf32, #tpu.memory_space<vmem>>
        %dma_wait3A_777 = tpu.memref_squeeze %dma_wait3A_776 : memref<1x64xf32, #tpu.memory_space<vmem>> -> memref<64xf32, #tpu.memory_space<vmem>>
        tpu.wait_dma2 semaphore(%arg13 : memref<!tpu.dma_semaphore, #tpu.memory_space<semaphore_mem>>) src(%dma_wait3A_777 : memref<64xf32, #tpu.memory_space<vmem>>) dst(%dma_wait3A_774 : memref<64xf32, #tpu.memory_space<hbm>>)
        %dma_wait3A_778 = arith.constant 9 : i32
        %dma_wait3A_779 = arith.constant 0 : i32
        %dma_wait3A_780 = tpu.memref_slice %arg11[%dma_wait3A_778, %dma_wait3A_779] : memref<16x64xf32, #tpu.memory_space<vmem>> -> memref<1x64xf32, #tpu.memory_space<vmem>>
        %dma_wait3A_781 = tpu.memref_squeeze %dma_wait3A_780 : memref<1x64xf32, #tpu.memory_space<vmem>> -> memref<64xf32, #tpu.memory_space<vmem>>
        %dma_wait3A_782 = tpu.memref_slice %arg6[%mul3A_555] : memref<1081344xf32, #tpu.memory_space<hbm>> -> memref<64xf32, #tpu.memory_space<hbm>>
        %dma_wait3A_783 = tpu.memref_slice %arg6[%mul3A_555] : memref<1081344xf32, #tpu.memory_space<hbm>> -> memref<64xf32, #tpu.memory_space<hbm>>
        %dma_wait3A_784 = arith.constant 0 : i32
        %dma_wait3A_785 = tpu.memref_slice %arg11[%dma_wait3A_778, %dma_wait3A_784] : memref<16x64xf32, #tpu.memory_space<vmem>> -> memref<1x64xf32, #tpu.memory_space<vmem>>
        %dma_wait3A_786 = tpu.memref_squeeze %dma_wait3A_785 : memref<1x64xf32, #tpu.memory_space<vmem>> -> memref<64xf32, #tpu.memory_space<vmem>>
        tpu.wait_dma2 semaphore(%arg13 : memref<!tpu.dma_semaphore, #tpu.memory_space<semaphore_mem>>) src(%dma_wait3A_786 : memref<64xf32, #tpu.memory_space<vmem>>) dst(%dma_wait3A_783 : memref<64xf32, #tpu.memory_space<hbm>>)
        %dma_wait3A_787 = arith.constant 10 : i32
        %dma_wait3A_788 = arith.constant 0 : i32
        %dma_wait3A_789 = tpu.memref_slice %arg11[%dma_wait3A_787, %dma_wait3A_788] : memref<16x64xf32, #tpu.memory_space<vmem>> -> memref<1x64xf32, #tpu.memory_space<vmem>>
        %dma_wait3A_790 = tpu.memref_squeeze %dma_wait3A_789 : memref<1x64xf32, #tpu.memory_space<vmem>> -> memref<64xf32, #tpu.memory_space<vmem>>
        %dma_wait3A_791 = tpu.memref_slice %arg6[%mul3A_577] : memref<1081344xf32, #tpu.memory_space<hbm>> -> memref<64xf32, #tpu.memory_space<hbm>>
        %dma_wait3A_792 = tpu.memref_slice %arg6[%mul3A_577] : memref<1081344xf32, #tpu.memory_space<hbm>> -> memref<64xf32, #tpu.memory_space<hbm>>
        %dma_wait3A_793 = arith.constant 0 : i32
        %dma_wait3A_794 = tpu.memref_slice %arg11[%dma_wait3A_787, %dma_wait3A_793] : memref<16x64xf32, #tpu.memory_space<vmem>> -> memref<1x64xf32, #tpu.memory_space<vmem>>
        %dma_wait3A_795 = tpu.memref_squeeze %dma_wait3A_794 : memref<1x64xf32, #tpu.memory_space<vmem>> -> memref<64xf32, #tpu.memory_space<vmem>>
        tpu.wait_dma2 semaphore(%arg13 : memref<!tpu.dma_semaphore, #tpu.memory_space<semaphore_mem>>) src(%dma_wait3A_795 : memref<64xf32, #tpu.memory_space<vmem>>) dst(%dma_wait3A_792 : memref<64xf32, #tpu.memory_space<hbm>>)
        %dma_wait3A_796 = arith.constant 11 : i32
        %dma_wait3A_797 = arith.constant 0 : i32
        %dma_wait3A_798 = tpu.memref_slice %arg11[%dma_wait3A_796, %dma_wait3A_797] : memref<16x64xf32, #tpu.memory_space<vmem>> -> memref<1x64xf32, #tpu.memory_space<vmem>>
        %dma_wait3A_799 = tpu.memref_squeeze %dma_wait3A_798 : memref<1x64xf32, #tpu.memory_space<vmem>> -> memref<64xf32, #tpu.memory_space<vmem>>
        %dma_wait3A_800 = tpu.memref_slice %arg6[%mul3A_599] : memref<1081344xf32, #tpu.memory_space<hbm>> -> memref<64xf32, #tpu.memory_space<hbm>>
        %dma_wait3A_801 = tpu.memref_slice %arg6[%mul3A_599] : memref<1081344xf32, #tpu.memory_space<hbm>> -> memref<64xf32, #tpu.memory_space<hbm>>
        %dma_wait3A_802 = arith.constant 0 : i32
        %dma_wait3A_803 = tpu.memref_slice %arg11[%dma_wait3A_796, %dma_wait3A_802] : memref<16x64xf32, #tpu.memory_space<vmem>> -> memref<1x64xf32, #tpu.memory_space<vmem>>
        %dma_wait3A_804 = tpu.memref_squeeze %dma_wait3A_803 : memref<1x64xf32, #tpu.memory_space<vmem>> -> memref<64xf32, #tpu.memory_space<vmem>>
        tpu.wait_dma2 semaphore(%arg13 : memref<!tpu.dma_semaphore, #tpu.memory_space<semaphore_mem>>) src(%dma_wait3A_804 : memref<64xf32, #tpu.memory_space<vmem>>) dst(%dma_wait3A_801 : memref<64xf32, #tpu.memory_space<hbm>>)
        %dma_wait3A_805 = arith.constant 12 : i32
        %dma_wait3A_806 = arith.constant 0 : i32
        %dma_wait3A_807 = tpu.memref_slice %arg11[%dma_wait3A_805, %dma_wait3A_806] : memref<16x64xf32, #tpu.memory_space<vmem>> -> memref<1x64xf32, #tpu.memory_space<vmem>>
        %dma_wait3A_808 = tpu.memref_squeeze %dma_wait3A_807 : memref<1x64xf32, #tpu.memory_space<vmem>> -> memref<64xf32, #tpu.memory_space<vmem>>
        %dma_wait3A_809 = tpu.memref_slice %arg6[%mul3A_621] : memref<1081344xf32, #tpu.memory_space<hbm>> -> memref<64xf32, #tpu.memory_space<hbm>>
        %dma_wait3A_810 = tpu.memref_slice %arg6[%mul3A_621] : memref<1081344xf32, #tpu.memory_space<hbm>> -> memref<64xf32, #tpu.memory_space<hbm>>
        %dma_wait3A_811 = arith.constant 0 : i32
        %dma_wait3A_812 = tpu.memref_slice %arg11[%dma_wait3A_805, %dma_wait3A_811] : memref<16x64xf32, #tpu.memory_space<vmem>> -> memref<1x64xf32, #tpu.memory_space<vmem>>
        %dma_wait3A_813 = tpu.memref_squeeze %dma_wait3A_812 : memref<1x64xf32, #tpu.memory_space<vmem>> -> memref<64xf32, #tpu.memory_space<vmem>>
        tpu.wait_dma2 semaphore(%arg13 : memref<!tpu.dma_semaphore, #tpu.memory_space<semaphore_mem>>) src(%dma_wait3A_813 : memref<64xf32, #tpu.memory_space<vmem>>) dst(%dma_wait3A_810 : memref<64xf32, #tpu.memory_space<hbm>>)
        %dma_wait3A_814 = arith.constant 13 : i32
        %dma_wait3A_815 = arith.constant 0 : i32
        %dma_wait3A_816 = tpu.memref_slice %arg11[%dma_wait3A_814, %dma_wait3A_815] : memref<16x64xf32, #tpu.memory_space<vmem>> -> memref<1x64xf32, #tpu.memory_space<vmem>>
        %dma_wait3A_817 = tpu.memref_squeeze %dma_wait3A_816 : memref<1x64xf32, #tpu.memory_space<vmem>> -> memref<64xf32, #tpu.memory_space<vmem>>
        %dma_wait3A_818 = tpu.memref_slice %arg6[%mul3A_643] : memref<1081344xf32, #tpu.memory_space<hbm>> -> memref<64xf32, #tpu.memory_space<hbm>>
        %dma_wait3A_819 = tpu.memref_slice %arg6[%mul3A_643] : memref<1081344xf32, #tpu.memory_space<hbm>> -> memref<64xf32, #tpu.memory_space<hbm>>
        %dma_wait3A_820 = arith.constant 0 : i32
        %dma_wait3A_821 = tpu.memref_slice %arg11[%dma_wait3A_814, %dma_wait3A_820] : memref<16x64xf32, #tpu.memory_space<vmem>> -> memref<1x64xf32, #tpu.memory_space<vmem>>
        %dma_wait3A_822 = tpu.memref_squeeze %dma_wait3A_821 : memref<1x64xf32, #tpu.memory_space<vmem>> -> memref<64xf32, #tpu.memory_space<vmem>>
        tpu.wait_dma2 semaphore(%arg13 : memref<!tpu.dma_semaphore, #tpu.memory_space<semaphore_mem>>) src(%dma_wait3A_822 : memref<64xf32, #tpu.memory_space<vmem>>) dst(%dma_wait3A_819 : memref<64xf32, #tpu.memory_space<hbm>>)
        %dma_wait3A_823 = arith.constant 14 : i32
        %dma_wait3A_824 = arith.constant 0 : i32
        %dma_wait3A_825 = tpu.memref_slice %arg11[%dma_wait3A_823, %dma_wait3A_824] : memref<16x64xf32, #tpu.memory_space<vmem>> -> memref<1x64xf32, #tpu.memory_space<vmem>>
        %dma_wait3A_826 = tpu.memref_squeeze %dma_wait3A_825 : memref<1x64xf32, #tpu.memory_space<vmem>> -> memref<64xf32, #tpu.memory_space<vmem>>
        %dma_wait3A_827 = tpu.memref_slice %arg6[%mul3A_665] : memref<1081344xf32, #tpu.memory_space<hbm>> -> memref<64xf32, #tpu.memory_space<hbm>>
        %dma_wait3A_828 = tpu.memref_slice %arg6[%mul3A_665] : memref<1081344xf32, #tpu.memory_space<hbm>> -> memref<64xf32, #tpu.memory_space<hbm>>
        %dma_wait3A_829 = arith.constant 0 : i32
        %dma_wait3A_830 = tpu.memref_slice %arg11[%dma_wait3A_823, %dma_wait3A_829] : memref<16x64xf32, #tpu.memory_space<vmem>> -> memref<1x64xf32, #tpu.memory_space<vmem>>
        %dma_wait3A_831 = tpu.memref_squeeze %dma_wait3A_830 : memref<1x64xf32, #tpu.memory_space<vmem>> -> memref<64xf32, #tpu.memory_space<vmem>>
        tpu.wait_dma2 semaphore(%arg13 : memref<!tpu.dma_semaphore, #tpu.memory_space<semaphore_mem>>) src(%dma_wait3A_831 : memref<64xf32, #tpu.memory_space<vmem>>) dst(%dma_wait3A_828 : memref<64xf32, #tpu.memory_space<hbm>>)
        %dma_wait3A_832 = arith.constant 15 : i32
        %dma_wait3A_833 = arith.constant 0 : i32
        %dma_wait3A_834 = tpu.memref_slice %arg11[%dma_wait3A_832, %dma_wait3A_833] : memref<16x64xf32, #tpu.memory_space<vmem>> -> memref<1x64xf32, #tpu.memory_space<vmem>>
        %dma_wait3A_835 = tpu.memref_squeeze %dma_wait3A_834 : memref<1x64xf32, #tpu.memory_space<vmem>> -> memref<64xf32, #tpu.memory_space<vmem>>
        %dma_wait3A_836 = tpu.memref_slice %arg6[%mul3A_687] : memref<1081344xf32, #tpu.memory_space<hbm>> -> memref<64xf32, #tpu.memory_space<hbm>>
        %dma_wait3A_837 = tpu.memref_slice %arg6[%mul3A_687] : memref<1081344xf32, #tpu.memory_space<hbm>> -> memref<64xf32, #tpu.memory_space<hbm>>
        %dma_wait3A_838 = arith.constant 0 : i32
        %dma_wait3A_839 = tpu.memref_slice %arg11[%dma_wait3A_832, %dma_wait3A_838] : memref<16x64xf32, #tpu.memory_space<vmem>> -> memref<1x64xf32, #tpu.memory_space<vmem>>
        %dma_wait3A_840 = tpu.memref_squeeze %dma_wait3A_839 : memref<1x64xf32, #tpu.memory_space<vmem>> -> memref<64xf32, #tpu.memory_space<vmem>>
        tpu.wait_dma2 semaphore(%arg13 : memref<!tpu.dma_semaphore, #tpu.memory_space<semaphore_mem>>) src(%dma_wait3A_840 : memref<64xf32, #tpu.memory_space<vmem>>) dst(%dma_wait3A_837 : memref<64xf32, #tpu.memory_space<hbm>>)
      }
      %while3A_139 = arith.constant 1 : i32
      scf.for %while3A_140 = %while3A_137 to %while3A_133 step %while3A_139  : i32 {
        %mul3A_141 = arith.constant 16 : i32
        %mul3A_142 = arith.muli %while3A_140, %mul3A_141 : i32
        %add3A_143 = arith.addi %scan3A_49, %mul3A_142 : i32
        %sub3A_144 = arith.subi %squeeze3A_108, %add3A_143 : i32
        %lt3A = vector.broadcast %sub3A_144 : i32 to vector<16xi32>
        %lt3A_145 = arith.cmpi slt, %iota3A, %lt3A : vector<16xi32>
        %get3A_146 = arith.index_cast %add3A_143 : i32 to index
        %get3A_147 = tpu.vector_load %arg7[%get3A_146] {strides = array<i32>} : memref<16384xi32, #tpu.memory_space<vmem>>, vector<16xi32>,
        %get3A_148 = arith.index_cast %add3A_143 : i32 to index
        %get3A_149 = tpu.vector_load %arg8[%get3A_148] {strides = array<i32>} : memref<16384xi32, #tpu.memory_space<vmem>>, vector<16xi32>,
        %sub3A_150 = vector.broadcast %multiple_of3A_59 : i32 to vector<16xi32>
        %sub3A_151 = arith.subi %get3A_147, %sub3A_150 : vector<16xi32>
        %jit3A_152 = arith.constant 0 : i32
        %broadcast_in_dim3A = vector.broadcast %jit3A_152 : i32 to vector<16xi32>
        %select_n3A_153 = arith.select %lt3A_145, %sub3A_151, %broadcast_in_dim3A : vector<16xi1>, vector<16xi32>
        %broadcast_in_dim3A_154 = vector.broadcast %rem3A_51 : i32 to vector<16xi32>
        %broadcast_in_dim3A_155 = arith.constant 0 : i32
        %broadcast_in_dim3A_156 = vector.broadcast %broadcast_in_dim3A_155 : i32 to vector<16xi32>
        %gather3A = tpu.vector_load_idx %arg10[%broadcast_in_dim3A_154, %broadcast_in_dim3A_156, %select_n3A_153] : memref<2x64x640xf32, #tpu.memory_space<vmem>>[vector<16xi32>, vector<16xi32>, vector<16xi32>], vector<16xf32>,
        tpu.vector_store_idx %arg11[%iota3A, %broadcast_in_dim3A_156], %gather3A : memref<16x64xf32, #tpu.memory_space<vmem>>[vector<16xi32>, vector<16xi32>], vector<16xf32>,
        %broadcast_in_dim3A_157 = arith.constant 1 : i32
        %broadcast_in_dim3A_158 = vector.broadcast %broadcast_in_dim3A_157 : i32 to vector<16xi32>
        %gather3A_159 = tpu.vector_load_idx %arg10[%broadcast_in_dim3A_154, %broadcast_in_dim3A_158, %select_n3A_153] : memref<2x64x640xf32, #tpu.memory_space<vmem>>[vector<16xi32>, vector<16xi32>, vector<16xi32>], vector<16xf32>,
        tpu.vector_store_idx %arg11[%iota3A, %broadcast_in_dim3A_158], %gather3A_159 : memref<16x64xf32, #tpu.memory_space<vmem>>[vector<16xi32>, vector<16xi32>], vector<16xf32>,
        %broadcast_in_dim3A_160 = arith.constant 2 : i32
        %broadcast_in_dim3A_161 = vector.broadcast %broadcast_in_dim3A_160 : i32 to vector<16xi32>
        %gather3A_162 = tpu.vector_load_idx %arg10[%broadcast_in_dim3A_154, %broadcast_in_dim3A_161, %select_n3A_153] : memref<2x64x640xf32, #tpu.memory_space<vmem>>[vector<16xi32>, vector<16xi32>, vector<16xi32>], vector<16xf32>,
        tpu.vector_store_idx %arg11[%iota3A, %broadcast_in_dim3A_161], %gather3A_162 : memref<16x64xf32, #tpu.memory_space<vmem>>[vector<16xi32>, vector<16xi32>], vector<16xf32>,
        %broadcast_in_dim3A_163 = arith.constant 3 : i32
        %broadcast_in_dim3A_164 = vector.broadcast %broadcast_in_dim3A_163 : i32 to vector<16xi32>
        %gather3A_165 = tpu.vector_load_idx %arg10[%broadcast_in_dim3A_154, %broadcast_in_dim3A_164, %select_n3A_153] : memref<2x64x640xf32, #tpu.memory_space<vmem>>[vector<16xi32>, vector<16xi32>, vector<16xi32>], vector<16xf32>,
        tpu.vector_store_idx %arg11[%iota3A, %broadcast_in_dim3A_164], %gather3A_165 : memref<16x64xf32, #tpu.memory_space<vmem>>[vector<16xi32>, vector<16xi32>], vector<16xf32>,
        %broadcast_in_dim3A_166 = arith.constant 4 : i32
        %broadcast_in_dim3A_167 = vector.broadcast %broadcast_in_dim3A_166 : i32 to vector<16xi32>
        %gather3A_168 = tpu.vector_load_idx %arg10[%broadcast_in_dim3A_154, %broadcast_in_dim3A_167, %select_n3A_153] : memref<2x64x640xf32, #tpu.memory_space<vmem>>[vector<16xi32>, vector<16xi32>, vector<16xi32>], vector<16xf32>,
        tpu.vector_store_idx %arg11[%iota3A, %broadcast_in_dim3A_167], %gather3A_168 : memref<16x64xf32, #tpu.memory_space<vmem>>[vector<16xi32>, vector<16xi32>], vector<16xf32>,
        %broadcast_in_dim3A_169 = arith.constant 5 : i32
        %broadcast_in_dim3A_170 = vector.broadcast %broadcast_in_dim3A_169 : i32 to vector<16xi32>
        %gather3A_171 = tpu.vector_load_idx %arg10[%broadcast_in_dim3A_154, %broadcast_in_dim3A_170, %select_n3A_153] : memref<2x64x640xf32, #tpu.memory_space<vmem>>[vector<16xi32>, vector<16xi32>, vector<16xi32>], vector<16xf32>,
        tpu.vector_store_idx %arg11[%iota3A, %broadcast_in_dim3A_170], %gather3A_171 : memref<16x64xf32, #tpu.memory_space<vmem>>[vector<16xi32>, vector<16xi32>], vector<16xf32>,
        %broadcast_in_dim3A_172 = arith.constant 6 : i32
        %broadcast_in_dim3A_173 = vector.broadcast %broadcast_in_dim3A_172 : i32 to vector<16xi32>
        %gather3A_174 = tpu.vector_load_idx %arg10[%broadcast_in_dim3A_154, %broadcast_in_dim3A_173, %select_n3A_153] : memref<2x64x640xf32, #tpu.memory_space<vmem>>[vector<16xi32>, vector<16xi32>, vector<16xi32>], vector<16xf32>,
        tpu.vector_store_idx %arg11[%iota3A, %broadcast_in_dim3A_173], %gather3A_174 : memref<16x64xf32, #tpu.memory_space<vmem>>[vector<16xi32>, vector<16xi32>], vector<16xf32>,
        %broadcast_in_dim3A_175 = arith.constant 7 : i32
        %broadcast_in_dim3A_176 = vector.broadcast %broadcast_in_dim3A_175 : i32 to vector<16xi32>
        %gather3A_177 = tpu.vector_load_idx %arg10[%broadcast_in_dim3A_154, %broadcast_in_dim3A_176, %select_n3A_153] : memref<2x64x640xf32, #tpu.memory_space<vmem>>[vector<16xi32>, vector<16xi32>, vector<16xi32>], vector<16xf32>,
        tpu.vector_store_idx %arg11[%iota3A, %broadcast_in_dim3A_176], %gather3A_177 : memref<16x64xf32, #tpu.memory_space<vmem>>[vector<16xi32>, vector<16xi32>], vector<16xf32>,
        %broadcast_in_dim3A_178 = arith.constant 8 : i32
        %broadcast_in_dim3A_179 = vector.broadcast %broadcast_in_dim3A_178 : i32 to vector<16xi32>
        %gather3A_180 = tpu.vector_load_idx %arg10[%broadcast_in_dim3A_154, %broadcast_in_dim3A_179, %select_n3A_153] : memref<2x64x640xf32, #tpu.memory_space<vmem>>[vector<16xi32>, vector<16xi32>, vector<16xi32>], vector<16xf32>,
        tpu.vector_store_idx %arg11[%iota3A, %broadcast_in_dim3A_179], %gather3A_180 : memref<16x64xf32, #tpu.memory_space<vmem>>[vector<16xi32>, vector<16xi32>], vector<16xf32>,
        %broadcast_in_dim3A_181 = arith.constant 9 : i32
        %broadcast_in_dim3A_182 = vector.broadcast %broadcast_in_dim3A_181 : i32 to vector<16xi32>
        %gather3A_183 = tpu.vector_load_idx %arg10[%broadcast_in_dim3A_154, %broadcast_in_dim3A_182, %select_n3A_153] : memref<2x64x640xf32, #tpu.memory_space<vmem>>[vector<16xi32>, vector<16xi32>, vector<16xi32>], vector<16xf32>,
        tpu.vector_store_idx %arg11[%iota3A, %broadcast_in_dim3A_182], %gather3A_183 : memref<16x64xf32, #tpu.memory_space<vmem>>[vector<16xi32>, vector<16xi32>], vector<16xf32>,
        %broadcast_in_dim3A_184 = arith.constant 10 : i32
        %broadcast_in_dim3A_185 = vector.broadcast %broadcast_in_dim3A_184 : i32 to vector<16xi32>
        %gather3A_186 = tpu.vector_load_idx %arg10[%broadcast_in_dim3A_154, %broadcast_in_dim3A_185, %select_n3A_153] : memref<2x64x640xf32, #tpu.memory_space<vmem>>[vector<16xi32>, vector<16xi32>, vector<16xi32>], vector<16xf32>,
        tpu.vector_store_idx %arg11[%iota3A, %broadcast_in_dim3A_185], %gather3A_186 : memref<16x64xf32, #tpu.memory_space<vmem>>[vector<16xi32>, vector<16xi32>], vector<16xf32>,
        %broadcast_in_dim3A_187 = arith.constant 11 : i32
        %broadcast_in_dim3A_188 = vector.broadcast %broadcast_in_dim3A_187 : i32 to vector<16xi32>
        %gather3A_189 = tpu.vector_load_idx %arg10[%broadcast_in_dim3A_154, %broadcast_in_dim3A_188, %select_n3A_153] : memref<2x64x640xf32, #tpu.memory_space<vmem>>[vector<16xi32>, vector<16xi32>, vector<16xi32>], vector<16xf32>,
        tpu.vector_store_idx %arg11[%iota3A, %broadcast_in_dim3A_188], %gather3A_189 : memref<16x64xf32, #tpu.memory_space<vmem>>[vector<16xi32>, vector<16xi32>], vector<16xf32>,
        %broadcast_in_dim3A_190 = arith.constant 12 : i32
        %broadcast_in_dim3A_191 = vector.broadcast %broadcast_in_dim3A_190 : i32 to vector<16xi32>
        %gather3A_192 = tpu.vector_load_idx %arg10[%broadcast_in_dim3A_154, %broadcast_in_dim3A_191, %select_n3A_153] : memref<2x64x640xf32, #tpu.memory_space<vmem>>[vector<16xi32>, vector<16xi32>, vector<16xi32>], vector<16xf32>,
        tpu.vector_store_idx %arg11[%iota3A, %broadcast_in_dim3A_191], %gather3A_192 : memref<16x64xf32, #tpu.memory_space<vmem>>[vector<16xi32>, vector<16xi32>], vector<16xf32>,
        %broadcast_in_dim3A_193 = arith.constant 13 : i32
        %broadcast_in_dim3A_194 = vector.broadcast %broadcast_in_dim3A_193 : i32 to vector<16xi32>
        %gather3A_195 = tpu.vector_load_idx %arg10[%broadcast_in_dim3A_154, %broadcast_in_dim3A_194, %select_n3A_153] : memref<2x64x640xf32, #tpu.memory_space<vmem>>[vector<16xi32>, vector<16xi32>, vector<16xi32>], vector<16xf32>,
        tpu.vector_store_idx %arg11[%iota3A, %broadcast_in_dim3A_194], %gather3A_195 : memref<16x64xf32, #tpu.memory_space<vmem>>[vector<16xi32>, vector<16xi32>], vector<16xf32>,
        %broadcast_in_dim3A_196 = arith.constant 14 : i32
        %broadcast_in_dim3A_197 = vector.broadcast %broadcast_in_dim3A_196 : i32 to vector<16xi32>
        %gather3A_198 = tpu.vector_load_idx %arg10[%broadcast_in_dim3A_154, %broadcast_in_dim3A_197, %select_n3A_153] : memref<2x64x640xf32, #tpu.memory_space<vmem>>[vector<16xi32>, vector<16xi32>, vector<16xi32>], vector<16xf32>,
        tpu.vector_store_idx %arg11[%iota3A, %broadcast_in_dim3A_197], %gather3A_198 : memref<16x64xf32, #tpu.memory_space<vmem>>[vector<16xi32>, vector<16xi32>], vector<16xf32>,
        %broadcast_in_dim3A_199 = arith.constant 15 : i32
        %broadcast_in_dim3A_200 = vector.broadcast %broadcast_in_dim3A_199 : i32 to vector<16xi32>
        %gather3A_201 = tpu.vector_load_idx %arg10[%broadcast_in_dim3A_154, %broadcast_in_dim3A_200, %select_n3A_153] : memref<2x64x640xf32, #tpu.memory_space<vmem>>[vector<16xi32>, vector<16xi32>, vector<16xi32>], vector<16xf32>,
        tpu.vector_store_idx %arg11[%iota3A, %broadcast_in_dim3A_200], %gather3A_201 : memref<16x64xf32, #tpu.memory_space<vmem>>[vector<16xi32>, vector<16xi32>], vector<16xf32>,
        %broadcast_in_dim3A_202 = arith.constant 16 : i32
        %broadcast_in_dim3A_203 = vector.broadcast %broadcast_in_dim3A_202 : i32 to vector<16xi32>
        %gather3A_204 = tpu.vector_load_idx %arg10[%broadcast_in_dim3A_154, %broadcast_in_dim3A_203, %select_n3A_153] : memref<2x64x640xf32, #tpu.memory_space<vmem>>[vector<16xi32>, vector<16xi32>, vector<16xi32>], vector<16xf32>,
        tpu.vector_store_idx %arg11[%iota3A, %broadcast_in_dim3A_203], %gather3A_204 : memref<16x64xf32, #tpu.memory_space<vmem>>[vector<16xi32>, vector<16xi32>], vector<16xf32>,
        %broadcast_in_dim3A_205 = arith.constant 17 : i32
        %broadcast_in_dim3A_206 = vector.broadcast %broadcast_in_dim3A_205 : i32 to vector<16xi32>
        %gather3A_207 = tpu.vector_load_idx %arg10[%broadcast_in_dim3A_154, %broadcast_in_dim3A_206, %select_n3A_153] : memref<2x64x640xf32, #tpu.memory_space<vmem>>[vector<16xi32>, vector<16xi32>, vector<16xi32>], vector<16xf32>,
        tpu.vector_store_idx %arg11[%iota3A, %broadcast_in_dim3A_206], %gather3A_207 : memref<16x64xf32, #tpu.memory_space<vmem>>[vector<16xi32>, vector<16xi32>], vector<16xf32>,
        %broadcast_in_dim3A_208 = arith.constant 18 : i32
        %broadcast_in_dim3A_209 = vector.broadcast %broadcast_in_dim3A_208 : i32 to vector<16xi32>
        %gather3A_210 = tpu.vector_load_idx %arg10[%broadcast_in_dim3A_154, %broadcast_in_dim3A_209, %select_n3A_153] : memref<2x64x640xf32, #tpu.memory_space<vmem>>[vector<16xi32>, vector<16xi32>, vector<16xi32>], vector<16xf32>,
        tpu.vector_store_idx %arg11[%iota3A, %broadcast_in_dim3A_209], %gather3A_210 : memref<16x64xf32, #tpu.memory_space<vmem>>[vector<16xi32>, vector<16xi32>], vector<16xf32>,
        %broadcast_in_dim3A_211 = arith.constant 19 : i32
        %broadcast_in_dim3A_212 = vector.broadcast %broadcast_in_dim3A_211 : i32 to vector<16xi32>
        %gather3A_213 = tpu.vector_load_idx %arg10[%broadcast_in_dim3A_154, %broadcast_in_dim3A_212, %select_n3A_153] : memref<2x64x640xf32, #tpu.memory_space<vmem>>[vector<16xi32>, vector<16xi32>, vector<16xi32>], vector<16xf32>,
        tpu.vector_store_idx %arg11[%iota3A, %broadcast_in_dim3A_212], %gather3A_213 : memref<16x64xf32, #tpu.memory_space<vmem>>[vector<16xi32>, vector<16xi32>], vector<16xf32>,
        %broadcast_in_dim3A_214 = arith.constant 20 : i32
        %broadcast_in_dim3A_215 = vector.broadcast %broadcast_in_dim3A_214 : i32 to vector<16xi32>
        %gather3A_216 = tpu.vector_load_idx %arg10[%broadcast_in_dim3A_154, %broadcast_in_dim3A_215, %select_n3A_153] : memref<2x64x640xf32, #tpu.memory_space<vmem>>[vector<16xi32>, vector<16xi32>, vector<16xi32>], vector<16xf32>,
        tpu.vector_store_idx %arg11[%iota3A, %broadcast_in_dim3A_215], %gather3A_216 : memref<16x64xf32, #tpu.memory_space<vmem>>[vector<16xi32>, vector<16xi32>], vector<16xf32>,
        %broadcast_in_dim3A_217 = arith.constant 21 : i32
        %broadcast_in_dim3A_218 = vector.broadcast %broadcast_in_dim3A_217 : i32 to vector<16xi32>
        %gather3A_219 = tpu.vector_load_idx %arg10[%broadcast_in_dim3A_154, %broadcast_in_dim3A_218, %select_n3A_153] : memref<2x64x640xf32, #tpu.memory_space<vmem>>[vector<16xi32>, vector<16xi32>, vector<16xi32>], vector<16xf32>,
        tpu.vector_store_idx %arg11[%iota3A, %broadcast_in_dim3A_218], %gather3A_219 : memref<16x64xf32, #tpu.memory_space<vmem>>[vector<16xi32>, vector<16xi32>], vector<16xf32>,
        %broadcast_in_dim3A_220 = arith.constant 22 : i32
        %broadcast_in_dim3A_221 = vector.broadcast %broadcast_in_dim3A_220 : i32 to vector<16xi32>
        %gather3A_222 = tpu.vector_load_idx %arg10[%broadcast_in_dim3A_154, %broadcast_in_dim3A_221, %select_n3A_153] : memref<2x64x640xf32, #tpu.memory_space<vmem>>[vector<16xi32>, vector<16xi32>, vector<16xi32>], vector<16xf32>,
        tpu.vector_store_idx %arg11[%iota3A, %broadcast_in_dim3A_221], %gather3A_222 : memref<16x64xf32, #tpu.memory_space<vmem>>[vector<16xi32>, vector<16xi32>], vector<16xf32>,
        %broadcast_in_dim3A_223 = arith.constant 23 : i32
        %broadcast_in_dim3A_224 = vector.broadcast %broadcast_in_dim3A_223 : i32 to vector<16xi32>
        %gather3A_225 = tpu.vector_load_idx %arg10[%broadcast_in_dim3A_154, %broadcast_in_dim3A_224, %select_n3A_153] : memref<2x64x640xf32, #tpu.memory_space<vmem>>[vector<16xi32>, vector<16xi32>, vector<16xi32>], vector<16xf32>,
        tpu.vector_store_idx %arg11[%iota3A, %broadcast_in_dim3A_224], %gather3A_225 : memref<16x64xf32, #tpu.memory_space<vmem>>[vector<16xi32>, vector<16xi32>], vector<16xf32>,
        %broadcast_in_dim3A_226 = arith.constant 24 : i32
        %broadcast_in_dim3A_227 = vector.broadcast %broadcast_in_dim3A_226 : i32 to vector<16xi32>
        %gather3A_228 = tpu.vector_load_idx %arg10[%broadcast_in_dim3A_154, %broadcast_in_dim3A_227, %select_n3A_153] : memref<2x64x640xf32, #tpu.memory_space<vmem>>[vector<16xi32>, vector<16xi32>, vector<16xi32>], vector<16xf32>,
        tpu.vector_store_idx %arg11[%iota3A, %broadcast_in_dim3A_227], %gather3A_228 : memref<16x64xf32, #tpu.memory_space<vmem>>[vector<16xi32>, vector<16xi32>], vector<16xf32>,
        %broadcast_in_dim3A_229 = arith.constant 25 : i32
        %broadcast_in_dim3A_230 = vector.broadcast %broadcast_in_dim3A_229 : i32 to vector<16xi32>
        %gather3A_231 = tpu.vector_load_idx %arg10[%broadcast_in_dim3A_154, %broadcast_in_dim3A_230, %select_n3A_153] : memref<2x64x640xf32, #tpu.memory_space<vmem>>[vector<16xi32>, vector<16xi32>, vector<16xi32>], vector<16xf32>,
        tpu.vector_store_idx %arg11[%iota3A, %broadcast_in_dim3A_230], %gather3A_231 : memref<16x64xf32, #tpu.memory_space<vmem>>[vector<16xi32>, vector<16xi32>], vector<16xf32>,
        %broadcast_in_dim3A_232 = arith.constant 26 : i32
        %broadcast_in_dim3A_233 = vector.broadcast %broadcast_in_dim3A_232 : i32 to vector<16xi32>
        %gather3A_234 = tpu.vector_load_idx %arg10[%broadcast_in_dim3A_154, %broadcast_in_dim3A_233, %select_n3A_153] : memref<2x64x640xf32, #tpu.memory_space<vmem>>[vector<16xi32>, vector<16xi32>, vector<16xi32>], vector<16xf32>,
        tpu.vector_store_idx %arg11[%iota3A, %broadcast_in_dim3A_233], %gather3A_234 : memref<16x64xf32, #tpu.memory_space<vmem>>[vector<16xi32>, vector<16xi32>], vector<16xf32>,
        %broadcast_in_dim3A_235 = arith.constant 27 : i32
        %broadcast_in_dim3A_236 = vector.broadcast %broadcast_in_dim3A_235 : i32 to vector<16xi32>
        %gather3A_237 = tpu.vector_load_idx %arg10[%broadcast_in_dim3A_154, %broadcast_in_dim3A_236, %select_n3A_153] : memref<2x64x640xf32, #tpu.memory_space<vmem>>[vector<16xi32>, vector<16xi32>, vector<16xi32>], vector<16xf32>,
        tpu.vector_store_idx %arg11[%iota3A, %broadcast_in_dim3A_236], %gather3A_237 : memref<16x64xf32, #tpu.memory_space<vmem>>[vector<16xi32>, vector<16xi32>], vector<16xf32>,
        %broadcast_in_dim3A_238 = arith.constant 28 : i32
        %broadcast_in_dim3A_239 = vector.broadcast %broadcast_in_dim3A_238 : i32 to vector<16xi32>
        %gather3A_240 = tpu.vector_load_idx %arg10[%broadcast_in_dim3A_154, %broadcast_in_dim3A_239, %select_n3A_153] : memref<2x64x640xf32, #tpu.memory_space<vmem>>[vector<16xi32>, vector<16xi32>, vector<16xi32>], vector<16xf32>,
        tpu.vector_store_idx %arg11[%iota3A, %broadcast_in_dim3A_239], %gather3A_240 : memref<16x64xf32, #tpu.memory_space<vmem>>[vector<16xi32>, vector<16xi32>], vector<16xf32>,
        %broadcast_in_dim3A_241 = arith.constant 29 : i32
        %broadcast_in_dim3A_242 = vector.broadcast %broadcast_in_dim3A_241 : i32 to vector<16xi32>
        %gather3A_243 = tpu.vector_load_idx %arg10[%broadcast_in_dim3A_154, %broadcast_in_dim3A_242, %select_n3A_153] : memref<2x64x640xf32, #tpu.memory_space<vmem>>[vector<16xi32>, vector<16xi32>, vector<16xi32>], vector<16xf32>,
        tpu.vector_store_idx %arg11[%iota3A, %broadcast_in_dim3A_242], %gather3A_243 : memref<16x64xf32, #tpu.memory_space<vmem>>[vector<16xi32>, vector<16xi32>], vector<16xf32>,
        %broadcast_in_dim3A_244 = arith.constant 30 : i32
        %broadcast_in_dim3A_245 = vector.broadcast %broadcast_in_dim3A_244 : i32 to vector<16xi32>
        %gather3A_246 = tpu.vector_load_idx %arg10[%broadcast_in_dim3A_154, %broadcast_in_dim3A_245, %select_n3A_153] : memref<2x64x640xf32, #tpu.memory_space<vmem>>[vector<16xi32>, vector<16xi32>, vector<16xi32>], vector<16xf32>,
        tpu.vector_store_idx %arg11[%iota3A, %broadcast_in_dim3A_245], %gather3A_246 : memref<16x64xf32, #tpu.memory_space<vmem>>[vector<16xi32>, vector<16xi32>], vector<16xf32>,
        %broadcast_in_dim3A_247 = arith.constant 31 : i32
        %broadcast_in_dim3A_248 = vector.broadcast %broadcast_in_dim3A_247 : i32 to vector<16xi32>
        %gather3A_249 = tpu.vector_load_idx %arg10[%broadcast_in_dim3A_154, %broadcast_in_dim3A_248, %select_n3A_153] : memref<2x64x640xf32, #tpu.memory_space<vmem>>[vector<16xi32>, vector<16xi32>, vector<16xi32>], vector<16xf32>,
        tpu.vector_store_idx %arg11[%iota3A, %broadcast_in_dim3A_248], %gather3A_249 : memref<16x64xf32, #tpu.memory_space<vmem>>[vector<16xi32>, vector<16xi32>], vector<16xf32>,
        %broadcast_in_dim3A_250 = arith.constant 32 : i32
        %broadcast_in_dim3A_251 = vector.broadcast %broadcast_in_dim3A_250 : i32 to vector<16xi32>
        %gather3A_252 = tpu.vector_load_idx %arg10[%broadcast_in_dim3A_154, %broadcast_in_dim3A_251, %select_n3A_153] : memref<2x64x640xf32, #tpu.memory_space<vmem>>[vector<16xi32>, vector<16xi32>, vector<16xi32>], vector<16xf32>,
        tpu.vector_store_idx %arg11[%iota3A, %broadcast_in_dim3A_251], %gather3A_252 : memref<16x64xf32, #tpu.memory_space<vmem>>[vector<16xi32>, vector<16xi32>], vector<16xf32>,
        %broadcast_in_dim3A_253 = arith.constant 33 : i32
        %broadcast_in_dim3A_254 = vector.broadcast %broadcast_in_dim3A_253 : i32 to vector<16xi32>
        %gather3A_255 = tpu.vector_load_idx %arg10[%broadcast_in_dim3A_154, %broadcast_in_dim3A_254, %select_n3A_153] : memref<2x64x640xf32, #tpu.memory_space<vmem>>[vector<16xi32>, vector<16xi32>, vector<16xi32>], vector<16xf32>,
        tpu.vector_store_idx %arg11[%iota3A, %broadcast_in_dim3A_254], %gather3A_255 : memref<16x64xf32, #tpu.memory_space<vmem>>[vector<16xi32>, vector<16xi32>], vector<16xf32>,
        %broadcast_in_dim3A_256 = arith.constant 34 : i32
        %broadcast_in_dim3A_257 = vector.broadcast %broadcast_in_dim3A_256 : i32 to vector<16xi32>
        %gather3A_258 = tpu.vector_load_idx %arg10[%broadcast_in_dim3A_154, %broadcast_in_dim3A_257, %select_n3A_153] : memref<2x64x640xf32, #tpu.memory_space<vmem>>[vector<16xi32>, vector<16xi32>, vector<16xi32>], vector<16xf32>,
        tpu.vector_store_idx %arg11[%iota3A, %broadcast_in_dim3A_257], %gather3A_258 : memref<16x64xf32, #tpu.memory_space<vmem>>[vector<16xi32>, vector<16xi32>], vector<16xf32>,
        %broadcast_in_dim3A_259 = arith.constant 35 : i32
        %broadcast_in_dim3A_260 = vector.broadcast %broadcast_in_dim3A_259 : i32 to vector<16xi32>
        %gather3A_261 = tpu.vector_load_idx %arg10[%broadcast_in_dim3A_154, %broadcast_in_dim3A_260, %select_n3A_153] : memref<2x64x640xf32, #tpu.memory_space<vmem>>[vector<16xi32>, vector<16xi32>, vector<16xi32>], vector<16xf32>,
        tpu.vector_store_idx %arg11[%iota3A, %broadcast_in_dim3A_260], %gather3A_261 : memref<16x64xf32, #tpu.memory_space<vmem>>[vector<16xi32>, vector<16xi32>], vector<16xf32>,
        %broadcast_in_dim3A_262 = arith.constant 36 : i32
        %broadcast_in_dim3A_263 = vector.broadcast %broadcast_in_dim3A_262 : i32 to vector<16xi32>
        %gather3A_264 = tpu.vector_load_idx %arg10[%broadcast_in_dim3A_154, %broadcast_in_dim3A_263, %select_n3A_153] : memref<2x64x640xf32, #tpu.memory_space<vmem>>[vector<16xi32>, vector<16xi32>, vector<16xi32>], vector<16xf32>,
        tpu.vector_store_idx %arg11[%iota3A, %broadcast_in_dim3A_263], %gather3A_264 : memref<16x64xf32, #tpu.memory_space<vmem>>[vector<16xi32>, vector<16xi32>], vector<16xf32>,
        %broadcast_in_dim3A_265 = arith.constant 37 : i32
        %broadcast_in_dim3A_266 = vector.broadcast %broadcast_in_dim3A_265 : i32 to vector<16xi32>
        %gather3A_267 = tpu.vector_load_idx %arg10[%broadcast_in_dim3A_154, %broadcast_in_dim3A_266, %select_n3A_153] : memref<2x64x640xf32, #tpu.memory_space<vmem>>[vector<16xi32>, vector<16xi32>, vector<16xi32>], vector<16xf32>,
        tpu.vector_store_idx %arg11[%iota3A, %broadcast_in_dim3A_266], %gather3A_267 : memref<16x64xf32, #tpu.memory_space<vmem>>[vector<16xi32>, vector<16xi32>], vector<16xf32>,
        %broadcast_in_dim3A_268 = arith.constant 38 : i32
        %broadcast_in_dim3A_269 = vector.broadcast %broadcast_in_dim3A_268 : i32 to vector<16xi32>
        %gather3A_270 = tpu.vector_load_idx %arg10[%broadcast_in_dim3A_154, %broadcast_in_dim3A_269, %select_n3A_153] : memref<2x64x640xf32, #tpu.memory_space<vmem>>[vector<16xi32>, vector<16xi32>, vector<16xi32>], vector<16xf32>,
        tpu.vector_store_idx %arg11[%iota3A, %broadcast_in_dim3A_269], %gather3A_270 : memref<16x64xf32, #tpu.memory_space<vmem>>[vector<16xi32>, vector<16xi32>], vector<16xf32>,
        %broadcast_in_dim3A_271 = arith.constant 39 : i32
        %broadcast_in_dim3A_272 = vector.broadcast %broadcast_in_dim3A_271 : i32 to vector<16xi32>
        %gather3A_273 = tpu.vector_load_idx %arg10[%broadcast_in_dim3A_154, %broadcast_in_dim3A_272, %select_n3A_153] : memref<2x64x640xf32, #tpu.memory_space<vmem>>[vector<16xi32>, vector<16xi32>, vector<16xi32>], vector<16xf32>,
        tpu.vector_store_idx %arg11[%iota3A, %broadcast_in_dim3A_272], %gather3A_273 : memref<16x64xf32, #tpu.memory_space<vmem>>[vector<16xi32>, vector<16xi32>], vector<16xf32>,
        %broadcast_in_dim3A_274 = arith.constant 40 : i32
        %broadcast_in_dim3A_275 = vector.broadcast %broadcast_in_dim3A_274 : i32 to vector<16xi32>
        %gather3A_276 = tpu.vector_load_idx %arg10[%broadcast_in_dim3A_154, %broadcast_in_dim3A_275, %select_n3A_153] : memref<2x64x640xf32, #tpu.memory_space<vmem>>[vector<16xi32>, vector<16xi32>, vector<16xi32>], vector<16xf32>,
        tpu.vector_store_idx %arg11[%iota3A, %broadcast_in_dim3A_275], %gather3A_276 : memref<16x64xf32, #tpu.memory_space<vmem>>[vector<16xi32>, vector<16xi32>], vector<16xf32>,
        %broadcast_in_dim3A_277 = arith.constant 41 : i32
        %broadcast_in_dim3A_278 = vector.broadcast %broadcast_in_dim3A_277 : i32 to vector<16xi32>
        %gather3A_279 = tpu.vector_load_idx %arg10[%broadcast_in_dim3A_154, %broadcast_in_dim3A_278, %select_n3A_153] : memref<2x64x640xf32, #tpu.memory_space<vmem>>[vector<16xi32>, vector<16xi32>, vector<16xi32>], vector<16xf32>,
        tpu.vector_store_idx %arg11[%iota3A, %broadcast_in_dim3A_278], %gather3A_279 : memref<16x64xf32, #tpu.memory_space<vmem>>[vector<16xi32>, vector<16xi32>], vector<16xf32>,
        %broadcast_in_dim3A_280 = arith.constant 42 : i32
        %broadcast_in_dim3A_281 = vector.broadcast %broadcast_in_dim3A_280 : i32 to vector<16xi32>
        %gather3A_282 = tpu.vector_load_idx %arg10[%broadcast_in_dim3A_154, %broadcast_in_dim3A_281, %select_n3A_153] : memref<2x64x640xf32, #tpu.memory_space<vmem>>[vector<16xi32>, vector<16xi32>, vector<16xi32>], vector<16xf32>,
        tpu.vector_store_idx %arg11[%iota3A, %broadcast_in_dim3A_281], %gather3A_282 : memref<16x64xf32, #tpu.memory_space<vmem>>[vector<16xi32>, vector<16xi32>], vector<16xf32>,
        %broadcast_in_dim3A_283 = arith.constant 43 : i32
        %broadcast_in_dim3A_284 = vector.broadcast %broadcast_in_dim3A_283 : i32 to vector<16xi32>
        %gather3A_285 = tpu.vector_load_idx %arg10[%broadcast_in_dim3A_154, %broadcast_in_dim3A_284, %select_n3A_153] : memref<2x64x640xf32, #tpu.memory_space<vmem>>[vector<16xi32>, vector<16xi32>, vector<16xi32>], vector<16xf32>,
        tpu.vector_store_idx %arg11[%iota3A, %broadcast_in_dim3A_284], %gather3A_285 : memref<16x64xf32, #tpu.memory_space<vmem>>[vector<16xi32>, vector<16xi32>], vector<16xf32>,
        %broadcast_in_dim3A_286 = arith.constant 44 : i32
        %broadcast_in_dim3A_287 = vector.broadcast %broadcast_in_dim3A_286 : i32 to vector<16xi32>
        %gather3A_288 = tpu.vector_load_idx %arg10[%broadcast_in_dim3A_154, %broadcast_in_dim3A_287, %select_n3A_153] : memref<2x64x640xf32, #tpu.memory_space<vmem>>[vector<16xi32>, vector<16xi32>, vector<16xi32>], vector<16xf32>,
        tpu.vector_store_idx %arg11[%iota3A, %broadcast_in_dim3A_287], %gather3A_288 : memref<16x64xf32, #tpu.memory_space<vmem>>[vector<16xi32>, vector<16xi32>], vector<16xf32>,
        %broadcast_in_dim3A_289 = arith.constant 45 : i32
        %broadcast_in_dim3A_290 = vector.broadcast %broadcast_in_dim3A_289 : i32 to vector<16xi32>
        %gather3A_291 = tpu.vector_load_idx %arg10[%broadcast_in_dim3A_154, %broadcast_in_dim3A_290, %select_n3A_153] : memref<2x64x640xf32, #tpu.memory_space<vmem>>[vector<16xi32>, vector<16xi32>, vector<16xi32>], vector<16xf32>,
        tpu.vector_store_idx %arg11[%iota3A, %broadcast_in_dim3A_290], %gather3A_291 : memref<16x64xf32, #tpu.memory_space<vmem>>[vector<16xi32>, vector<16xi32>], vector<16xf32>,
        %broadcast_in_dim3A_292 = arith.constant 46 : i32
        %broadcast_in_dim3A_293 = vector.broadcast %broadcast_in_dim3A_292 : i32 to vector<16xi32>
        %gather3A_294 = tpu.vector_load_idx %arg10[%broadcast_in_dim3A_154, %broadcast_in_dim3A_293, %select_n3A_153] : memref<2x64x640xf32, #tpu.memory_space<vmem>>[vector<16xi32>, vector<16xi32>, vector<16xi32>], vector<16xf32>,
        tpu.vector_store_idx %arg11[%iota3A, %broadcast_in_dim3A_293], %gather3A_294 : memref<16x64xf32, #tpu.memory_space<vmem>>[vector<16xi32>, vector<16xi32>], vector<16xf32>,
        %broadcast_in_dim3A_295 = arith.constant 47 : i32
        %broadcast_in_dim3A_296 = vector.broadcast %broadcast_in_dim3A_295 : i32 to vector<16xi32>
        %gather3A_297 = tpu.vector_load_idx %arg10[%broadcast_in_dim3A_154, %broadcast_in_dim3A_296, %select_n3A_153] : memref<2x64x640xf32, #tpu.memory_space<vmem>>[vector<16xi32>, vector<16xi32>, vector<16xi32>], vector<16xf32>,
        tpu.vector_store_idx %arg11[%iota3A, %broadcast_in_dim3A_296], %gather3A_297 : memref<16x64xf32, #tpu.memory_space<vmem>>[vector<16xi32>, vector<16xi32>], vector<16xf32>,
        %broadcast_in_dim3A_298 = arith.constant 48 : i32
        %broadcast_in_dim3A_299 = vector.broadcast %broadcast_in_dim3A_298 : i32 to vector<16xi32>
        %gather3A_300 = tpu.vector_load_idx %arg10[%broadcast_in_dim3A_154, %broadcast_in_dim3A_299, %select_n3A_153] : memref<2x64x640xf32, #tpu.memory_space<vmem>>[vector<16xi32>, vector<16xi32>, vector<16xi32>], vector<16xf32>,
        tpu.vector_store_idx %arg11[%iota3A, %broadcast_in_dim3A_299], %gather3A_300 : memref<16x64xf32, #tpu.memory_space<vmem>>[vector<16xi32>, vector<16xi32>], vector<16xf32>,
        %broadcast_in_dim3A_301 = arith.constant 49 : i32
        %broadcast_in_dim3A_302 = vector.broadcast %broadcast_in_dim3A_301 : i32 to vector<16xi32>
        %gather3A_303 = tpu.vector_load_idx %arg10[%broadcast_in_dim3A_154, %broadcast_in_dim3A_302, %select_n3A_153] : memref<2x64x640xf32, #tpu.memory_space<vmem>>[vector<16xi32>, vector<16xi32>, vector<16xi32>], vector<16xf32>,
        tpu.vector_store_idx %arg11[%iota3A, %broadcast_in_dim3A_302], %gather3A_303 : memref<16x64xf32, #tpu.memory_space<vmem>>[vector<16xi32>, vector<16xi32>], vector<16xf32>,
        %broadcast_in_dim3A_304 = arith.constant 50 : i32
        %broadcast_in_dim3A_305 = vector.broadcast %broadcast_in_dim3A_304 : i32 to vector<16xi32>
        %gather3A_306 = tpu.vector_load_idx %arg10[%broadcast_in_dim3A_154, %broadcast_in_dim3A_305, %select_n3A_153] : memref<2x64x640xf32, #tpu.memory_space<vmem>>[vector<16xi32>, vector<16xi32>, vector<16xi32>], vector<16xf32>,
        tpu.vector_store_idx %arg11[%iota3A, %broadcast_in_dim3A_305], %gather3A_306 : memref<16x64xf32, #tpu.memory_space<vmem>>[vector<16xi32>, vector<16xi32>], vector<16xf32>,
        %broadcast_in_dim3A_307 = arith.constant 51 : i32
        %broadcast_in_dim3A_308 = vector.broadcast %broadcast_in_dim3A_307 : i32 to vector<16xi32>
        %gather3A_309 = tpu.vector_load_idx %arg10[%broadcast_in_dim3A_154, %broadcast_in_dim3A_308, %select_n3A_153] : memref<2x64x640xf32, #tpu.memory_space<vmem>>[vector<16xi32>, vector<16xi32>, vector<16xi32>], vector<16xf32>,
        tpu.vector_store_idx %arg11[%iota3A, %broadcast_in_dim3A_308], %gather3A_309 : memref<16x64xf32, #tpu.memory_space<vmem>>[vector<16xi32>, vector<16xi32>], vector<16xf32>,
        %broadcast_in_dim3A_310 = arith.constant 52 : i32
        %broadcast_in_dim3A_311 = vector.broadcast %broadcast_in_dim3A_310 : i32 to vector<16xi32>
        %gather3A_312 = tpu.vector_load_idx %arg10[%broadcast_in_dim3A_154, %broadcast_in_dim3A_311, %select_n3A_153] : memref<2x64x640xf32, #tpu.memory_space<vmem>>[vector<16xi32>, vector<16xi32>, vector<16xi32>], vector<16xf32>,
        tpu.vector_store_idx %arg11[%iota3A, %broadcast_in_dim3A_311], %gather3A_312 : memref<16x64xf32, #tpu.memory_space<vmem>>[vector<16xi32>, vector<16xi32>], vector<16xf32>,
        %broadcast_in_dim3A_313 = arith.constant 53 : i32
        %broadcast_in_dim3A_314 = vector.broadcast %broadcast_in_dim3A_313 : i32 to vector<16xi32>
        %gather3A_315 = tpu.vector_load_idx %arg10[%broadcast_in_dim3A_154, %broadcast_in_dim3A_314, %select_n3A_153] : memref<2x64x640xf32, #tpu.memory_space<vmem>>[vector<16xi32>, vector<16xi32>, vector<16xi32>], vector<16xf32>,
        tpu.vector_store_idx %arg11[%iota3A, %broadcast_in_dim3A_314], %gather3A_315 : memref<16x64xf32, #tpu.memory_space<vmem>>[vector<16xi32>, vector<16xi32>], vector<16xf32>,
        %broadcast_in_dim3A_316 = arith.constant 54 : i32
        %broadcast_in_dim3A_317 = vector.broadcast %broadcast_in_dim3A_316 : i32 to vector<16xi32>
        %gather3A_318 = tpu.vector_load_idx %arg10[%broadcast_in_dim3A_154, %broadcast_in_dim3A_317, %select_n3A_153] : memref<2x64x640xf32, #tpu.memory_space<vmem>>[vector<16xi32>, vector<16xi32>, vector<16xi32>], vector<16xf32>,
        tpu.vector_store_idx %arg11[%iota3A, %broadcast_in_dim3A_317], %gather3A_318 : memref<16x64xf32, #tpu.memory_space<vmem>>[vector<16xi32>, vector<16xi32>], vector<16xf32>,
        %broadcast_in_dim3A_319 = arith.constant 55 : i32
        %broadcast_in_dim3A_320 = vector.broadcast %broadcast_in_dim3A_319 : i32 to vector<16xi32>
        %gather3A_321 = tpu.vector_load_idx %arg10[%broadcast_in_dim3A_154, %broadcast_in_dim3A_320, %select_n3A_153] : memref<2x64x640xf32, #tpu.memory_space<vmem>>[vector<16xi32>, vector<16xi32>, vector<16xi32>], vector<16xf32>,
        tpu.vector_store_idx %arg11[%iota3A, %broadcast_in_dim3A_320], %gather3A_321 : memref<16x64xf32, #tpu.memory_space<vmem>>[vector<16xi32>, vector<16xi32>], vector<16xf32>,
        %broadcast_in_dim3A_322 = arith.constant 56 : i32
        %broadcast_in_dim3A_323 = vector.broadcast %broadcast_in_dim3A_322 : i32 to vector<16xi32>
        %gather3A_324 = tpu.vector_load_idx %arg10[%broadcast_in_dim3A_154, %broadcast_in_dim3A_323, %select_n3A_153] : memref<2x64x640xf32, #tpu.memory_space<vmem>>[vector<16xi32>, vector<16xi32>, vector<16xi32>], vector<16xf32>,
        tpu.vector_store_idx %arg11[%iota3A, %broadcast_in_dim3A_323], %gather3A_324 : memref<16x64xf32, #tpu.memory_space<vmem>>[vector<16xi32>, vector<16xi32>], vector<16xf32>,
        %broadcast_in_dim3A_325 = arith.constant 57 : i32
        %broadcast_in_dim3A_326 = vector.broadcast %broadcast_in_dim3A_325 : i32 to vector<16xi32>
        %gather3A_327 = tpu.vector_load_idx %arg10[%broadcast_in_dim3A_154, %broadcast_in_dim3A_326, %select_n3A_153] : memref<2x64x640xf32, #tpu.memory_space<vmem>>[vector<16xi32>, vector<16xi32>, vector<16xi32>], vector<16xf32>,
        tpu.vector_store_idx %arg11[%iota3A, %broadcast_in_dim3A_326], %gather3A_327 : memref<16x64xf32, #tpu.memory_space<vmem>>[vector<16xi32>, vector<16xi32>], vector<16xf32>,
        %broadcast_in_dim3A_328 = arith.constant 58 : i32
        %broadcast_in_dim3A_329 = vector.broadcast %broadcast_in_dim3A_328 : i32 to vector<16xi32>
        %gather3A_330 = tpu.vector_load_idx %arg10[%broadcast_in_dim3A_154, %broadcast_in_dim3A_329, %select_n3A_153] : memref<2x64x640xf32, #tpu.memory_space<vmem>>[vector<16xi32>, vector<16xi32>, vector<16xi32>], vector<16xf32>,
        tpu.vector_store_idx %arg11[%iota3A, %broadcast_in_dim3A_329], %gather3A_330 : memref<16x64xf32, #tpu.memory_space<vmem>>[vector<16xi32>, vector<16xi32>], vector<16xf32>,
        %broadcast_in_dim3A_331 = arith.constant 59 : i32
        %broadcast_in_dim3A_332 = vector.broadcast %broadcast_in_dim3A_331 : i32 to vector<16xi32>
        %gather3A_333 = tpu.vector_load_idx %arg10[%broadcast_in_dim3A_154, %broadcast_in_dim3A_332, %select_n3A_153] : memref<2x64x640xf32, #tpu.memory_space<vmem>>[vector<16xi32>, vector<16xi32>, vector<16xi32>], vector<16xf32>,
        tpu.vector_store_idx %arg11[%iota3A, %broadcast_in_dim3A_332], %gather3A_333 : memref<16x64xf32, #tpu.memory_space<vmem>>[vector<16xi32>, vector<16xi32>], vector<16xf32>,
        %broadcast_in_dim3A_334 = arith.constant 60 : i32
        %broadcast_in_dim3A_335 = vector.broadcast %broadcast_in_dim3A_334 : i32 to vector<16xi32>
        %gather3A_336 = tpu.vector_load_idx %arg10[%broadcast_in_dim3A_154, %broadcast_in_dim3A_335, %select_n3A_153] : memref<2x64x640xf32, #tpu.memory_space<vmem>>[vector<16xi32>, vector<16xi32>, vector<16xi32>], vector<16xf32>,
        tpu.vector_store_idx %arg11[%iota3A, %broadcast_in_dim3A_335], %gather3A_336 : memref<16x64xf32, #tpu.memory_space<vmem>>[vector<16xi32>, vector<16xi32>], vector<16xf32>,
        %broadcast_in_dim3A_337 = arith.constant 61 : i32
        %broadcast_in_dim3A_338 = vector.broadcast %broadcast_in_dim3A_337 : i32 to vector<16xi32>
        %gather3A_339 = tpu.vector_load_idx %arg10[%broadcast_in_dim3A_154, %broadcast_in_dim3A_338, %select_n3A_153] : memref<2x64x640xf32, #tpu.memory_space<vmem>>[vector<16xi32>, vector<16xi32>, vector<16xi32>], vector<16xf32>,
        tpu.vector_store_idx %arg11[%iota3A, %broadcast_in_dim3A_338], %gather3A_339 : memref<16x64xf32, #tpu.memory_space<vmem>>[vector<16xi32>, vector<16xi32>], vector<16xf32>,
        %broadcast_in_dim3A_340 = arith.constant 62 : i32
        %broadcast_in_dim3A_341 = vector.broadcast %broadcast_in_dim3A_340 : i32 to vector<16xi32>
        %gather3A_342 = tpu.vector_load_idx %arg10[%broadcast_in_dim3A_154, %broadcast_in_dim3A_341, %select_n3A_153] : memref<2x64x640xf32, #tpu.memory_space<vmem>>[vector<16xi32>, vector<16xi32>, vector<16xi32>], vector<16xf32>,
        tpu.vector_store_idx %arg11[%iota3A, %broadcast_in_dim3A_341], %gather3A_342 : memref<16x64xf32, #tpu.memory_space<vmem>>[vector<16xi32>, vector<16xi32>], vector<16xf32>,
        %broadcast_in_dim3A_343 = arith.constant 63 : i32
        %broadcast_in_dim3A_344 = vector.broadcast %broadcast_in_dim3A_343 : i32 to vector<16xi32>
        %gather3A_345 = tpu.vector_load_idx %arg10[%broadcast_in_dim3A_154, %broadcast_in_dim3A_344, %select_n3A_153] : memref<2x64x640xf32, #tpu.memory_space<vmem>>[vector<16xi32>, vector<16xi32>, vector<16xi32>], vector<16xf32>,
        tpu.vector_store_idx %arg11[%iota3A, %broadcast_in_dim3A_344], %gather3A_345 : memref<16x64xf32, #tpu.memory_space<vmem>>[vector<16xi32>, vector<16xi32>], vector<16xf32>,
        %mul3A_346 = arith.constant 16 : i32
        %mul3A_347 = arith.muli %add3A, %mul3A_346 : i32
        %add3A_348 = arith.constant 16384 : i32
        %add3A_349 = arith.addi %add3A_348, %mul3A_347 : i32
        %add3A_350 = arith.constant 0 : i32
        %add3A_351 = arith.addi %add3A_349, %add3A_350 : i32
        %gt3A = arith.constant 0 : i32
        %gt3A_352 = arith.cmpi sgt, %sub3A_144, %gt3A : i32
        %slice3A_353 = vector.extract_strided_slice %get3A_149 {offsets = [0], sizes = [1], strides = [1]} : vector<16xi32> to vector<1xi32>
        %squeeze3A_354 = vector.extract %slice3A_353[0] : i32 from vector<1xi32>
        %select_n3A_355 = arith.select %gt3A_352, %squeeze3A_354, %add3A_351 : i32
        %mul3A_356 = arith.constant 64 : i32
        %mul3A_357 = arith.muli %select_n3A_355, %mul3A_356 : i32
        %dma_start3A_358 = arith.constant 0 : i32
        %dma_start3A_359 = arith.constant 0 : i32
        %dma_start3A_360 = tpu.memref_slice %arg11[%dma_start3A_358, %dma_start3A_359] : memref<16x64xf32, #tpu.memory_space<vmem>> -> memref<1x64xf32, #tpu.memory_space<vmem>>
        %dma_start3A_361 = tpu.memref_squeeze %dma_start3A_360 : memref<1x64xf32, #tpu.memory_space<vmem>> -> memref<64xf32, #tpu.memory_space<vmem>>
        %dma_start3A_362 = tpu.memref_slice %arg6[%mul3A_357] : memref<1081344xf32, #tpu.memory_space<hbm>> -> memref<64xf32, #tpu.memory_space<hbm>>
        %dma_start3A_363 = tpu.memref_slice %arg6[%mul3A_357] : memref<1081344xf32, #tpu.memory_space<hbm>> -> memref<64xf32, #tpu.memory_space<hbm>>
        %dma_start3A_364 = arith.constant 0 : i32
        %dma_start3A_365 = tpu.memref_slice %arg11[%dma_start3A_358, %dma_start3A_364] : memref<16x64xf32, #tpu.memory_space<vmem>> -> memref<1x64xf32, #tpu.memory_space<vmem>>
        %dma_start3A_366 = tpu.memref_squeeze %dma_start3A_365 : memref<1x64xf32, #tpu.memory_space<vmem>> -> memref<64xf32, #tpu.memory_space<vmem>>
        tpu.enqueue_dma source(%dma_start3A_366 : memref<64xf32, #tpu.memory_space<vmem>>) target(%dma_start3A_363 : memref<64xf32, #tpu.memory_space<hbm>>) target_semaphore(%arg13 : memref<!tpu.dma_semaphore, #tpu.memory_space<semaphore_mem>>)
        %mul3A_367 = arith.constant 16 : i32
        %mul3A_368 = arith.muli %add3A, %mul3A_367 : i32
        %add3A_369 = arith.constant 16384 : i32
        %add3A_370 = arith.addi %add3A_369, %mul3A_368 : i32
        %add3A_371 = arith.constant 1 : i32
        %add3A_372 = arith.addi %add3A_370, %add3A_371 : i32
        %gt3A_373 = arith.constant 1 : i32
        %gt3A_374 = arith.cmpi sgt, %sub3A_144, %gt3A_373 : i32
        %slice3A_375 = vector.extract_strided_slice %get3A_149 {offsets = [1], sizes = [1], strides = [1]} : vector<16xi32> to vector<1xi32>
        %squeeze3A_376 = vector.extract %slice3A_375[0] : i32 from vector<1xi32>
        %select_n3A_377 = arith.select %gt3A_374, %squeeze3A_376, %add3A_372 : i32
        %mul3A_378 = arith.constant 64 : i32
        %mul3A_379 = arith.muli %select_n3A_377, %mul3A_378 : i32
        %dma_start3A_380 = arith.constant 1 : i32
        %dma_start3A_381 = arith.constant 0 : i32
        %dma_start3A_382 = tpu.memref_slice %arg11[%dma_start3A_380, %dma_start3A_381] : memref<16x64xf32, #tpu.memory_space<vmem>> -> memref<1x64xf32, #tpu.memory_space<vmem>>
        %dma_start3A_383 = tpu.memref_squeeze %dma_start3A_382 : memref<1x64xf32, #tpu.memory_space<vmem>> -> memref<64xf32, #tpu.memory_space<vmem>>
        %dma_start3A_384 = tpu.memref_slice %arg6[%mul3A_379] : memref<1081344xf32, #tpu.memory_space<hbm>> -> memref<64xf32, #tpu.memory_space<hbm>>
        %dma_start3A_385 = tpu.memref_slice %arg6[%mul3A_379] : memref<1081344xf32, #tpu.memory_space<hbm>> -> memref<64xf32, #tpu.memory_space<hbm>>
        %dma_start3A_386 = arith.constant 0 : i32
        %dma_start3A_387 = tpu.memref_slice %arg11[%dma_start3A_380, %dma_start3A_386] : memref<16x64xf32, #tpu.memory_space<vmem>> -> memref<1x64xf32, #tpu.memory_space<vmem>>
        %dma_start3A_388 = tpu.memref_squeeze %dma_start3A_387 : memref<1x64xf32, #tpu.memory_space<vmem>> -> memref<64xf32, #tpu.memory_space<vmem>>
        tpu.enqueue_dma source(%dma_start3A_388 : memref<64xf32, #tpu.memory_space<vmem>>) target(%dma_start3A_385 : memref<64xf32, #tpu.memory_space<hbm>>) target_semaphore(%arg13 : memref<!tpu.dma_semaphore, #tpu.memory_space<semaphore_mem>>)
        %mul3A_389 = arith.constant 16 : i32
        %mul3A_390 = arith.muli %add3A, %mul3A_389 : i32
        %add3A_391 = arith.constant 16384 : i32
        %add3A_392 = arith.addi %add3A_391, %mul3A_390 : i32
        %add3A_393 = arith.constant 2 : i32
        %add3A_394 = arith.addi %add3A_392, %add3A_393 : i32
        %gt3A_395 = arith.constant 2 : i32
        %gt3A_396 = arith.cmpi sgt, %sub3A_144, %gt3A_395 : i32
        %slice3A_397 = vector.extract_strided_slice %get3A_149 {offsets = [2], sizes = [1], strides = [1]} : vector<16xi32> to vector<1xi32>
        %squeeze3A_398 = vector.extract %slice3A_397[0] : i32 from vector<1xi32>
        %select_n3A_399 = arith.select %gt3A_396, %squeeze3A_398, %add3A_394 : i32
        %mul3A_400 = arith.constant 64 : i32
        %mul3A_401 = arith.muli %select_n3A_399, %mul3A_400 : i32
        %dma_start3A_402 = arith.constant 2 : i32
        %dma_start3A_403 = arith.constant 0 : i32
        %dma_start3A_404 = tpu.memref_slice %arg11[%dma_start3A_402, %dma_start3A_403] : memref<16x64xf32, #tpu.memory_space<vmem>> -> memref<1x64xf32, #tpu.memory_space<vmem>>
        %dma_start3A_405 = tpu.memref_squeeze %dma_start3A_404 : memref<1x64xf32, #tpu.memory_space<vmem>> -> memref<64xf32, #tpu.memory_space<vmem>>
        %dma_start3A_406 = tpu.memref_slice %arg6[%mul3A_401] : memref<1081344xf32, #tpu.memory_space<hbm>> -> memref<64xf32, #tpu.memory_space<hbm>>
        %dma_start3A_407 = tpu.memref_slice %arg6[%mul3A_401] : memref<1081344xf32, #tpu.memory_space<hbm>> -> memref<64xf32, #tpu.memory_space<hbm>>
        %dma_start3A_408 = arith.constant 0 : i32
        %dma_start3A_409 = tpu.memref_slice %arg11[%dma_start3A_402, %dma_start3A_408] : memref<16x64xf32, #tpu.memory_space<vmem>> -> memref<1x64xf32, #tpu.memory_space<vmem>>
        %dma_start3A_410 = tpu.memref_squeeze %dma_start3A_409 : memref<1x64xf32, #tpu.memory_space<vmem>> -> memref<64xf32, #tpu.memory_space<vmem>>
        tpu.enqueue_dma source(%dma_start3A_410 : memref<64xf32, #tpu.memory_space<vmem>>) target(%dma_start3A_407 : memref<64xf32, #tpu.memory_space<hbm>>) target_semaphore(%arg13 : memref<!tpu.dma_semaphore, #tpu.memory_space<semaphore_mem>>)
        %mul3A_411 = arith.constant 16 : i32
        %mul3A_412 = arith.muli %add3A, %mul3A_411 : i32
        %add3A_413 = arith.constant 16384 : i32
        %add3A_414 = arith.addi %add3A_413, %mul3A_412 : i32
        %add3A_415 = arith.constant 3 : i32
        %add3A_416 = arith.addi %add3A_414, %add3A_415 : i32
        %gt3A_417 = arith.constant 3 : i32
        %gt3A_418 = arith.cmpi sgt, %sub3A_144, %gt3A_417 : i32
        %slice3A_419 = vector.extract_strided_slice %get3A_149 {offsets = [3], sizes = [1], strides = [1]} : vector<16xi32> to vector<1xi32>
        %squeeze3A_420 = vector.extract %slice3A_419[0] : i32 from vector<1xi32>
        %select_n3A_421 = arith.select %gt3A_418, %squeeze3A_420, %add3A_416 : i32
        %mul3A_422 = arith.constant 64 : i32
        %mul3A_423 = arith.muli %select_n3A_421, %mul3A_422 : i32
        %dma_start3A_424 = arith.constant 3 : i32
        %dma_start3A_425 = arith.constant 0 : i32
        %dma_start3A_426 = tpu.memref_slice %arg11[%dma_start3A_424, %dma_start3A_425] : memref<16x64xf32, #tpu.memory_space<vmem>> -> memref<1x64xf32, #tpu.memory_space<vmem>>
        %dma_start3A_427 = tpu.memref_squeeze %dma_start3A_426 : memref<1x64xf32, #tpu.memory_space<vmem>> -> memref<64xf32, #tpu.memory_space<vmem>>
        %dma_start3A_428 = tpu.memref_slice %arg6[%mul3A_423] : memref<1081344xf32, #tpu.memory_space<hbm>> -> memref<64xf32, #tpu.memory_space<hbm>>
        %dma_start3A_429 = tpu.memref_slice %arg6[%mul3A_423] : memref<1081344xf32, #tpu.memory_space<hbm>> -> memref<64xf32, #tpu.memory_space<hbm>>
        %dma_start3A_430 = arith.constant 0 : i32
        %dma_start3A_431 = tpu.memref_slice %arg11[%dma_start3A_424, %dma_start3A_430] : memref<16x64xf32, #tpu.memory_space<vmem>> -> memref<1x64xf32, #tpu.memory_space<vmem>>
        %dma_start3A_432 = tpu.memref_squeeze %dma_start3A_431 : memref<1x64xf32, #tpu.memory_space<vmem>> -> memref<64xf32, #tpu.memory_space<vmem>>
        tpu.enqueue_dma source(%dma_start3A_432 : memref<64xf32, #tpu.memory_space<vmem>>) target(%dma_start3A_429 : memref<64xf32, #tpu.memory_space<hbm>>) target_semaphore(%arg13 : memref<!tpu.dma_semaphore, #tpu.memory_space<semaphore_mem>>)
        %mul3A_433 = arith.constant 16 : i32
        %mul3A_434 = arith.muli %add3A, %mul3A_433 : i32
        %add3A_435 = arith.constant 16384 : i32
        %add3A_436 = arith.addi %add3A_435, %mul3A_434 : i32
        %add3A_437 = arith.constant 4 : i32
        %add3A_438 = arith.addi %add3A_436, %add3A_437 : i32
        %gt3A_439 = arith.constant 4 : i32
        %gt3A_440 = arith.cmpi sgt, %sub3A_144, %gt3A_439 : i32
        %slice3A_441 = vector.extract_strided_slice %get3A_149 {offsets = [4], sizes = [1], strides = [1]} : vector<16xi32> to vector<1xi32>
        %squeeze3A_442 = vector.extract %slice3A_441[0] : i32 from vector<1xi32>
        %select_n3A_443 = arith.select %gt3A_440, %squeeze3A_442, %add3A_438 : i32
        %mul3A_444 = arith.constant 64 : i32
        %mul3A_445 = arith.muli %select_n3A_443, %mul3A_444 : i32
        %dma_start3A_446 = arith.constant 4 : i32
        %dma_start3A_447 = arith.constant 0 : i32
        %dma_start3A_448 = tpu.memref_slice %arg11[%dma_start3A_446, %dma_start3A_447] : memref<16x64xf32, #tpu.memory_space<vmem>> -> memref<1x64xf32, #tpu.memory_space<vmem>>
        %dma_start3A_449 = tpu.memref_squeeze %dma_start3A_448 : memref<1x64xf32, #tpu.memory_space<vmem>> -> memref<64xf32, #tpu.memory_space<vmem>>
        %dma_start3A_450 = tpu.memref_slice %arg6[%mul3A_445] : memref<1081344xf32, #tpu.memory_space<hbm>> -> memref<64xf32, #tpu.memory_space<hbm>>
        %dma_start3A_451 = tpu.memref_slice %arg6[%mul3A_445] : memref<1081344xf32, #tpu.memory_space<hbm>> -> memref<64xf32, #tpu.memory_space<hbm>>
        %dma_start3A_452 = arith.constant 0 : i32
        %dma_start3A_453 = tpu.memref_slice %arg11[%dma_start3A_446, %dma_start3A_452] : memref<16x64xf32, #tpu.memory_space<vmem>> -> memref<1x64xf32, #tpu.memory_space<vmem>>
        %dma_start3A_454 = tpu.memref_squeeze %dma_start3A_453 : memref<1x64xf32, #tpu.memory_space<vmem>> -> memref<64xf32, #tpu.memory_space<vmem>>
        tpu.enqueue_dma source(%dma_start3A_454 : memref<64xf32, #tpu.memory_space<vmem>>) target(%dma_start3A_451 : memref<64xf32, #tpu.memory_space<hbm>>) target_semaphore(%arg13 : memref<!tpu.dma_semaphore, #tpu.memory_space<semaphore_mem>>)
        %mul3A_455 = arith.constant 16 : i32
        %mul3A_456 = arith.muli %add3A, %mul3A_455 : i32
        %add3A_457 = arith.constant 16384 : i32
        %add3A_458 = arith.addi %add3A_457, %mul3A_456 : i32
        %add3A_459 = arith.constant 5 : i32
        %add3A_460 = arith.addi %add3A_458, %add3A_459 : i32
        %gt3A_461 = arith.constant 5 : i32
        %gt3A_462 = arith.cmpi sgt, %sub3A_144, %gt3A_461 : i32
        %slice3A_463 = vector.extract_strided_slice %get3A_149 {offsets = [5], sizes = [1], strides = [1]} : vector<16xi32> to vector<1xi32>
        %squeeze3A_464 = vector.extract %slice3A_463[0] : i32 from vector<1xi32>
        %select_n3A_465 = arith.select %gt3A_462, %squeeze3A_464, %add3A_460 : i32
        %mul3A_466 = arith.constant 64 : i32
        %mul3A_467 = arith.muli %select_n3A_465, %mul3A_466 : i32
        %dma_start3A_468 = arith.constant 5 : i32
        %dma_start3A_469 = arith.constant 0 : i32
        %dma_start3A_470 = tpu.memref_slice %arg11[%dma_start3A_468, %dma_start3A_469] : memref<16x64xf32, #tpu.memory_space<vmem>> -> memref<1x64xf32, #tpu.memory_space<vmem>>
        %dma_start3A_471 = tpu.memref_squeeze %dma_start3A_470 : memref<1x64xf32, #tpu.memory_space<vmem>> -> memref<64xf32, #tpu.memory_space<vmem>>
        %dma_start3A_472 = tpu.memref_slice %arg6[%mul3A_467] : memref<1081344xf32, #tpu.memory_space<hbm>> -> memref<64xf32, #tpu.memory_space<hbm>>
        %dma_start3A_473 = tpu.memref_slice %arg6[%mul3A_467] : memref<1081344xf32, #tpu.memory_space<hbm>> -> memref<64xf32, #tpu.memory_space<hbm>>
        %dma_start3A_474 = arith.constant 0 : i32
        %dma_start3A_475 = tpu.memref_slice %arg11[%dma_start3A_468, %dma_start3A_474] : memref<16x64xf32, #tpu.memory_space<vmem>> -> memref<1x64xf32, #tpu.memory_space<vmem>>
        %dma_start3A_476 = tpu.memref_squeeze %dma_start3A_475 : memref<1x64xf32, #tpu.memory_space<vmem>> -> memref<64xf32, #tpu.memory_space<vmem>>
        tpu.enqueue_dma source(%dma_start3A_476 : memref<64xf32, #tpu.memory_space<vmem>>) target(%dma_start3A_473 : memref<64xf32, #tpu.memory_space<hbm>>) target_semaphore(%arg13 : memref<!tpu.dma_semaphore, #tpu.memory_space<semaphore_mem>>)
        %mul3A_477 = arith.constant 16 : i32
        %mul3A_478 = arith.muli %add3A, %mul3A_477 : i32
        %add3A_479 = arith.constant 16384 : i32
        %add3A_480 = arith.addi %add3A_479, %mul3A_478 : i32
        %add3A_481 = arith.constant 6 : i32
        %add3A_482 = arith.addi %add3A_480, %add3A_481 : i32
        %gt3A_483 = arith.constant 6 : i32
        %gt3A_484 = arith.cmpi sgt, %sub3A_144, %gt3A_483 : i32
        %slice3A_485 = vector.extract_strided_slice %get3A_149 {offsets = [6], sizes = [1], strides = [1]} : vector<16xi32> to vector<1xi32>
        %squeeze3A_486 = vector.extract %slice3A_485[0] : i32 from vector<1xi32>
        %select_n3A_487 = arith.select %gt3A_484, %squeeze3A_486, %add3A_482 : i32
        %mul3A_488 = arith.constant 64 : i32
        %mul3A_489 = arith.muli %select_n3A_487, %mul3A_488 : i32
        %dma_start3A_490 = arith.constant 6 : i32
        %dma_start3A_491 = arith.constant 0 : i32
        %dma_start3A_492 = tpu.memref_slice %arg11[%dma_start3A_490, %dma_start3A_491] : memref<16x64xf32, #tpu.memory_space<vmem>> -> memref<1x64xf32, #tpu.memory_space<vmem>>
        %dma_start3A_493 = tpu.memref_squeeze %dma_start3A_492 : memref<1x64xf32, #tpu.memory_space<vmem>> -> memref<64xf32, #tpu.memory_space<vmem>>
        %dma_start3A_494 = tpu.memref_slice %arg6[%mul3A_489] : memref<1081344xf32, #tpu.memory_space<hbm>> -> memref<64xf32, #tpu.memory_space<hbm>>
        %dma_start3A_495 = tpu.memref_slice %arg6[%mul3A_489] : memref<1081344xf32, #tpu.memory_space<hbm>> -> memref<64xf32, #tpu.memory_space<hbm>>
        %dma_start3A_496 = arith.constant 0 : i32
        %dma_start3A_497 = tpu.memref_slice %arg11[%dma_start3A_490, %dma_start3A_496] : memref<16x64xf32, #tpu.memory_space<vmem>> -> memref<1x64xf32, #tpu.memory_space<vmem>>
        %dma_start3A_498 = tpu.memref_squeeze %dma_start3A_497 : memref<1x64xf32, #tpu.memory_space<vmem>> -> memref<64xf32, #tpu.memory_space<vmem>>
        tpu.enqueue_dma source(%dma_start3A_498 : memref<64xf32, #tpu.memory_space<vmem>>) target(%dma_start3A_495 : memref<64xf32, #tpu.memory_space<hbm>>) target_semaphore(%arg13 : memref<!tpu.dma_semaphore, #tpu.memory_space<semaphore_mem>>)
        %mul3A_499 = arith.constant 16 : i32
        %mul3A_500 = arith.muli %add3A, %mul3A_499 : i32
        %add3A_501 = arith.constant 16384 : i32
        %add3A_502 = arith.addi %add3A_501, %mul3A_500 : i32
        %add3A_503 = arith.constant 7 : i32
        %add3A_504 = arith.addi %add3A_502, %add3A_503 : i32
        %gt3A_505 = arith.constant 7 : i32
        %gt3A_506 = arith.cmpi sgt, %sub3A_144, %gt3A_505 : i32
        %slice3A_507 = vector.extract_strided_slice %get3A_149 {offsets = [7], sizes = [1], strides = [1]} : vector<16xi32> to vector<1xi32>
        %squeeze3A_508 = vector.extract %slice3A_507[0] : i32 from vector<1xi32>
        %select_n3A_509 = arith.select %gt3A_506, %squeeze3A_508, %add3A_504 : i32
        %mul3A_510 = arith.constant 64 : i32
        %mul3A_511 = arith.muli %select_n3A_509, %mul3A_510 : i32
        %dma_start3A_512 = arith.constant 7 : i32
        %dma_start3A_513 = arith.constant 0 : i32
        %dma_start3A_514 = tpu.memref_slice %arg11[%dma_start3A_512, %dma_start3A_513] : memref<16x64xf32, #tpu.memory_space<vmem>> -> memref<1x64xf32, #tpu.memory_space<vmem>>
        %dma_start3A_515 = tpu.memref_squeeze %dma_start3A_514 : memref<1x64xf32, #tpu.memory_space<vmem>> -> memref<64xf32, #tpu.memory_space<vmem>>
        %dma_start3A_516 = tpu.memref_slice %arg6[%mul3A_511] : memref<1081344xf32, #tpu.memory_space<hbm>> -> memref<64xf32, #tpu.memory_space<hbm>>
        %dma_start3A_517 = tpu.memref_slice %arg6[%mul3A_511] : memref<1081344xf32, #tpu.memory_space<hbm>> -> memref<64xf32, #tpu.memory_space<hbm>>
        %dma_start3A_518 = arith.constant 0 : i32
        %dma_start3A_519 = tpu.memref_slice %arg11[%dma_start3A_512, %dma_start3A_518] : memref<16x64xf32, #tpu.memory_space<vmem>> -> memref<1x64xf32, #tpu.memory_space<vmem>>
        %dma_start3A_520 = tpu.memref_squeeze %dma_start3A_519 : memref<1x64xf32, #tpu.memory_space<vmem>> -> memref<64xf32, #tpu.memory_space<vmem>>
        tpu.enqueue_dma source(%dma_start3A_520 : memref<64xf32, #tpu.memory_space<vmem>>) target(%dma_start3A_517 : memref<64xf32, #tpu.memory_space<hbm>>) target_semaphore(%arg13 : memref<!tpu.dma_semaphore, #tpu.memory_space<semaphore_mem>>)
        %mul3A_521 = arith.constant 16 : i32
        %mul3A_522 = arith.muli %add3A, %mul3A_521 : i32
        %add3A_523 = arith.constant 16384 : i32
        %add3A_524 = arith.addi %add3A_523, %mul3A_522 : i32
        %add3A_525 = arith.constant 8 : i32
        %add3A_526 = arith.addi %add3A_524, %add3A_525 : i32
        %gt3A_527 = arith.constant 8 : i32
        %gt3A_528 = arith.cmpi sgt, %sub3A_144, %gt3A_527 : i32
        %slice3A_529 = vector.extract_strided_slice %get3A_149 {offsets = [8], sizes = [1], strides = [1]} : vector<16xi32> to vector<1xi32>
        %squeeze3A_530 = vector.extract %slice3A_529[0] : i32 from vector<1xi32>
        %select_n3A_531 = arith.select %gt3A_528, %squeeze3A_530, %add3A_526 : i32
        %mul3A_532 = arith.constant 64 : i32
        %mul3A_533 = arith.muli %select_n3A_531, %mul3A_532 : i32
        %dma_start3A_534 = arith.constant 8 : i32
        %dma_start3A_535 = arith.constant 0 : i32
        %dma_start3A_536 = tpu.memref_slice %arg11[%dma_start3A_534, %dma_start3A_535] : memref<16x64xf32, #tpu.memory_space<vmem>> -> memref<1x64xf32, #tpu.memory_space<vmem>>
        %dma_start3A_537 = tpu.memref_squeeze %dma_start3A_536 : memref<1x64xf32, #tpu.memory_space<vmem>> -> memref<64xf32, #tpu.memory_space<vmem>>
        %dma_start3A_538 = tpu.memref_slice %arg6[%mul3A_533] : memref<1081344xf32, #tpu.memory_space<hbm>> -> memref<64xf32, #tpu.memory_space<hbm>>
        %dma_start3A_539 = tpu.memref_slice %arg6[%mul3A_533] : memref<1081344xf32, #tpu.memory_space<hbm>> -> memref<64xf32, #tpu.memory_space<hbm>>
        %dma_start3A_540 = arith.constant 0 : i32
        %dma_start3A_541 = tpu.memref_slice %arg11[%dma_start3A_534, %dma_start3A_540] : memref<16x64xf32, #tpu.memory_space<vmem>> -> memref<1x64xf32, #tpu.memory_space<vmem>>
        %dma_start3A_542 = tpu.memref_squeeze %dma_start3A_541 : memref<1x64xf32, #tpu.memory_space<vmem>> -> memref<64xf32, #tpu.memory_space<vmem>>
        tpu.enqueue_dma source(%dma_start3A_542 : memref<64xf32, #tpu.memory_space<vmem>>) target(%dma_start3A_539 : memref<64xf32, #tpu.memory_space<hbm>>) target_semaphore(%arg13 : memref<!tpu.dma_semaphore, #tpu.memory_space<semaphore_mem>>)
        %mul3A_543 = arith.constant 16 : i32
        %mul3A_544 = arith.muli %add3A, %mul3A_543 : i32
        %add3A_545 = arith.constant 16384 : i32
        %add3A_546 = arith.addi %add3A_545, %mul3A_544 : i32
        %add3A_547 = arith.constant 9 : i32
        %add3A_548 = arith.addi %add3A_546, %add3A_547 : i32
        %gt3A_549 = arith.constant 9 : i32
        %gt3A_550 = arith.cmpi sgt, %sub3A_144, %gt3A_549 : i32
        %slice3A_551 = vector.extract_strided_slice %get3A_149 {offsets = [9], sizes = [1], strides = [1]} : vector<16xi32> to vector<1xi32>
        %squeeze3A_552 = vector.extract %slice3A_551[0] : i32 from vector<1xi32>
        %select_n3A_553 = arith.select %gt3A_550, %squeeze3A_552, %add3A_548 : i32
        %mul3A_554 = arith.constant 64 : i32
        %mul3A_555 = arith.muli %select_n3A_553, %mul3A_554 : i32
        %dma_start3A_556 = arith.constant 9 : i32
        %dma_start3A_557 = arith.constant 0 : i32
        %dma_start3A_558 = tpu.memref_slice %arg11[%dma_start3A_556, %dma_start3A_557] : memref<16x64xf32, #tpu.memory_space<vmem>> -> memref<1x64xf32, #tpu.memory_space<vmem>>
        %dma_start3A_559 = tpu.memref_squeeze %dma_start3A_558 : memref<1x64xf32, #tpu.memory_space<vmem>> -> memref<64xf32, #tpu.memory_space<vmem>>
        %dma_start3A_560 = tpu.memref_slice %arg6[%mul3A_555] : memref<1081344xf32, #tpu.memory_space<hbm>> -> memref<64xf32, #tpu.memory_space<hbm>>
        %dma_start3A_561 = tpu.memref_slice %arg6[%mul3A_555] : memref<1081344xf32, #tpu.memory_space<hbm>> -> memref<64xf32, #tpu.memory_space<hbm>>
        %dma_start3A_562 = arith.constant 0 : i32
        %dma_start3A_563 = tpu.memref_slice %arg11[%dma_start3A_556, %dma_start3A_562] : memref<16x64xf32, #tpu.memory_space<vmem>> -> memref<1x64xf32, #tpu.memory_space<vmem>>
        %dma_start3A_564 = tpu.memref_squeeze %dma_start3A_563 : memref<1x64xf32, #tpu.memory_space<vmem>> -> memref<64xf32, #tpu.memory_space<vmem>>
        tpu.enqueue_dma source(%dma_start3A_564 : memref<64xf32, #tpu.memory_space<vmem>>) target(%dma_start3A_561 : memref<64xf32, #tpu.memory_space<hbm>>) target_semaphore(%arg13 : memref<!tpu.dma_semaphore, #tpu.memory_space<semaphore_mem>>)
        %mul3A_565 = arith.constant 16 : i32
        %mul3A_566 = arith.muli %add3A, %mul3A_565 : i32
        %add3A_567 = arith.constant 16384 : i32
        %add3A_568 = arith.addi %add3A_567, %mul3A_566 : i32
        %add3A_569 = arith.constant 10 : i32
        %add3A_570 = arith.addi %add3A_568, %add3A_569 : i32
        %gt3A_571 = arith.constant 10 : i32
        %gt3A_572 = arith.cmpi sgt, %sub3A_144, %gt3A_571 : i32
        %slice3A_573 = vector.extract_strided_slice %get3A_149 {offsets = [10], sizes = [1], strides = [1]} : vector<16xi32> to vector<1xi32>
        %squeeze3A_574 = vector.extract %slice3A_573[0] : i32 from vector<1xi32>
        %select_n3A_575 = arith.select %gt3A_572, %squeeze3A_574, %add3A_570 : i32
        %mul3A_576 = arith.constant 64 : i32
        %mul3A_577 = arith.muli %select_n3A_575, %mul3A_576 : i32
        %dma_start3A_578 = arith.constant 10 : i32
        %dma_start3A_579 = arith.constant 0 : i32
        %dma_start3A_580 = tpu.memref_slice %arg11[%dma_start3A_578, %dma_start3A_579] : memref<16x64xf32, #tpu.memory_space<vmem>> -> memref<1x64xf32, #tpu.memory_space<vmem>>
        %dma_start3A_581 = tpu.memref_squeeze %dma_start3A_580 : memref<1x64xf32, #tpu.memory_space<vmem>> -> memref<64xf32, #tpu.memory_space<vmem>>
        %dma_start3A_582 = tpu.memref_slice %arg6[%mul3A_577] : memref<1081344xf32, #tpu.memory_space<hbm>> -> memref<64xf32, #tpu.memory_space<hbm>>
        %dma_start3A_583 = tpu.memref_slice %arg6[%mul3A_577] : memref<1081344xf32, #tpu.memory_space<hbm>> -> memref<64xf32, #tpu.memory_space<hbm>>
        %dma_start3A_584 = arith.constant 0 : i32
        %dma_start3A_585 = tpu.memref_slice %arg11[%dma_start3A_578, %dma_start3A_584] : memref<16x64xf32, #tpu.memory_space<vmem>> -> memref<1x64xf32, #tpu.memory_space<vmem>>
        %dma_start3A_586 = tpu.memref_squeeze %dma_start3A_585 : memref<1x64xf32, #tpu.memory_space<vmem>> -> memref<64xf32, #tpu.memory_space<vmem>>
        tpu.enqueue_dma source(%dma_start3A_586 : memref<64xf32, #tpu.memory_space<vmem>>) target(%dma_start3A_583 : memref<64xf32, #tpu.memory_space<hbm>>) target_semaphore(%arg13 : memref<!tpu.dma_semaphore, #tpu.memory_space<semaphore_mem>>)
        %mul3A_587 = arith.constant 16 : i32
        %mul3A_588 = arith.muli %add3A, %mul3A_587 : i32
        %add3A_589 = arith.constant 16384 : i32
        %add3A_590 = arith.addi %add3A_589, %mul3A_588 : i32
        %add3A_591 = arith.constant 11 : i32
        %add3A_592 = arith.addi %add3A_590, %add3A_591 : i32
        %gt3A_593 = arith.constant 11 : i32
        %gt3A_594 = arith.cmpi sgt, %sub3A_144, %gt3A_593 : i32
        %slice3A_595 = vector.extract_strided_slice %get3A_149 {offsets = [11], sizes = [1], strides = [1]} : vector<16xi32> to vector<1xi32>
        %squeeze3A_596 = vector.extract %slice3A_595[0] : i32 from vector<1xi32>
        %select_n3A_597 = arith.select %gt3A_594, %squeeze3A_596, %add3A_592 : i32
        %mul3A_598 = arith.constant 64 : i32
        %mul3A_599 = arith.muli %select_n3A_597, %mul3A_598 : i32
        %dma_start3A_600 = arith.constant 11 : i32
        %dma_start3A_601 = arith.constant 0 : i32
        %dma_start3A_602 = tpu.memref_slice %arg11[%dma_start3A_600, %dma_start3A_601] : memref<16x64xf32, #tpu.memory_space<vmem>> -> memref<1x64xf32, #tpu.memory_space<vmem>>
        %dma_start3A_603 = tpu.memref_squeeze %dma_start3A_602 : memref<1x64xf32, #tpu.memory_space<vmem>> -> memref<64xf32, #tpu.memory_space<vmem>>
        %dma_start3A_604 = tpu.memref_slice %arg6[%mul3A_599] : memref<1081344xf32, #tpu.memory_space<hbm>> -> memref<64xf32, #tpu.memory_space<hbm>>
        %dma_start3A_605 = tpu.memref_slice %arg6[%mul3A_599] : memref<1081344xf32, #tpu.memory_space<hbm>> -> memref<64xf32, #tpu.memory_space<hbm>>
        %dma_start3A_606 = arith.constant 0 : i32
        %dma_start3A_607 = tpu.memref_slice %arg11[%dma_start3A_600, %dma_start3A_606] : memref<16x64xf32, #tpu.memory_space<vmem>> -> memref<1x64xf32, #tpu.memory_space<vmem>>
        %dma_start3A_608 = tpu.memref_squeeze %dma_start3A_607 : memref<1x64xf32, #tpu.memory_space<vmem>> -> memref<64xf32, #tpu.memory_space<vmem>>
        tpu.enqueue_dma source(%dma_start3A_608 : memref<64xf32, #tpu.memory_space<vmem>>) target(%dma_start3A_605 : memref<64xf32, #tpu.memory_space<hbm>>) target_semaphore(%arg13 : memref<!tpu.dma_semaphore, #tpu.memory_space<semaphore_mem>>)
        %mul3A_609 = arith.constant 16 : i32
        %mul3A_610 = arith.muli %add3A, %mul3A_609 : i32
        %add3A_611 = arith.constant 16384 : i32
        %add3A_612 = arith.addi %add3A_611, %mul3A_610 : i32
        %add3A_613 = arith.constant 12 : i32
        %add3A_614 = arith.addi %add3A_612, %add3A_613 : i32
        %gt3A_615 = arith.constant 12 : i32
        %gt3A_616 = arith.cmpi sgt, %sub3A_144, %gt3A_615 : i32
        %slice3A_617 = vector.extract_strided_slice %get3A_149 {offsets = [12], sizes = [1], strides = [1]} : vector<16xi32> to vector<1xi32>
        %squeeze3A_618 = vector.extract %slice3A_617[0] : i32 from vector<1xi32>
        %select_n3A_619 = arith.select %gt3A_616, %squeeze3A_618, %add3A_614 : i32
        %mul3A_620 = arith.constant 64 : i32
        %mul3A_621 = arith.muli %select_n3A_619, %mul3A_620 : i32
        %dma_start3A_622 = arith.constant 12 : i32
        %dma_start3A_623 = arith.constant 0 : i32
        %dma_start3A_624 = tpu.memref_slice %arg11[%dma_start3A_622, %dma_start3A_623] : memref<16x64xf32, #tpu.memory_space<vmem>> -> memref<1x64xf32, #tpu.memory_space<vmem>>
        %dma_start3A_625 = tpu.memref_squeeze %dma_start3A_624 : memref<1x64xf32, #tpu.memory_space<vmem>> -> memref<64xf32, #tpu.memory_space<vmem>>
        %dma_start3A_626 = tpu.memref_slice %arg6[%mul3A_621] : memref<1081344xf32, #tpu.memory_space<hbm>> -> memref<64xf32, #tpu.memory_space<hbm>>
        %dma_start3A_627 = tpu.memref_slice %arg6[%mul3A_621] : memref<1081344xf32, #tpu.memory_space<hbm>> -> memref<64xf32, #tpu.memory_space<hbm>>
        %dma_start3A_628 = arith.constant 0 : i32
        %dma_start3A_629 = tpu.memref_slice %arg11[%dma_start3A_622, %dma_start3A_628] : memref<16x64xf32, #tpu.memory_space<vmem>> -> memref<1x64xf32, #tpu.memory_space<vmem>>
        %dma_start3A_630 = tpu.memref_squeeze %dma_start3A_629 : memref<1x64xf32, #tpu.memory_space<vmem>> -> memref<64xf32, #tpu.memory_space<vmem>>
        tpu.enqueue_dma source(%dma_start3A_630 : memref<64xf32, #tpu.memory_space<vmem>>) target(%dma_start3A_627 : memref<64xf32, #tpu.memory_space<hbm>>) target_semaphore(%arg13 : memref<!tpu.dma_semaphore, #tpu.memory_space<semaphore_mem>>)
        %mul3A_631 = arith.constant 16 : i32
        %mul3A_632 = arith.muli %add3A, %mul3A_631 : i32
        %add3A_633 = arith.constant 16384 : i32
        %add3A_634 = arith.addi %add3A_633, %mul3A_632 : i32
        %add3A_635 = arith.constant 13 : i32
        %add3A_636 = arith.addi %add3A_634, %add3A_635 : i32
        %gt3A_637 = arith.constant 13 : i32
        %gt3A_638 = arith.cmpi sgt, %sub3A_144, %gt3A_637 : i32
        %slice3A_639 = vector.extract_strided_slice %get3A_149 {offsets = [13], sizes = [1], strides = [1]} : vector<16xi32> to vector<1xi32>
        %squeeze3A_640 = vector.extract %slice3A_639[0] : i32 from vector<1xi32>
        %select_n3A_641 = arith.select %gt3A_638, %squeeze3A_640, %add3A_636 : i32
        %mul3A_642 = arith.constant 64 : i32
        %mul3A_643 = arith.muli %select_n3A_641, %mul3A_642 : i32
        %dma_start3A_644 = arith.constant 13 : i32
        %dma_start3A_645 = arith.constant 0 : i32
        %dma_start3A_646 = tpu.memref_slice %arg11[%dma_start3A_644, %dma_start3A_645] : memref<16x64xf32, #tpu.memory_space<vmem>> -> memref<1x64xf32, #tpu.memory_space<vmem>>
        %dma_start3A_647 = tpu.memref_squeeze %dma_start3A_646 : memref<1x64xf32, #tpu.memory_space<vmem>> -> memref<64xf32, #tpu.memory_space<vmem>>
        %dma_start3A_648 = tpu.memref_slice %arg6[%mul3A_643] : memref<1081344xf32, #tpu.memory_space<hbm>> -> memref<64xf32, #tpu.memory_space<hbm>>
        %dma_start3A_649 = tpu.memref_slice %arg6[%mul3A_643] : memref<1081344xf32, #tpu.memory_space<hbm>> -> memref<64xf32, #tpu.memory_space<hbm>>
        %dma_start3A_650 = arith.constant 0 : i32
        %dma_start3A_651 = tpu.memref_slice %arg11[%dma_start3A_644, %dma_start3A_650] : memref<16x64xf32, #tpu.memory_space<vmem>> -> memref<1x64xf32, #tpu.memory_space<vmem>>
        %dma_start3A_652 = tpu.memref_squeeze %dma_start3A_651 : memref<1x64xf32, #tpu.memory_space<vmem>> -> memref<64xf32, #tpu.memory_space<vmem>>
        tpu.enqueue_dma source(%dma_start3A_652 : memref<64xf32, #tpu.memory_space<vmem>>) target(%dma_start3A_649 : memref<64xf32, #tpu.memory_space<hbm>>) target_semaphore(%arg13 : memref<!tpu.dma_semaphore, #tpu.memory_space<semaphore_mem>>)
        %mul3A_653 = arith.constant 16 : i32
        %mul3A_654 = arith.muli %add3A, %mul3A_653 : i32
        %add3A_655 = arith.constant 16384 : i32
        %add3A_656 = arith.addi %add3A_655, %mul3A_654 : i32
        %add3A_657 = arith.constant 14 : i32
        %add3A_658 = arith.addi %add3A_656, %add3A_657 : i32
        %gt3A_659 = arith.constant 14 : i32
        %gt3A_660 = arith.cmpi sgt, %sub3A_144, %gt3A_659 : i32
        %slice3A_661 = vector.extract_strided_slice %get3A_149 {offsets = [14], sizes = [1], strides = [1]} : vector<16xi32> to vector<1xi32>
        %squeeze3A_662 = vector.extract %slice3A_661[0] : i32 from vector<1xi32>
        %select_n3A_663 = arith.select %gt3A_660, %squeeze3A_662, %add3A_658 : i32
        %mul3A_664 = arith.constant 64 : i32
        %mul3A_665 = arith.muli %select_n3A_663, %mul3A_664 : i32
        %dma_start3A_666 = arith.constant 14 : i32
        %dma_start3A_667 = arith.constant 0 : i32
        %dma_start3A_668 = tpu.memref_slice %arg11[%dma_start3A_666, %dma_start3A_667] : memref<16x64xf32, #tpu.memory_space<vmem>> -> memref<1x64xf32, #tpu.memory_space<vmem>>
        %dma_start3A_669 = tpu.memref_squeeze %dma_start3A_668 : memref<1x64xf32, #tpu.memory_space<vmem>> -> memref<64xf32, #tpu.memory_space<vmem>>
        %dma_start3A_670 = tpu.memref_slice %arg6[%mul3A_665] : memref<1081344xf32, #tpu.memory_space<hbm>> -> memref<64xf32, #tpu.memory_space<hbm>>
        %dma_start3A_671 = tpu.memref_slice %arg6[%mul3A_665] : memref<1081344xf32, #tpu.memory_space<hbm>> -> memref<64xf32, #tpu.memory_space<hbm>>
        %dma_start3A_672 = arith.constant 0 : i32
        %dma_start3A_673 = tpu.memref_slice %arg11[%dma_start3A_666, %dma_start3A_672] : memref<16x64xf32, #tpu.memory_space<vmem>> -> memref<1x64xf32, #tpu.memory_space<vmem>>
        %dma_start3A_674 = tpu.memref_squeeze %dma_start3A_673 : memref<1x64xf32, #tpu.memory_space<vmem>> -> memref<64xf32, #tpu.memory_space<vmem>>
        tpu.enqueue_dma source(%dma_start3A_674 : memref<64xf32, #tpu.memory_space<vmem>>) target(%dma_start3A_671 : memref<64xf32, #tpu.memory_space<hbm>>) target_semaphore(%arg13 : memref<!tpu.dma_semaphore, #tpu.memory_space<semaphore_mem>>)
        %mul3A_675 = arith.constant 16 : i32
        %mul3A_676 = arith.muli %add3A, %mul3A_675 : i32
        %add3A_677 = arith.constant 16384 : i32
        %add3A_678 = arith.addi %add3A_677, %mul3A_676 : i32
        %add3A_679 = arith.constant 15 : i32
        %add3A_680 = arith.addi %add3A_678, %add3A_679 : i32
        %gt3A_681 = arith.constant 15 : i32
        %gt3A_682 = arith.cmpi sgt, %sub3A_144, %gt3A_681 : i32
        %slice3A_683 = vector.extract_strided_slice %get3A_149 {offsets = [15], sizes = [1], strides = [1]} : vector<16xi32> to vector<1xi32>
        %squeeze3A_684 = vector.extract %slice3A_683[0] : i32 from vector<1xi32>
        %select_n3A_685 = arith.select %gt3A_682, %squeeze3A_684, %add3A_680 : i32
        %mul3A_686 = arith.constant 64 : i32
        %mul3A_687 = arith.muli %select_n3A_685, %mul3A_686 : i32
        %dma_start3A_688 = arith.constant 15 : i32
        %dma_start3A_689 = arith.constant 0 : i32
        %dma_start3A_690 = tpu.memref_slice %arg11[%dma_start3A_688, %dma_start3A_689] : memref<16x64xf32, #tpu.memory_space<vmem>> -> memref<1x64xf32, #tpu.memory_space<vmem>>
        %dma_start3A_691 = tpu.memref_squeeze %dma_start3A_690 : memref<1x64xf32, #tpu.memory_space<vmem>> -> memref<64xf32, #tpu.memory_space<vmem>>
        %dma_start3A_692 = tpu.memref_slice %arg6[%mul3A_687] : memref<1081344xf32, #tpu.memory_space<hbm>> -> memref<64xf32, #tpu.memory_space<hbm>>
        %dma_start3A_693 = tpu.memref_slice %arg6[%mul3A_687] : memref<1081344xf32, #tpu.memory_space<hbm>> -> memref<64xf32, #tpu.memory_space<hbm>>
        %dma_start3A_694 = arith.constant 0 : i32
        %dma_start3A_695 = tpu.memref_slice %arg11[%dma_start3A_688, %dma_start3A_694] : memref<16x64xf32, #tpu.memory_space<vmem>> -> memref<1x64xf32, #tpu.memory_space<vmem>>
        %dma_start3A_696 = tpu.memref_squeeze %dma_start3A_695 : memref<1x64xf32, #tpu.memory_space<vmem>> -> memref<64xf32, #tpu.memory_space<vmem>>
        tpu.enqueue_dma source(%dma_start3A_696 : memref<64xf32, #tpu.memory_space<vmem>>) target(%dma_start3A_693 : memref<64xf32, #tpu.memory_space<hbm>>) target_semaphore(%arg13 : memref<!tpu.dma_semaphore, #tpu.memory_space<semaphore_mem>>)
        %dma_wait3A_697 = arith.constant 0 : i32
        %dma_wait3A_698 = arith.constant 0 : i32
        %dma_wait3A_699 = tpu.memref_slice %arg11[%dma_wait3A_697, %dma_wait3A_698] : memref<16x64xf32, #tpu.memory_space<vmem>> -> memref<1x64xf32, #tpu.memory_space<vmem>>
        %dma_wait3A_700 = tpu.memref_squeeze %dma_wait3A_699 : memref<1x64xf32, #tpu.memory_space<vmem>> -> memref<64xf32, #tpu.memory_space<vmem>>
        %dma_wait3A_701 = tpu.memref_slice %arg6[%mul3A_357] : memref<1081344xf32, #tpu.memory_space<hbm>> -> memref<64xf32, #tpu.memory_space<hbm>>
        %dma_wait3A_702 = tpu.memref_slice %arg6[%mul3A_357] : memref<1081344xf32, #tpu.memory_space<hbm>> -> memref<64xf32, #tpu.memory_space<hbm>>
        %dma_wait3A_703 = arith.constant 0 : i32
        %dma_wait3A_704 = tpu.memref_slice %arg11[%dma_wait3A_697, %dma_wait3A_703] : memref<16x64xf32, #tpu.memory_space<vmem>> -> memref<1x64xf32, #tpu.memory_space<vmem>>
        %dma_wait3A_705 = tpu.memref_squeeze %dma_wait3A_704 : memref<1x64xf32, #tpu.memory_space<vmem>> -> memref<64xf32, #tpu.memory_space<vmem>>
        tpu.wait_dma2 semaphore(%arg13 : memref<!tpu.dma_semaphore, #tpu.memory_space<semaphore_mem>>) src(%dma_wait3A_705 : memref<64xf32, #tpu.memory_space<vmem>>) dst(%dma_wait3A_702 : memref<64xf32, #tpu.memory_space<hbm>>)
        %dma_wait3A_706 = arith.constant 1 : i32
        %dma_wait3A_707 = arith.constant 0 : i32
        %dma_wait3A_708 = tpu.memref_slice %arg11[%dma_wait3A_706, %dma_wait3A_707] : memref<16x64xf32, #tpu.memory_space<vmem>> -> memref<1x64xf32, #tpu.memory_space<vmem>>
        %dma_wait3A_709 = tpu.memref_squeeze %dma_wait3A_708 : memref<1x64xf32, #tpu.memory_space<vmem>> -> memref<64xf32, #tpu.memory_space<vmem>>
        %dma_wait3A_710 = tpu.memref_slice %arg6[%mul3A_379] : memref<1081344xf32, #tpu.memory_space<hbm>> -> memref<64xf32, #tpu.memory_space<hbm>>
        %dma_wait3A_711 = tpu.memref_slice %arg6[%mul3A_379] : memref<1081344xf32, #tpu.memory_space<hbm>> -> memref<64xf32, #tpu.memory_space<hbm>>
        %dma_wait3A_712 = arith.constant 0 : i32
        %dma_wait3A_713 = tpu.memref_slice %arg11[%dma_wait3A_706, %dma_wait3A_712] : memref<16x64xf32, #tpu.memory_space<vmem>> -> memref<1x64xf32, #tpu.memory_space<vmem>>
        %dma_wait3A_714 = tpu.memref_squeeze %dma_wait3A_713 : memref<1x64xf32, #tpu.memory_space<vmem>> -> memref<64xf32, #tpu.memory_space<vmem>>
        tpu.wait_dma2 semaphore(%arg13 : memref<!tpu.dma_semaphore, #tpu.memory_space<semaphore_mem>>) src(%dma_wait3A_714 : memref<64xf32, #tpu.memory_space<vmem>>) dst(%dma_wait3A_711 : memref<64xf32, #tpu.memory_space<hbm>>)
        %dma_wait3A_715 = arith.constant 2 : i32
        %dma_wait3A_716 = arith.constant 0 : i32
        %dma_wait3A_717 = tpu.memref_slice %arg11[%dma_wait3A_715, %dma_wait3A_716] : memref<16x64xf32, #tpu.memory_space<vmem>> -> memref<1x64xf32, #tpu.memory_space<vmem>>
        %dma_wait3A_718 = tpu.memref_squeeze %dma_wait3A_717 : memref<1x64xf32, #tpu.memory_space<vmem>> -> memref<64xf32, #tpu.memory_space<vmem>>
        %dma_wait3A_719 = tpu.memref_slice %arg6[%mul3A_401] : memref<1081344xf32, #tpu.memory_space<hbm>> -> memref<64xf32, #tpu.memory_space<hbm>>
        %dma_wait3A_720 = tpu.memref_slice %arg6[%mul3A_401] : memref<1081344xf32, #tpu.memory_space<hbm>> -> memref<64xf32, #tpu.memory_space<hbm>>
        %dma_wait3A_721 = arith.constant 0 : i32
        %dma_wait3A_722 = tpu.memref_slice %arg11[%dma_wait3A_715, %dma_wait3A_721] : memref<16x64xf32, #tpu.memory_space<vmem>> -> memref<1x64xf32, #tpu.memory_space<vmem>>
        %dma_wait3A_723 = tpu.memref_squeeze %dma_wait3A_722 : memref<1x64xf32, #tpu.memory_space<vmem>> -> memref<64xf32, #tpu.memory_space<vmem>>
        tpu.wait_dma2 semaphore(%arg13 : memref<!tpu.dma_semaphore, #tpu.memory_space<semaphore_mem>>) src(%dma_wait3A_723 : memref<64xf32, #tpu.memory_space<vmem>>) dst(%dma_wait3A_720 : memref<64xf32, #tpu.memory_space<hbm>>)
        %dma_wait3A_724 = arith.constant 3 : i32
        %dma_wait3A_725 = arith.constant 0 : i32
        %dma_wait3A_726 = tpu.memref_slice %arg11[%dma_wait3A_724, %dma_wait3A_725] : memref<16x64xf32, #tpu.memory_space<vmem>> -> memref<1x64xf32, #tpu.memory_space<vmem>>
        %dma_wait3A_727 = tpu.memref_squeeze %dma_wait3A_726 : memref<1x64xf32, #tpu.memory_space<vmem>> -> memref<64xf32, #tpu.memory_space<vmem>>
        %dma_wait3A_728 = tpu.memref_slice %arg6[%mul3A_423] : memref<1081344xf32, #tpu.memory_space<hbm>> -> memref<64xf32, #tpu.memory_space<hbm>>
        %dma_wait3A_729 = tpu.memref_slice %arg6[%mul3A_423] : memref<1081344xf32, #tpu.memory_space<hbm>> -> memref<64xf32, #tpu.memory_space<hbm>>
        %dma_wait3A_730 = arith.constant 0 : i32
        %dma_wait3A_731 = tpu.memref_slice %arg11[%dma_wait3A_724, %dma_wait3A_730] : memref<16x64xf32, #tpu.memory_space<vmem>> -> memref<1x64xf32, #tpu.memory_space<vmem>>
        %dma_wait3A_732 = tpu.memref_squeeze %dma_wait3A_731 : memref<1x64xf32, #tpu.memory_space<vmem>> -> memref<64xf32, #tpu.memory_space<vmem>>
        tpu.wait_dma2 semaphore(%arg13 : memref<!tpu.dma_semaphore, #tpu.memory_space<semaphore_mem>>) src(%dma_wait3A_732 : memref<64xf32, #tpu.memory_space<vmem>>) dst(%dma_wait3A_729 : memref<64xf32, #tpu.memory_space<hbm>>)
        %dma_wait3A_733 = arith.constant 4 : i32
        %dma_wait3A_734 = arith.constant 0 : i32
        %dma_wait3A_735 = tpu.memref_slice %arg11[%dma_wait3A_733, %dma_wait3A_734] : memref<16x64xf32, #tpu.memory_space<vmem>> -> memref<1x64xf32, #tpu.memory_space<vmem>>
        %dma_wait3A_736 = tpu.memref_squeeze %dma_wait3A_735 : memref<1x64xf32, #tpu.memory_space<vmem>> -> memref<64xf32, #tpu.memory_space<vmem>>
        %dma_wait3A_737 = tpu.memref_slice %arg6[%mul3A_445] : memref<1081344xf32, #tpu.memory_space<hbm>> -> memref<64xf32, #tpu.memory_space<hbm>>
        %dma_wait3A_738 = tpu.memref_slice %arg6[%mul3A_445] : memref<1081344xf32, #tpu.memory_space<hbm>> -> memref<64xf32, #tpu.memory_space<hbm>>
        %dma_wait3A_739 = arith.constant 0 : i32
        %dma_wait3A_740 = tpu.memref_slice %arg11[%dma_wait3A_733, %dma_wait3A_739] : memref<16x64xf32, #tpu.memory_space<vmem>> -> memref<1x64xf32, #tpu.memory_space<vmem>>
        %dma_wait3A_741 = tpu.memref_squeeze %dma_wait3A_740 : memref<1x64xf32, #tpu.memory_space<vmem>> -> memref<64xf32, #tpu.memory_space<vmem>>
        tpu.wait_dma2 semaphore(%arg13 : memref<!tpu.dma_semaphore, #tpu.memory_space<semaphore_mem>>) src(%dma_wait3A_741 : memref<64xf32, #tpu.memory_space<vmem>>) dst(%dma_wait3A_738 : memref<64xf32, #tpu.memory_space<hbm>>)
        %dma_wait3A_742 = arith.constant 5 : i32
        %dma_wait3A_743 = arith.constant 0 : i32
        %dma_wait3A_744 = tpu.memref_slice %arg11[%dma_wait3A_742, %dma_wait3A_743] : memref<16x64xf32, #tpu.memory_space<vmem>> -> memref<1x64xf32, #tpu.memory_space<vmem>>
        %dma_wait3A_745 = tpu.memref_squeeze %dma_wait3A_744 : memref<1x64xf32, #tpu.memory_space<vmem>> -> memref<64xf32, #tpu.memory_space<vmem>>
        %dma_wait3A_746 = tpu.memref_slice %arg6[%mul3A_467] : memref<1081344xf32, #tpu.memory_space<hbm>> -> memref<64xf32, #tpu.memory_space<hbm>>
        %dma_wait3A_747 = tpu.memref_slice %arg6[%mul3A_467] : memref<1081344xf32, #tpu.memory_space<hbm>> -> memref<64xf32, #tpu.memory_space<hbm>>
        %dma_wait3A_748 = arith.constant 0 : i32
        %dma_wait3A_749 = tpu.memref_slice %arg11[%dma_wait3A_742, %dma_wait3A_748] : memref<16x64xf32, #tpu.memory_space<vmem>> -> memref<1x64xf32, #tpu.memory_space<vmem>>
        %dma_wait3A_750 = tpu.memref_squeeze %dma_wait3A_749 : memref<1x64xf32, #tpu.memory_space<vmem>> -> memref<64xf32, #tpu.memory_space<vmem>>
        tpu.wait_dma2 semaphore(%arg13 : memref<!tpu.dma_semaphore, #tpu.memory_space<semaphore_mem>>) src(%dma_wait3A_750 : memref<64xf32, #tpu.memory_space<vmem>>) dst(%dma_wait3A_747 : memref<64xf32, #tpu.memory_space<hbm>>)
        %dma_wait3A_751 = arith.constant 6 : i32
        %dma_wait3A_752 = arith.constant 0 : i32
        %dma_wait3A_753 = tpu.memref_slice %arg11[%dma_wait3A_751, %dma_wait3A_752] : memref<16x64xf32, #tpu.memory_space<vmem>> -> memref<1x64xf32, #tpu.memory_space<vmem>>
        %dma_wait3A_754 = tpu.memref_squeeze %dma_wait3A_753 : memref<1x64xf32, #tpu.memory_space<vmem>> -> memref<64xf32, #tpu.memory_space<vmem>>
        %dma_wait3A_755 = tpu.memref_slice %arg6[%mul3A_489] : memref<1081344xf32, #tpu.memory_space<hbm>> -> memref<64xf32, #tpu.memory_space<hbm>>
        %dma_wait3A_756 = tpu.memref_slice %arg6[%mul3A_489] : memref<1081344xf32, #tpu.memory_space<hbm>> -> memref<64xf32, #tpu.memory_space<hbm>>
        %dma_wait3A_757 = arith.constant 0 : i32
        %dma_wait3A_758 = tpu.memref_slice %arg11[%dma_wait3A_751, %dma_wait3A_757] : memref<16x64xf32, #tpu.memory_space<vmem>> -> memref<1x64xf32, #tpu.memory_space<vmem>>
        %dma_wait3A_759 = tpu.memref_squeeze %dma_wait3A_758 : memref<1x64xf32, #tpu.memory_space<vmem>> -> memref<64xf32, #tpu.memory_space<vmem>>
        tpu.wait_dma2 semaphore(%arg13 : memref<!tpu.dma_semaphore, #tpu.memory_space<semaphore_mem>>) src(%dma_wait3A_759 : memref<64xf32, #tpu.memory_space<vmem>>) dst(%dma_wait3A_756 : memref<64xf32, #tpu.memory_space<hbm>>)
        %dma_wait3A_760 = arith.constant 7 : i32
        %dma_wait3A_761 = arith.constant 0 : i32
        %dma_wait3A_762 = tpu.memref_slice %arg11[%dma_wait3A_760, %dma_wait3A_761] : memref<16x64xf32, #tpu.memory_space<vmem>> -> memref<1x64xf32, #tpu.memory_space<vmem>>
        %dma_wait3A_763 = tpu.memref_squeeze %dma_wait3A_762 : memref<1x64xf32, #tpu.memory_space<vmem>> -> memref<64xf32, #tpu.memory_space<vmem>>
        %dma_wait3A_764 = tpu.memref_slice %arg6[%mul3A_511] : memref<1081344xf32, #tpu.memory_space<hbm>> -> memref<64xf32, #tpu.memory_space<hbm>>
        %dma_wait3A_765 = tpu.memref_slice %arg6[%mul3A_511] : memref<1081344xf32, #tpu.memory_space<hbm>> -> memref<64xf32, #tpu.memory_space<hbm>>
        %dma_wait3A_766 = arith.constant 0 : i32
        %dma_wait3A_767 = tpu.memref_slice %arg11[%dma_wait3A_760, %dma_wait3A_766] : memref<16x64xf32, #tpu.memory_space<vmem>> -> memref<1x64xf32, #tpu.memory_space<vmem>>
        %dma_wait3A_768 = tpu.memref_squeeze %dma_wait3A_767 : memref<1x64xf32, #tpu.memory_space<vmem>> -> memref<64xf32, #tpu.memory_space<vmem>>
        tpu.wait_dma2 semaphore(%arg13 : memref<!tpu.dma_semaphore, #tpu.memory_space<semaphore_mem>>) src(%dma_wait3A_768 : memref<64xf32, #tpu.memory_space<vmem>>) dst(%dma_wait3A_765 : memref<64xf32, #tpu.memory_space<hbm>>)
        %dma_wait3A_769 = arith.constant 8 : i32
        %dma_wait3A_770 = arith.constant 0 : i32
        %dma_wait3A_771 = tpu.memref_slice %arg11[%dma_wait3A_769, %dma_wait3A_770] : memref<16x64xf32, #tpu.memory_space<vmem>> -> memref<1x64xf32, #tpu.memory_space<vmem>>
        %dma_wait3A_772 = tpu.memref_squeeze %dma_wait3A_771 : memref<1x64xf32, #tpu.memory_space<vmem>> -> memref<64xf32, #tpu.memory_space<vmem>>
        %dma_wait3A_773 = tpu.memref_slice %arg6[%mul3A_533] : memref<1081344xf32, #tpu.memory_space<hbm>> -> memref<64xf32, #tpu.memory_space<hbm>>
        %dma_wait3A_774 = tpu.memref_slice %arg6[%mul3A_533] : memref<1081344xf32, #tpu.memory_space<hbm>> -> memref<64xf32, #tpu.memory_space<hbm>>
        %dma_wait3A_775 = arith.constant 0 : i32
        %dma_wait3A_776 = tpu.memref_slice %arg11[%dma_wait3A_769, %dma_wait3A_775] : memref<16x64xf32, #tpu.memory_space<vmem>> -> memref<1x64xf32, #tpu.memory_space<vmem>>
        %dma_wait3A_777 = tpu.memref_squeeze %dma_wait3A_776 : memref<1x64xf32, #tpu.memory_space<vmem>> -> memref<64xf32, #tpu.memory_space<vmem>>
        tpu.wait_dma2 semaphore(%arg13 : memref<!tpu.dma_semaphore, #tpu.memory_space<semaphore_mem>>) src(%dma_wait3A_777 : memref<64xf32, #tpu.memory_space<vmem>>) dst(%dma_wait3A_774 : memref<64xf32, #tpu.memory_space<hbm>>)
        %dma_wait3A_778 = arith.constant 9 : i32
        %dma_wait3A_779 = arith.constant 0 : i32
        %dma_wait3A_780 = tpu.memref_slice %arg11[%dma_wait3A_778, %dma_wait3A_779] : memref<16x64xf32, #tpu.memory_space<vmem>> -> memref<1x64xf32, #tpu.memory_space<vmem>>
        %dma_wait3A_781 = tpu.memref_squeeze %dma_wait3A_780 : memref<1x64xf32, #tpu.memory_space<vmem>> -> memref<64xf32, #tpu.memory_space<vmem>>
        %dma_wait3A_782 = tpu.memref_slice %arg6[%mul3A_555] : memref<1081344xf32, #tpu.memory_space<hbm>> -> memref<64xf32, #tpu.memory_space<hbm>>
        %dma_wait3A_783 = tpu.memref_slice %arg6[%mul3A_555] : memref<1081344xf32, #tpu.memory_space<hbm>> -> memref<64xf32, #tpu.memory_space<hbm>>
        %dma_wait3A_784 = arith.constant 0 : i32
        %dma_wait3A_785 = tpu.memref_slice %arg11[%dma_wait3A_778, %dma_wait3A_784] : memref<16x64xf32, #tpu.memory_space<vmem>> -> memref<1x64xf32, #tpu.memory_space<vmem>>
        %dma_wait3A_786 = tpu.memref_squeeze %dma_wait3A_785 : memref<1x64xf32, #tpu.memory_space<vmem>> -> memref<64xf32, #tpu.memory_space<vmem>>
        tpu.wait_dma2 semaphore(%arg13 : memref<!tpu.dma_semaphore, #tpu.memory_space<semaphore_mem>>) src(%dma_wait3A_786 : memref<64xf32, #tpu.memory_space<vmem>>) dst(%dma_wait3A_783 : memref<64xf32, #tpu.memory_space<hbm>>)
        %dma_wait3A_787 = arith.constant 10 : i32
        %dma_wait3A_788 = arith.constant 0 : i32
        %dma_wait3A_789 = tpu.memref_slice %arg11[%dma_wait3A_787, %dma_wait3A_788] : memref<16x64xf32, #tpu.memory_space<vmem>> -> memref<1x64xf32, #tpu.memory_space<vmem>>
        %dma_wait3A_790 = tpu.memref_squeeze %dma_wait3A_789 : memref<1x64xf32, #tpu.memory_space<vmem>> -> memref<64xf32, #tpu.memory_space<vmem>>
        %dma_wait3A_791 = tpu.memref_slice %arg6[%mul3A_577] : memref<1081344xf32, #tpu.memory_space<hbm>> -> memref<64xf32, #tpu.memory_space<hbm>>
        %dma_wait3A_792 = tpu.memref_slice %arg6[%mul3A_577] : memref<1081344xf32, #tpu.memory_space<hbm>> -> memref<64xf32, #tpu.memory_space<hbm>>
        %dma_wait3A_793 = arith.constant 0 : i32
        %dma_wait3A_794 = tpu.memref_slice %arg11[%dma_wait3A_787, %dma_wait3A_793] : memref<16x64xf32, #tpu.memory_space<vmem>> -> memref<1x64xf32, #tpu.memory_space<vmem>>
        %dma_wait3A_795 = tpu.memref_squeeze %dma_wait3A_794 : memref<1x64xf32, #tpu.memory_space<vmem>> -> memref<64xf32, #tpu.memory_space<vmem>>
        tpu.wait_dma2 semaphore(%arg13 : memref<!tpu.dma_semaphore, #tpu.memory_space<semaphore_mem>>) src(%dma_wait3A_795 : memref<64xf32, #tpu.memory_space<vmem>>) dst(%dma_wait3A_792 : memref<64xf32, #tpu.memory_space<hbm>>)
        %dma_wait3A_796 = arith.constant 11 : i32
        %dma_wait3A_797 = arith.constant 0 : i32
        %dma_wait3A_798 = tpu.memref_slice %arg11[%dma_wait3A_796, %dma_wait3A_797] : memref<16x64xf32, #tpu.memory_space<vmem>> -> memref<1x64xf32, #tpu.memory_space<vmem>>
        %dma_wait3A_799 = tpu.memref_squeeze %dma_wait3A_798 : memref<1x64xf32, #tpu.memory_space<vmem>> -> memref<64xf32, #tpu.memory_space<vmem>>
        %dma_wait3A_800 = tpu.memref_slice %arg6[%mul3A_599] : memref<1081344xf32, #tpu.memory_space<hbm>> -> memref<64xf32, #tpu.memory_space<hbm>>
        %dma_wait3A_801 = tpu.memref_slice %arg6[%mul3A_599] : memref<1081344xf32, #tpu.memory_space<hbm>> -> memref<64xf32, #tpu.memory_space<hbm>>
        %dma_wait3A_802 = arith.constant 0 : i32
        %dma_wait3A_803 = tpu.memref_slice %arg11[%dma_wait3A_796, %dma_wait3A_802] : memref<16x64xf32, #tpu.memory_space<vmem>> -> memref<1x64xf32, #tpu.memory_space<vmem>>
        %dma_wait3A_804 = tpu.memref_squeeze %dma_wait3A_803 : memref<1x64xf32, #tpu.memory_space<vmem>> -> memref<64xf32, #tpu.memory_space<vmem>>
        tpu.wait_dma2 semaphore(%arg13 : memref<!tpu.dma_semaphore, #tpu.memory_space<semaphore_mem>>) src(%dma_wait3A_804 : memref<64xf32, #tpu.memory_space<vmem>>) dst(%dma_wait3A_801 : memref<64xf32, #tpu.memory_space<hbm>>)
        %dma_wait3A_805 = arith.constant 12 : i32
        %dma_wait3A_806 = arith.constant 0 : i32
        %dma_wait3A_807 = tpu.memref_slice %arg11[%dma_wait3A_805, %dma_wait3A_806] : memref<16x64xf32, #tpu.memory_space<vmem>> -> memref<1x64xf32, #tpu.memory_space<vmem>>
        %dma_wait3A_808 = tpu.memref_squeeze %dma_wait3A_807 : memref<1x64xf32, #tpu.memory_space<vmem>> -> memref<64xf32, #tpu.memory_space<vmem>>
        %dma_wait3A_809 = tpu.memref_slice %arg6[%mul3A_621] : memref<1081344xf32, #tpu.memory_space<hbm>> -> memref<64xf32, #tpu.memory_space<hbm>>
        %dma_wait3A_810 = tpu.memref_slice %arg6[%mul3A_621] : memref<1081344xf32, #tpu.memory_space<hbm>> -> memref<64xf32, #tpu.memory_space<hbm>>
        %dma_wait3A_811 = arith.constant 0 : i32
        %dma_wait3A_812 = tpu.memref_slice %arg11[%dma_wait3A_805, %dma_wait3A_811] : memref<16x64xf32, #tpu.memory_space<vmem>> -> memref<1x64xf32, #tpu.memory_space<vmem>>
        %dma_wait3A_813 = tpu.memref_squeeze %dma_wait3A_812 : memref<1x64xf32, #tpu.memory_space<vmem>> -> memref<64xf32, #tpu.memory_space<vmem>>
        tpu.wait_dma2 semaphore(%arg13 : memref<!tpu.dma_semaphore, #tpu.memory_space<semaphore_mem>>) src(%dma_wait3A_813 : memref<64xf32, #tpu.memory_space<vmem>>) dst(%dma_wait3A_810 : memref<64xf32, #tpu.memory_space<hbm>>)
        %dma_wait3A_814 = arith.constant 13 : i32
        %dma_wait3A_815 = arith.constant 0 : i32
        %dma_wait3A_816 = tpu.memref_slice %arg11[%dma_wait3A_814, %dma_wait3A_815] : memref<16x64xf32, #tpu.memory_space<vmem>> -> memref<1x64xf32, #tpu.memory_space<vmem>>
        %dma_wait3A_817 = tpu.memref_squeeze %dma_wait3A_816 : memref<1x64xf32, #tpu.memory_space<vmem>> -> memref<64xf32, #tpu.memory_space<vmem>>
        %dma_wait3A_818 = tpu.memref_slice %arg6[%mul3A_643] : memref<1081344xf32, #tpu.memory_space<hbm>> -> memref<64xf32, #tpu.memory_space<hbm>>
        %dma_wait3A_819 = tpu.memref_slice %arg6[%mul3A_643] : memref<1081344xf32, #tpu.memory_space<hbm>> -> memref<64xf32, #tpu.memory_space<hbm>>
        %dma_wait3A_820 = arith.constant 0 : i32
        %dma_wait3A_821 = tpu.memref_slice %arg11[%dma_wait3A_814, %dma_wait3A_820] : memref<16x64xf32, #tpu.memory_space<vmem>> -> memref<1x64xf32, #tpu.memory_space<vmem>>
        %dma_wait3A_822 = tpu.memref_squeeze %dma_wait3A_821 : memref<1x64xf32, #tpu.memory_space<vmem>> -> memref<64xf32, #tpu.memory_space<vmem>>
        tpu.wait_dma2 semaphore(%arg13 : memref<!tpu.dma_semaphore, #tpu.memory_space<semaphore_mem>>) src(%dma_wait3A_822 : memref<64xf32, #tpu.memory_space<vmem>>) dst(%dma_wait3A_819 : memref<64xf32, #tpu.memory_space<hbm>>)
        %dma_wait3A_823 = arith.constant 14 : i32
        %dma_wait3A_824 = arith.constant 0 : i32
        %dma_wait3A_825 = tpu.memref_slice %arg11[%dma_wait3A_823, %dma_wait3A_824] : memref<16x64xf32, #tpu.memory_space<vmem>> -> memref<1x64xf32, #tpu.memory_space<vmem>>
        %dma_wait3A_826 = tpu.memref_squeeze %dma_wait3A_825 : memref<1x64xf32, #tpu.memory_space<vmem>> -> memref<64xf32, #tpu.memory_space<vmem>>
        %dma_wait3A_827 = tpu.memref_slice %arg6[%mul3A_665] : memref<1081344xf32, #tpu.memory_space<hbm>> -> memref<64xf32, #tpu.memory_space<hbm>>
        %dma_wait3A_828 = tpu.memref_slice %arg6[%mul3A_665] : memref<1081344xf32, #tpu.memory_space<hbm>> -> memref<64xf32, #tpu.memory_space<hbm>>
        %dma_wait3A_829 = arith.constant 0 : i32
        %dma_wait3A_830 = tpu.memref_slice %arg11[%dma_wait3A_823, %dma_wait3A_829] : memref<16x64xf32, #tpu.memory_space<vmem>> -> memref<1x64xf32, #tpu.memory_space<vmem>>
        %dma_wait3A_831 = tpu.memref_squeeze %dma_wait3A_830 : memref<1x64xf32, #tpu.memory_space<vmem>> -> memref<64xf32, #tpu.memory_space<vmem>>
        tpu.wait_dma2 semaphore(%arg13 : memref<!tpu.dma_semaphore, #tpu.memory_space<semaphore_mem>>) src(%dma_wait3A_831 : memref<64xf32, #tpu.memory_space<vmem>>) dst(%dma_wait3A_828 : memref<64xf32, #tpu.memory_space<hbm>>)
        %dma_wait3A_832 = arith.constant 15 : i32
        %dma_wait3A_833 = arith.constant 0 : i32
        %dma_wait3A_834 = tpu.memref_slice %arg11[%dma_wait3A_832, %dma_wait3A_833] : memref<16x64xf32, #tpu.memory_space<vmem>> -> memref<1x64xf32, #tpu.memory_space<vmem>>
        %dma_wait3A_835 = tpu.memref_squeeze %dma_wait3A_834 : memref<1x64xf32, #tpu.memory_space<vmem>> -> memref<64xf32, #tpu.memory_space<vmem>>
        %dma_wait3A_836 = tpu.memref_slice %arg6[%mul3A_687] : memref<1081344xf32, #tpu.memory_space<hbm>> -> memref<64xf32, #tpu.memory_space<hbm>>
        %dma_wait3A_837 = tpu.memref_slice %arg6[%mul3A_687] : memref<1081344xf32, #tpu.memory_space<hbm>> -> memref<64xf32, #tpu.memory_space<hbm>>
        %dma_wait3A_838 = arith.constant 0 : i32
        %dma_wait3A_839 = tpu.memref_slice %arg11[%dma_wait3A_832, %dma_wait3A_838] : memref<16x64xf32, #tpu.memory_space<vmem>> -> memref<1x64xf32, #tpu.memory_space<vmem>>
        %dma_wait3A_840 = tpu.memref_squeeze %dma_wait3A_839 : memref<1x64xf32, #tpu.memory_space<vmem>> -> memref<64xf32, #tpu.memory_space<vmem>>
        tpu.wait_dma2 semaphore(%arg13 : memref<!tpu.dma_semaphore, #tpu.memory_space<semaphore_mem>>) src(%dma_wait3A_840 : memref<64xf32, #tpu.memory_space<vmem>>) dst(%dma_wait3A_837 : memref<64xf32, #tpu.memory_space<hbm>>)
      }
      scf.yield %squeeze3A_108 : i32
    }
    %scan3A_27 = arith.constant 49 : i32
    %min3A_28 = arith.constant 240 : i32
    %min3A_29 = arith.constant 240 : i32
    %min3A_30 = arith.minsi %min3A_28, %min3A_29 : i32
    %add3A_31 = arith.addi %min3A_3, %min3A_30 : i32
    %mul3A_32 = arith.constant 128 : i32
    %mul3A_33 = arith.muli %add3A_31, %mul3A_32 : i32
    %multiple_of3A_34 = tpu.assume_multiple %mul3A_33, 128 : i32
    %rem3A = arith.constant 49 : i32
    %rem3A_35 = arith.constant 2 : i32
    %rem3A_36 = arith.remsi %rem3A, %rem3A_35 : i32
    %dma_wait3A = arith.constant 0 : i32
    %dma_wait3A_37 = arith.constant 0 : i32
    %dma_wait3A_38 = tpu.memref_slice %arg10[%rem3A_36, %dma_wait3A, %dma_wait3A_37] : memref<2x64x640xf32, #tpu.memory_space<vmem>> -> memref<1x64x640xf32, #tpu.memory_space<vmem>>
    %dma_wait3A_39 = tpu.memref_squeeze %dma_wait3A_38 : memref<1x64x640xf32, #tpu.memory_space<vmem>> -> memref<64x640xf32, #tpu.memory_space<vmem>>
    %dma_wait3A_40 = arith.constant 0 : i32
    %dma_wait3A_41 = tpu.memref_slice %arg2[%dma_wait3A_40, %multiple_of3A_34] : memref<64x1000000xf32, #tpu.memory_space<hbm>> -> memref<64x640xf32, #tpu.memory_space<hbm>>
    %dma_wait3A_42 = arith.constant 0 : i32
    %dma_wait3A_43 = arith.constant 0 : i32
    %dma_wait3A_44 = tpu.memref_slice %arg10[%rem3A_36, %dma_wait3A_42, %dma_wait3A_43] : memref<2x64x640xf32, #tpu.memory_space<vmem>> -> memref<1x64x640xf32, #tpu.memory_space<vmem>>
    %dma_wait3A_45 = tpu.memref_squeeze %dma_wait3A_44 : memref<1x64x640xf32, #tpu.memory_space<vmem>> -> memref<64x640xf32, #tpu.memory_space<vmem>>
    %dma_wait3A_46 = arith.constant 0 : i32
    %dma_wait3A_47 = tpu.memref_slice %arg2[%dma_wait3A_46, %multiple_of3A_34] : memref<64x1000000xf32, #tpu.memory_space<hbm>> -> memref<64x640xf32, #tpu.memory_space<hbm>>
    tpu.wait_dma2 semaphore(%arg12 : memref<!tpu.dma_semaphore, #tpu.memory_space<semaphore_mem>>) src(%dma_wait3A_47 : memref<64x640xf32, #tpu.memory_space<hbm>>) dst(%dma_wait3A_45 : memref<64x640xf32, #tpu.memory_space<vmem>>)
    return
  }
}

module attributes {stable_mosaic.version = 14 : i64} {
  func.func @_mlp_body(%arg0: i32, %arg1: memref<320x1024xf32, #tpu.memory_space<vmem>>, %arg2: memref<1024x64xf32, #tpu.memory_space<vmem>>, %arg3: memref<1024x1xi32, #tpu.memory_space<vmem>>, %arg4: memref<64x64xf32, #tpu.memory_space<vmem>>, %arg5: memref<320x256xf32, #tpu.memory_space<vmem>>, %arg6: memref<64x256xf32, #tpu.memory_space<vmem>>, %arg7: memref<1x256xf32, #tpu.memory_space<vmem>>, %arg8: memref<1x256xf32, #tpu.memory_space<vmem>>, %arg9: memref<256x128xf32, #tpu.memory_space<vmem>>, %arg10: memref<1x128xf32, #tpu.memory_space<vmem>>, %arg11: memref<1x128xf32, #tpu.memory_space<vmem>>, %arg12: memref<128x85xf32, #tpu.memory_space<vmem>>, %arg13: memref<1x85xf32, #tpu.memory_space<vmem>>, %arg14: memref<1024x85xf32, #tpu.memory_space<vmem>>) attributes {dimension_semantics = [#tpu.dimension_semantics<arbitrary>], iteration_bounds = array<i64: 16>, scalar_prefetch = 0 : i64, scratch_operands = 0 : i64, tpu.core_type = #tpu.core_type<tc>, window_params = [{transform_indices = @transform_0, window_bounds = array<i64: 320, 1024>}, {transform_indices = @transform_1, window_bounds = array<i64: 1024, 64>}, {transform_indices = @transform_2, window_bounds = array<i64: 1024, 1>}, {pipeline_mode = #tpu.pipeline_mode<synchronous>, transform_indices = @transform_3, window_bounds = array<i64: 64, 64>}, {pipeline_mode = #tpu.pipeline_mode<synchronous>, transform_indices = @transform_4, window_bounds = array<i64: 320, 256>}, {pipeline_mode = #tpu.pipeline_mode<synchronous>, transform_indices = @transform_5, window_bounds = array<i64: 64, 256>}, {pipeline_mode = #tpu.pipeline_mode<synchronous>, transform_indices = @transform_6, window_bounds = array<i64: 1, 256>}, {pipeline_mode = #tpu.pipeline_mode<synchronous>, transform_indices = @transform_7, window_bounds = array<i64: 1, 256>}, {pipeline_mode = #tpu.pipeline_mode<synchronous>, transform_indices = @transform_8, window_bounds = array<i64: 256, 128>}, {pipeline_mode = #tpu.pipeline_mode<synchronous>, transform_indices = @transform_9, window_bounds = array<i64: 1, 128>}, {pipeline_mode = #tpu.pipeline_mode<synchronous>, transform_indices = @transform_10, window_bounds = array<i64: 1, 128>}, {pipeline_mode = #tpu.pipeline_mode<synchronous>, transform_indices = @transform_11, window_bounds = array<i64: 128, 85>}, {pipeline_mode = #tpu.pipeline_mode<synchronous>, transform_indices = @transform_12, window_bounds = array<i64: 1, 85>}, {transform_indices = @transform_13, window_bounds = array<i64: 1024, 85>}]} {
    %get3A = arith.constant 0 : index
    %get3A_0 = arith.constant 0 : index
    %get3A_1 = vector.load %arg1[%get3A, %get3A_0] : memref<320x1024xf32, #tpu.memory_space<vmem>>, vector<320x1024xf32>
    %get3A_2 = arith.constant 0 : index
    %get3A_3 = arith.constant 0 : index
    %get3A_4 = vector.load %arg5[%get3A_2, %get3A_3] : memref<320x256xf32, #tpu.memory_space<vmem>>, vector<320x256xf32>
    %dot_general3A = arith.constant dense<0.000000e+00> : vector<1024x256xf32>
    %dot_general3A_5 = tpu.matmul %get3A_1, %get3A_4, %dot_general3A {dimension_numbers = #tpu.dot_dimension_numbers<[0], [0], [1], [1], [0, 1, 1, 1], [], []>, transpose_lhs_hint = false} : vector<320x1024xf32>, vector<320x256xf32>, vector<1024x256xf32> -> vector<1024x256xf32>
    %get3A_6 = arith.constant 0 : index
    %get3A_7 = arith.constant 0 : index
    %get3A_8 = vector.load %arg3[%get3A_6, %get3A_7] : memref<1024x1xi32, #tpu.memory_space<vmem>>, vector<1024x1xi32>
    %ge3A = arith.constant 999936 : i32
    %ge3A_9 = vector.broadcast %ge3A : i32 to vector<1024x1xi32>
    %ge3A_10 = arith.cmpi sge, %get3A_8, %ge3A_9 : vector<1024x1xi32>
    %sub3A = arith.constant 999936 : i32
    %sub3A_11 = vector.broadcast %sub3A : i32 to vector<1024x1xi32>
    %sub3A_12 = arith.subi %get3A_8, %sub3A_11 : vector<1024x1xi32>
    %iota3A = tpu.iota {dimensions = array<i32: 1>} : vector<1024x64xi32>
    %eq3A = vector.broadcast %sub3A_12 : vector<1024x1xi32> to vector<1024x64xi32>
    %eq3A_13 = arith.cmpi eq, %eq3A, %iota3A : vector<1024x64xi32>
    %jit3A = arith.constant 1.000000e+00 : f32
    %jit3A_14 = arith.constant 0.000000e+00 : f32
    %broadcast_in_dim3A = vector.broadcast %jit3A : f32 to vector<1024x64xf32>
    %broadcast_in_dim3A_15 = vector.broadcast %jit3A_14 : f32 to vector<1024x64xf32>
    %select_n3A = arith.select %eq3A_13, %broadcast_in_dim3A, %broadcast_in_dim3A_15 : vector<1024x64xi1>, vector<1024x64xf32>
    %get3A_16 = arith.constant 0 : index
    %get3A_17 = arith.constant 0 : index
    %get3A_18 = vector.load %arg4[%get3A_16, %get3A_17] : memref<64x64xf32, #tpu.memory_space<vmem>>, vector<64x64xf32>
    %dot_general3A_19 = arith.constant dense<0.000000e+00> : vector<1024x64xf32>
    %dot_general3A_20 = tpu.matmul %select_n3A, %get3A_18, %dot_general3A_19 {dimension_numbers = #tpu.dot_dimension_numbers<[1], [0], [0], [1], [0, 0, 1, 1], [], []>, transpose_lhs_hint = false} : vector<1024x64xf32>, vector<64x64xf32>, vector<1024x64xf32> -> vector<1024x64xf32>
    %get3A_21 = arith.constant 0 : index
    %get3A_22 = arith.constant 0 : index
    %get3A_23 = vector.load %arg2[%get3A_21, %get3A_22] : memref<1024x64xf32, #tpu.memory_space<vmem>>, vector<1024x64xf32>
    %broadcast_in_dim3A_24 = vector.shape_cast %ge3A_10 : vector<1024x1xi1> to vector<1024x1xi1>
    %broadcast_in_dim3A_25 = vector.broadcast %broadcast_in_dim3A_24 : vector<1024x1xi1> to vector<1024x64xi1>
    %select_n3A_26 = arith.select %broadcast_in_dim3A_25, %dot_general3A_20, %get3A_23 : vector<1024x64xi1>, vector<1024x64xf32>
    %get3A_27 = arith.constant 0 : index
    %get3A_28 = arith.constant 0 : index
    %get3A_29 = vector.load %arg6[%get3A_27, %get3A_28] : memref<64x256xf32, #tpu.memory_space<vmem>>, vector<64x256xf32>
    %dot_general3A_30 = arith.constant dense<0.000000e+00> : vector<1024x256xf32>
    %dot_general3A_31 = tpu.matmul %select_n3A_26, %get3A_29, %dot_general3A_30 {dimension_numbers = #tpu.dot_dimension_numbers<[1], [0], [0], [1], [0, 0, 1, 1], [], []>, transpose_lhs_hint = false} : vector<1024x64xf32>, vector<64x256xf32>, vector<1024x256xf32> -> vector<1024x256xf32>
    %add3A = arith.addf %dot_general3A_5, %dot_general3A_31 : vector<1024x256xf32>
    %get3A_32 = arith.constant 0 : index
    %get3A_33 = arith.constant 0 : index
    %get3A_34 = vector.load %arg7[%get3A_32, %get3A_33] : memref<1x256xf32, #tpu.memory_space<vmem>>, vector<1x256xf32>
    %mul3A = vector.broadcast %get3A_34 : vector<1x256xf32> to vector<1024x256xf32>
    %mul3A_35 = arith.mulf %add3A, %mul3A : vector<1024x256xf32>
    %get3A_36 = arith.constant 0 : index
    %get3A_37 = arith.constant 0 : index
    %get3A_38 = vector.load %arg8[%get3A_36, %get3A_37] : memref<1x256xf32, #tpu.memory_space<vmem>>, vector<1x256xf32>
    %add3A_39 = vector.broadcast %get3A_38 : vector<1x256xf32> to vector<1024x256xf32>
    %add3A_40 = arith.addf %mul3A_35, %add3A_39 : vector<1024x256xf32>
    %max3A = arith.constant 0.000000e+00 : f32
    %max3A_41 = vector.broadcast %max3A : f32 to vector<1024x256xf32>
    %max3A_42 = arith.maximumf %add3A_40, %max3A_41 : vector<1024x256xf32>
    %get3A_43 = arith.constant 0 : index
    %get3A_44 = arith.constant 0 : index
    %get3A_45 = vector.load %arg9[%get3A_43, %get3A_44] : memref<256x128xf32, #tpu.memory_space<vmem>>, vector<256x128xf32>
    %dot_general3A_46 = arith.constant dense<0.000000e+00> : vector<1024x128xf32>
    %dot_general3A_47 = tpu.matmul %max3A_42, %get3A_45, %dot_general3A_46 {dimension_numbers = #tpu.dot_dimension_numbers<[1], [0], [0], [1], [0, 0, 1, 1], [], []>, transpose_lhs_hint = false} : vector<1024x256xf32>, vector<256x128xf32>, vector<1024x128xf32> -> vector<1024x128xf32>
    %get3A_48 = arith.constant 0 : index
    %get3A_49 = arith.constant 0 : index
    %get3A_50 = vector.load %arg10[%get3A_48, %get3A_49] : memref<1x128xf32, #tpu.memory_space<vmem>>, vector<1x128xf32>
    %mul3A_51 = vector.broadcast %get3A_50 : vector<1x128xf32> to vector<1024x128xf32>
    %mul3A_52 = arith.mulf %dot_general3A_47, %mul3A_51 : vector<1024x128xf32>
    %get3A_53 = arith.constant 0 : index
    %get3A_54 = arith.constant 0 : index
    %get3A_55 = vector.load %arg11[%get3A_53, %get3A_54] : memref<1x128xf32, #tpu.memory_space<vmem>>, vector<1x128xf32>
    %add3A_56 = vector.broadcast %get3A_55 : vector<1x128xf32> to vector<1024x128xf32>
    %add3A_57 = arith.addf %mul3A_52, %add3A_56 : vector<1024x128xf32>
    %max3A_58 = arith.constant 0.000000e+00 : f32
    %max3A_59 = vector.broadcast %max3A_58 : f32 to vector<1024x128xf32>
    %max3A_60 = arith.maximumf %add3A_57, %max3A_59 : vector<1024x128xf32>
    %get3A_61 = arith.constant 0 : index
    %get3A_62 = arith.constant 0 : index
    %get3A_63 = vector.load %arg12[%get3A_61, %get3A_62] : memref<128x85xf32, #tpu.memory_space<vmem>>, vector<128x85xf32>
    %dot_general3A_64 = arith.constant dense<0.000000e+00> : vector<1024x85xf32>
    %dot_general3A_65 = tpu.matmul %max3A_60, %get3A_63, %dot_general3A_64 {dimension_numbers = #tpu.dot_dimension_numbers<[1], [0], [0], [1], [0, 0, 1, 1], [], []>, transpose_lhs_hint = false} : vector<1024x128xf32>, vector<128x85xf32>, vector<1024x85xf32> -> vector<1024x85xf32>
    %get3A_66 = arith.constant 0 : index
    %get3A_67 = arith.constant 0 : index
    %get3A_68 = vector.load %arg13[%get3A_66, %get3A_67] : memref<1x85xf32, #tpu.memory_space<vmem>>, vector<1x85xf32>
    %add3A_69 = vector.broadcast %get3A_68 : vector<1x85xf32> to vector<1024x85xf32>
    %add3A_70 = arith.addf %dot_general3A_65, %add3A_69 : vector<1024x85xf32>
    %iota3A_71 = tpu.iota {dimensions = array<i32: 1>} : vector<1024x85xi32>
    %gt3A = arith.constant 0.000000e+00 : f32
    %gt3A_72 = vector.broadcast %gt3A : f32 to vector<1024x85xf32>
    %gt3A_73 = arith.cmpf ogt, %add3A_70, %gt3A_72 : vector<1024x85xf32>
    %min3A = arith.constant 0.000000e+00 : f32
    %min3A_74 = vector.broadcast %min3A : f32 to vector<1024x85xf32>
    %min3A_75 = arith.minimumf %add3A_70, %min3A_74 : vector<1024x85xf32>
    %exp3A = math.exp %min3A_75 : vector<1024x85xf32>
    %sub3A_76 = arith.constant 1.000000e+00 : f32
    %sub3A_77 = vector.broadcast %sub3A_76 : f32 to vector<1024x85xf32>
    %sub3A_78 = arith.subf %exp3A, %sub3A_77 : vector<1024x85xf32>
    %select_n3A_79 = arith.select %gt3A_73, %add3A_70, %sub3A_78 : vector<1024x85xi1>, vector<1024x85xf32>
    %add3A_80 = arith.constant 1.00000012 : f32
    %add3A_81 = vector.broadcast %add3A_80 : f32 to vector<1024x85xf32>
    %add3A_82 = arith.addf %select_n3A_79, %add3A_81 : vector<1024x85xf32>
    %ge3A_83 = arith.constant 40 : i32
    %ge3A_84 = vector.broadcast %ge3A_83 : i32 to vector<1024x85xi32>
    %ge3A_85 = arith.cmpi sge, %iota3A_71, %ge3A_84 : vector<1024x85xi32>
    %lt3A = arith.constant 80 : i32
    %lt3A_86 = vector.broadcast %lt3A : i32 to vector<1024x85xi32>
    %lt3A_87 = arith.cmpi slt, %iota3A_71, %lt3A_86 : vector<1024x85xi32>
    %and3A = arith.andi %ge3A_85, %lt3A_87 : vector<1024x85xi1>
    %select_n3A_88 = arith.select %and3A, %add3A_82, %add3A_70 : vector<1024x85xi1>, vector<1024x85xf32>
    %swap3A = arith.constant 0 : index
    %swap3A_89 = arith.constant 0 : index
    %swap3A_90 = vector.load %arg14[%swap3A, %swap3A_89] : memref<1024x85xf32, #tpu.memory_space<vmem>>, vector<1024x85xf32>
    tpu.vector_store %arg14[%swap3A, %swap3A_89], %select_n3A_88 {strides = array<i32>} : memref<1024x85xf32, #tpu.memory_space<vmem>>, vector<1024x85xf32>,
    return
  }
  func.func @transform_0(%arg0: i32) -> (i32, i32) {
    %c0_i32 = arith.constant 0 : i32
    %c0_i32_0 = arith.constant 0 : i32
    return %c0_i32, %arg0 : i32, i32
  }
  func.func @transform_1(%arg0: i32) -> (i32, i32) {
    %c0_i32 = arith.constant 0 : i32
    %c0_i32_0 = arith.constant 0 : i32
    return %arg0, %c0_i32 : i32, i32
  }
  func.func @transform_2(%arg0: i32) -> (i32, i32) {
    %c0_i32 = arith.constant 0 : i32
    %c0_i32_0 = arith.constant 0 : i32
    return %arg0, %c0_i32 : i32, i32
  }
  func.func @transform_3(%arg0: i32) -> (i32, i32) {
    %c0_i32 = arith.constant 0 : i32
    %c0_i32_0 = arith.constant 0 : i32
    %c0_i32_1 = arith.constant 0 : i32
    return %c0_i32, %c0_i32_0 : i32, i32
  }
  func.func @transform_4(%arg0: i32) -> (i32, i32) {
    %c0_i32 = arith.constant 0 : i32
    %c0_i32_0 = arith.constant 0 : i32
    %c0_i32_1 = arith.constant 0 : i32
    return %c0_i32, %c0_i32_0 : i32, i32
  }
  func.func @transform_5(%arg0: i32) -> (i32, i32) {
    %c0_i32 = arith.constant 0 : i32
    %c0_i32_0 = arith.constant 0 : i32
    %c0_i32_1 = arith.constant 0 : i32
    return %c0_i32, %c0_i32_0 : i32, i32
  }
  func.func @transform_6(%arg0: i32) -> (i32, i32) {
    %c0_i32 = arith.constant 0 : i32
    %c0_i32_0 = arith.constant 0 : i32
    %c0_i32_1 = arith.constant 0 : i32
    return %c0_i32, %c0_i32_0 : i32, i32
  }
  func.func @transform_7(%arg0: i32) -> (i32, i32) {
    %c0_i32 = arith.constant 0 : i32
    %c0_i32_0 = arith.constant 0 : i32
    %c0_i32_1 = arith.constant 0 : i32
    return %c0_i32, %c0_i32_0 : i32, i32
  }
  func.func @transform_8(%arg0: i32) -> (i32, i32) {
    %c0_i32 = arith.constant 0 : i32
    %c0_i32_0 = arith.constant 0 : i32
    %c0_i32_1 = arith.constant 0 : i32
    return %c0_i32, %c0_i32_0 : i32, i32
  }
  func.func @transform_9(%arg0: i32) -> (i32, i32) {
    %c0_i32 = arith.constant 0 : i32
    %c0_i32_0 = arith.constant 0 : i32
    %c0_i32_1 = arith.constant 0 : i32
    return %c0_i32, %c0_i32_0 : i32, i32
  }
  func.func @transform_10(%arg0: i32) -> (i32, i32) {
    %c0_i32 = arith.constant 0 : i32
    %c0_i32_0 = arith.constant 0 : i32
    %c0_i32_1 = arith.constant 0 : i32
    return %c0_i32, %c0_i32_0 : i32, i32
  }
  func.func @transform_11(%arg0: i32) -> (i32, i32) {
    %c0_i32 = arith.constant 0 : i32
    %c0_i32_0 = arith.constant 0 : i32
    %c0_i32_1 = arith.constant 0 : i32
    return %c0_i32, %c0_i32_0 : i32, i32
  }
  func.func @transform_12(%arg0: i32) -> (i32, i32) {
    %c0_i32 = arith.constant 0 : i32
    %c0_i32_0 = arith.constant 0 : i32
    %c0_i32_1 = arith.constant 0 : i32
    return %c0_i32, %c0_i32_0 : i32, i32
  }
  func.func @transform_13(%arg0: i32) -> (i32, i32) {
    %c0_i32 = arith.constant 0 : i32
    %c0_i32_0 = arith.constant 0 : i32
    return %arg0, %c0_i32 : i32, i32
  }
}

</mosaic_0001>

<sc_bundles>
// kernel: gather_offload_async_start
scs
__scs_entry_jumppad:
0x0: {  	(pc) =	sbr.rel $0x88, $3  }
0x1: {  	(tag) =	ssettag $0x0;
	lr =	simm.s32 $0x1  }
0x2: {  	[smem:$0x3F8C] =	sst lr;
	_ =	strace $0xD0000000  }
0x3: {  	_ = 	snop  }
0x4: {  	_ = 	snop  }
0x5: {  	_ = 	snop  }
0x6: {  	_ = 	snop  }
0x7: {  	_ = 	snop  }
__scs_overlays_trampoline_lowered:
0x8: {  	[smem:$0x3F9B] =	sst s0  }
0x9: {  	[smem:$0x3F9C] =	sst s1  }
0xa: {  	[smem:$0x3F9D] =	sst s2  }
0xb: {  	[smem:$0x3F9E] =	sst s3  }
0xc: {  	[smem:$0x3F9F] =	sst s4  }
0xd: {  	[smem:$0x3FA0] =	sst s5  }
0xe: {  	[smem:$0x3FA1] =	sst s6  }
0xf: {  	[smem:$0x3FA2] =	sst s7  }
0x10: {  	[smem:$0x3FA3] =	sst s8  }
0x11: {  	[smem:$0x3FA4] =	sst s9;
	s0 =	simm.s32 @!p0 $0x0  }
0x12: {  	s1 =	sld [smem:$0x3F8A];
	s0 =	simm.s32 @p0 $0x1  }
0x13: {  	[smem:$0x3FA5] =	sst s0;
	s0 =	simm.s32 @!p1 $0x0  }
0x14: {  	s2 =	sld [smem:$0x3F89];
	s0 =	simm.s32 @p1 $0x1  }
0x15: {  	[smem:$0x3FA6] =	sst s0;
	s0 =	simm.s32 @!p2 $0x0  }
0x16: {  	s3 =	sld [smem:$0x3FDB];
	s0 =	simm.s32 @p2 $0x1  }
0x17: {  	s4 =	simm.s32 $0x1BF5;
	[smem:$0x3FA8] =	sst s0  }
0x18: {  	s0 =	sld [smem:$0x3F8B];
	_ =	swait.ge [sflag:s4], $0x0  }
0x19: {  	s7 =	sld [smem:$0x3F8C]  }
0x1a: {  	s8 =	sadd.s32 $0xFFFFE003, lr  }
0x1b: {  	s9 =	sadd.s32 $0xFFFFFEF7, lr;
	s5 =	simm.s32 $0xFFFFFFFF;
	p2 =	slt.u32 s8, $0xFFFFF086  }
0x1c: {  	p1 =	slt.u32 s9, $0xF7A;
	s5 =	simm.s32 @!p2 $0x0  }
0x1d: {  	s5 =	simm.s32 @p1 $0x1;
	p0 =	seq.s32 s7, s2  }
0x1e: {  	s7 =	smul.u32 @!p0 $0xF7A, s2;
	p2 =	seq.s32 @!p0 s5, $0x0  }
0x1f: {  	s9 =	smul.u32 $0xF7A, s1;
	s8 =	simm.s32 @!p0 $0x1BF5;
	p2 =	por !p2, p0  }
0x20: {  	[sflag:s8] =	ssyncset.s32 @!p0 $0xFFFFF086;
	s6 =	sadd.s32 @!p0 s3, s7;
	s7 =	simm.s32 @!p0 $0x108  }
0x21: {  	s3 =	sadd.s32 s3, s9;
	s6 =	sadd.s32 @!p0 $0x88, s6;
	s7 =	simm.s32 @p2 $0x1082  }
0x22: {  	[simem:s7], [sflag:s8] =	dma.local @!p0 [hbm:s6], $0xF7A  }
0x23: {  	s9 =	sor.u32 $0xD0000000, s2;
	s6 =	simm.s32 $0x108;
	_ =	swait.ge @!p0 [sflag:s8], $0x0  }
0x24: {  	s3 =	sadd.s32 $0x88, s3;
	s6 =	simm.s32 @!p1 $0x1082;
	[sflag:s4] =	ssyncset.s32 $0xFFFFF086  }
0x25: {  	[simem:s6], [sflag:s4] =	dma.local [hbm:s3], $0xF7A  }
0x26: {  	[smem:$0x3F8C] =	sst s1;
	(tag) =	ssettag s2;
	_ =	strace s9  }
0x27: {  	s1 =	sld [smem:$0x3F9C]  }
0x28: {  	s2 =	sld [smem:$0x3F9D]  }
0x29: {  	s4 =	sld [smem:$0x3F9F]  }
0x2a: {  	p0 =	seq.s32 s5, $0x0;
	s5 =	sld [smem:$0x3FA0]  }
0x2b: {  	s6 =	sld [smem:$0x3FA1]  }
0x2c: {  	s7 =	sld [smem:$0x3FA2]  }
0x2d: {  	s3 =	simm.s32 $0x108;
	s8 =	sld [smem:$0x3FA3]  }
0x2e: {  	s3 =	simm.s32 @!p0 $0x1082;
	s9 =	sld [smem:$0x3FA4]  }
0x2f: {  	lr =	sadd.s32 s0, s3;
	s0 =	sld [smem:$0x3F9B]  }
0x30: {  	s3 =	sld [smem:$0x3F9E]  }
0x31: {  	[smem:$0x3FA7] =	sst s10  }
0x32: {  	s10 =	sld [smem:$0x3FA5];
	_ =	sdelay $0x3  }
0x33: {  	p0 =	seq.s32 s10, $0x1;
	s10 =	sld [smem:$0x3FA7];
	_ =	sdelay $0x3  }
0x34: {  	[smem:$0x3FA7] =	sst s10  }
0x35: {  	s10 =	sld [smem:$0x3FA6];
	_ =	sdelay $0x3  }
0x36: {  	p1 =	seq.s32 s10, $0x1;
	s10 =	sld [smem:$0x3FA7];
	_ =	sdelay $0x3  }
0x37: {  	[smem:$0x3FA7] =	sst s10  }
0x38: {  	s10 =	sld [smem:$0x3FA8]  }
0x39: {  	_ = 	snop;
	(pc) =	sbr.ind lr, $3  }
0x3a: {  	_ = 	snop  }
0x3b: {  	_ = 	snop  }
0x3c: {  	p2 =	seq.s32 s10, $0x1;
	s10 =	sld [smem:$0x3FA7]  }
0x3d: {  	_ =	shalt  }
0x3e: {  	_ =	shalt  }
0x3f: {  	_ =	shalt  }
0x40: {  	_ =	shalt  }
0x41: {  	_ =	shalt  }
0x42: {  	_ =	shalt  }
0x43: {  	_ =	shalt  }
0x44: {  	_ =	shalt  }
0x45: {  	_ =	shalt  }
0x46: {  	_ =	shalt  }
0x47: {  	_ =	shalt  }
0x48: {  	_ =	shalt  }
0x49: {  	_ =	shalt  }
0x4a: {  	_ =	shalt  }
0x4b: {  	_ =	shalt  }
0x4c: {  	_ =	shalt  }
0x4d: {  	_ =	shalt  }
0x4e: {  	_ =	shalt  }
0x4f: {  	_ =	shalt  }
0x50: {  	_ =	shalt  }
0x51: {  	_ =	shalt  }
0x52: {  	_ =	shalt  }
0x53: {  	_ =	shalt  }
0x54: {  	_ =	shalt  }
0x55: {  	_ =	shalt  }
0x56: {  	_ =	shalt  }
0x57: {  	_ =	shalt  }
0x58: {  	_ =	shalt  }
0x59: {  	_ =	shalt  }
0x5a: {  	_ =	shalt  }
0x5b: {  	_ =	shalt  }
0x5c: {  	_ =	shalt  }
0x5d: {  	_ =	shalt  }
0x5e: {  	_ =	shalt  }
0x5f: {  	_ =	shalt  }
0x60: {  	_ =	shalt  }
0x61: {  	_ =	shalt  }
0x62: {  	_ =	shalt  }
0x63: {  	_ =	shalt  }
0x64: {  	_ =	shalt  }
0x65: {  	_ =	shalt  }
0x66: {  	_ =	shalt  }
0x67: {  	_ =	shalt  }
0x68: {  	_ =	shalt  }
0x69: {  	_ =	shalt  }
0x6a: {  	_ =	shalt  }
0x6b: {  	_ =	shalt  }
0x6c: {  	_ =	shalt  }
0x6d: {  	_ =	shalt  }
0x6e: {  	_ =	shalt  }
0x6f: {  	_ =	shalt  }
0x70: {  	_ =	shalt  }
0x71: {  	_ =	shalt  }
0x72: {  	_ =	shalt  }
0x73: {  	_ =	shalt  }
0x74: {  	_ =	shalt  }
0x75: {  	_ =	shalt  }
0x76: {  	_ =	shalt  }
0x77: {  	_ =	shalt  }
0x78: {  	_ =	shalt  }
0x79: {  	_ =	shalt  }
0x7a: {  	_ =	shalt  }
0x7b: {  	_ =	shalt  }
0x7c: {  	_ =	shalt  }
0x7d: {  	_ =	shalt  }
0x7e: {  	_ =	shalt  }
0x7f: {  	_ =	shalt  }
0x80: {  	_ =	shalt  }
0x81: {  	_ =	shalt  }
0x82: {  	_ =	shalt  }
0x83: {  	_ =	shalt  }
0x84: {  	_ =	shalt  }
0x85: {  	_ =	shalt  }
0x86: {  	_ =	shalt  }
0x87: {  	_ =	shalt  }
.Lfunc_end0:
.L_simem_size_0:
called_computation_lowered:
.L_overlay_start_0:
0x88: {  	s2 =	sld [smem:$0x3FD9]  }
0x89: {  	s3 =	sld [smem:$0x3FFE];
	_ =	sdelay $0x1  }
0x8a: {  	s1 =	srdreg.scid  }
0x8b: {  	s0 =	sand.u32 $0x1, s1  }
0x8c: {  	s17 =	sshll.u32 s0, $0xA;
	s2 =	sadd.s32 s3, s2  }
0x8d: {  	s2 =	sadd.s32 s2, s17  }
0x8e: {  	[smem:$0x3FB3] =	sst s2  }
0x8f: {  	_ = 	snop  }
0x90: {  	s2 =	sld [smem:$0x3FD0];
	(tm) =	ssettm $0x1  }
0x91: {  	s18 =	sld [smem:$0x3FFB];
	_ =	sdelay $0x3  }
0x92: {  	_ =	strace s18  }
0x93: {  	s3 =	sld [smem:$0x3FFC];
	_ =	sdelay $0x3  }
0x94: {  	_ =	strace s3  }
0x95: {  	s3 =	sld [smem:$0x3FFD];
	_ =	sdelay $0x3  }
0x96: {  	_ =	strace s3  }
0x97: {  	_ =	strace $0x8FFFFFFF  }
0x98: {  	s19 =	sld [smem:$0x3FDB];
	_ =	sdelay $0x1  }
0x99: {  	s4 =	simm.s32 $_scs_section_size  }
0x9a: {  	s5 =	simm.s32 $_size__tile_overlayer_lowered;
	s6 =	simm.s32 $_tile_overlayer_lowered  }
0x9b: {  	s22 =	simm.s32 $0x1BFF;
	s21 =	sshll.u32 s6, $0x1;
	s3 =	sadd.s32 s4, s19  }
0x9c: {  	s7 =	simm.s32 $0x0;
	s20 =	sshll.u32 s5, $0x1;
	s5 =	sadd.s32 s21, s3  }
0x9d: {  	[timem:s7], [sflag:s22] =	dma.local [hbm:s5], s20  }
0x9e: {  	_ =	swait.ge [sflag:s22], s20  }
0x9f: {  	s4 =	ssub.s32 $0x0, s20;
	[sflag:s22] =	ssyncset.done $0x0  }
0xa0: {  	[sflag:s22] =	ssyncadd.s32 s4;
	_ =	sdelay $0x1  }
0xa1: {  	s23 =	simm.s32 $0x1B8B  }
0xa2: {  	_ =	swait.ge [sflag:s23], $0x1  }
0xa3: {  	[sflag:s23] =	ssyncset.done $0x0  }
0xa4: {  	s25 =	simm.s32 $0x1B8E;
	s24 =	sld [smem:$0x3FFE];
	[sflag:s23] =	ssyncadd.s32 $0xFFFFFFFF  }
0xa5: {  	s26 =	simm.s32 $execute0_lowered;
	[smem:$0x3FD2] =	sst s25  }
0xa6: {  	s5 =	sshll.u32 s26, $0x1;
	_ =	strace $0x80000049;
	[dreg:$0x1] =	wrdreg $0xFFFFFFFF  }
0xa7: {  	s28 =	simm.s32 $_size_execute0_lowered;
	s3 =	sadd.s32 s3, s5;
	[dreg:$0x0] =	wrdreg $0x0  }
0xa8: {  	s5 =	sshll.u32 s28, $0x1;
	[dreg:$0x2] =	wrdreg s3  }
0xa9: {  	[dreg:$0x3] =	wrdreg s5  }
0xaa: {  	[dreg:$0x4] =	wrdreg $0xC0  }
0xab: {  	_ =	task [dreg:s7], $0x5FFFF  }
0xac: {  	[dreg:$0x1] =	wrdreg $0xFFFFFFFF  }
0xad: {  	[dreg:$0x0] =	wrdreg $0x60  }
0xae: {  	[dreg:$0x2] =	wrdreg s24  }
0xaf: {  	[dreg:$0x3] =	wrdreg s2  }
0xb0: {  	[dreg:$0x4] =	wrdreg $0x9  }
0xb1: {  	_ =	task.clear_ibuf [dreg:s7], $0x5FFFF;
	_ =	strace $0x90000049  }
0xb2: {  	s29 =	simm.s32 $0x9;
	_ =	strace $0x8000004B  }
0xb3: {  	_ =	swait.ge [sflag:s29], $0x1  }
0xb4: {  	[sflag:s29] =	ssyncadd.s32 $0xFFFFFFFF  }
0xb5: {  	_ =	strace $0x9000004B  }
0xb6: {  	_ =	sfence  }
0xb7: {  	s30 =	sld [smem:$0x0];
	_ =	sdelay $0x2  }
0xb8: {  	s31 =	sshll.u32 s1, $0xD;
	s1 =	sshrl.u32 s1, $0x2  }
0xb9: {  	s3 =	sand.u32 $0x4000, s31;
	s1 =	sadd.s32 s1, s30  }
0xba: {  	s0 =	sor.u32 s3, s0;
	s1 =	sshll.u32 s1, $0x11  }
0xbb: {  	s0 =	sor.u32 s1, s0  }
0xbc: {  	s0 =	sadd.s32 $0x8F2B, s0  }
0xbd: {  	[sflag:s0] =	ssyncadd.remote.s32 $0x1  }
0xbe: {  	_ =	sfence.sel $0xFFFF  }
0xbf: {  	[dreg:$0x0] =	wrdreg $0xFFFFFFFF;
	(pc) =	sbr.abs _section_cstart, $3  }
0xc0: {  	[dreg:$0x1] =	wrdreg $0xFFFFFFFF  }
0xc1: {  	_ =	task.clear_ibuf [dreg:s7], $0x2FFFF;
	_ =	strace $0x9FFFFFFF  }
0xc2: {  	(tm) =	ssettm $0x7FFFFFFF  }
0xc3: {  	_ =	shalt  }
tec
execute0_lowered:
.L_overlay_start_1:
0x0: {  	(tag) =	ssettag $0x1  }
0x1: {  	s1 =	srdreg.scid;
	s6 =	rddreg [dreg:$0x0]  }
0x2: {  	s0 =	stileid.u32;
	s2 =	rddreg [dreg:$0x1];
	s1 =	sshll.u32 s1, $0x5  }
0x3: {  	s7 =	simm.s32 $0x1;
	s3 =	sshll.u32 s0, $0x6;
	s1 =	sand.u32 $0x20, s1  }
0x4: {  	s30 =	simm.s32 $0x2;
	s31 =	simm.s32 $0x3;
	s3 =	sor.u32 s3, s1  }
0x5: {  	s11 =	simm.s32 $0x0;
	s9 =	simm.s32 $0x0;
	s5 =	ssub.s32 $0x640, s3  }
0x6: {  	s4 =	sadd.s32 $0x3000, s6;
	s6 =	sadd.s32 $0x4000, s6;
	s8 =	sand.u32 $0x3E0, s5  }
0x7: {  	s1 =	rddreg [dreg:$0x2];
	_ =	strace $0x8000004A;
	p0 =	sne.s32 s8, $0x0  }
0x8: {  	[sflag:s7] =	ssyncpa.u1 $0x0;
	s5 =	sshrl.u32 s5, $0xA;
	s7 =	simm.s32 @!p0 $0x0  }
0x9: {  	s10 =	smov.u32 s3;
	[sflag:s30] =	ssyncpa.u1 $0x0;
	s5 =	sadd.s32 s7, s5  }
0xa: {  	[sflag:s31] =	ssyncpa.u1 $0x0;
	s8 =	simm.s32 $0x0;
	s7 =	sadd.s32 $0x1, s5  }
.LBB2_1:
0xb: {  	p0 =	sge.u32 s9, s5  }
0xc: {  	s31 =	sadd.s32 $0xFFFFFFFF, s9;
	s12 =	sxor.u32 @!p0 $0xFFFFFFFF, s8;
	s13 =	sshrl.u32 @!p0 s10, $0x3  }
0xd: {  	s14 =	sand.u32 @!p0 $0x7, s10;
	s12 =	sand.u32 @!p0 $0x20, s12;
	s13 =	sadd.s32 @!p0 s2, s13  }
0xe: {  	[tilespmem:s12], [sflag:$0x2] =	stream.linear.gather @!p0 [hbm4b:s13+s14], $0x20, $0x38;
	[tilespmem:$0x80] =	vst v63  }
0xf: {  	p0 =	sge.u32 s31, s5  }
0x10: {  	s12 =	simm.s32 @!p0 $0x2  }
0x11: {  	_ =	swait.ge @!p0 [sflag:s12], $0x20  }
0x12: {  	[sflag:s12] =	ssyncset.done @!p0 $0x0  }
0x13: {  	[sflag:s12] =	ssyncadd.s32 @!p0 $0xFFFFFFE0;
	s12 =	sand.u32 @!p0 $0x20, s8  }
0x14: {  	(ifvalue) =	ssetifvalue @!p0 $0x7FFFFFFF;
	v0 =	vld.msk @!p0 [tilespmem:s12+$0x0 ss:$0x1], $0xffff;
	_ =	sdelay $0x4  }
0x15: {  	vm0 =	vgt.s32 @!p0 v0, $0x0  }
0x16: {  	v0 =	vnsel @!p0 vm0, $0x0, v0  }
0x17: {  	v0 =	vmin.u32 @!p0 v0, $0x3FFF;
	_ =	sdelay $0x2  }
0x18: {  	s14 =	simm.s32 @!p0 $0x0  }
0x19: {  	s13 =	sor.u32 @!p0 $0x40, s12;
	(ifvalue) =	ssetifvalue @!p0 $0x7FFFFFFF;
	s15 =	sor.u32 @!p0 $0x10, s12;
	vm0 =	vmmov @!p0 $0xffff  }
0x1a: {  	[tilespmem:s13], [sflag:$0x1] =	stream.indirect_vreg.gather @!p0 [hbm4b:s4+s14], $0x1, v0, vm0, $0x4038;
	[tilespmem:$0x80] =	vst v63  }
0x1b: {  	v0 =	vld.msk @!p0 [tilespmem:s15+$0x0 ss:$0x1], $0xffff;
	_ =	sdelay $0x4  }
0x1c: {  	vm1 =	vgt.s32 @!p0 v0, $0x0  }
0x1d: {  	v0 =	vnsel @!p0 vm1, $0x0, v0  }
0x1e: {  	v0 =	vmin.u32 @!p0 v0, $0x3FFF;
	_ =	sdelay $0x3  }
0x1f: {  	s12 =	sor.u32 @!p0 $0x50, s12;
	(ifvalue) =	ssetifvalue @!p0 $0x7FFFFFFF  }
0x20: {  	[tilespmem:s12], [sflag:$0x1] =	stream.indirect_vreg.gather @!p0 [hbm4b:s4+s14], $0x1, v0, vm0, $0x4038;
	[tilespmem:$0x80] =	vst v63  }
0x21: {  	s12 =	simm.s32 @!p0 $0x1  }
0x22: {  	_ =	swait.ge @!p0 [sflag:s12], $0x20  }
0x23: {  	s14 =	sshrl.u32 @!p0 s11, $0x3;
	[sflag:s12] =	ssyncset.done @!p0 $0x0  }
0x24: {  	s11 =	sand.u32 @!p0 $0x7, s11;
	[sflag:s12] =	ssyncadd.s32 @!p0 $0xFFFFFFE0;
	s12 =	sadd.s32 @!p0 s6, s14  }
0x25: {  	[hbm4b:s12+s11] =	stream.linear.scatter @!p0 [tilespmem:s13], [sflag:$0x3], $0x20, $0x38;
	[tilespmem:$0x80] =	vst v63  }
0x26: {  	s13 =	sadd.s32 $0x400, s10  }
0x27: {  	p1 =	sgt.s32 s13, $0x63F  }
0x28: {  	s13 =	smov.u32 @p1 s3;
	p1 =	sne.s32 s9, s7  }
.Ltmp0:
0x29: {  	p0 =	slt.u32 s9, $0x2;
	(pc) =	sbr.rel @p1 .LBB2_1-.Ltmp0, $4  }
0x2a: {  	s12 =	simm.s32 @!p0 $0x3  }
0x2b: {  	_ =	swait.ge @!p0 [sflag:s12], $0x20  }
0x2c: {  	s8 =	sadd.s32 $0x20, s8;
	s11 =	smov.u32 s10;
	[sflag:s12] =	ssyncset.done @!p0 $0x0  }
0x2d: {  	s9 =	sadd.s32 $0x1, s9;
	s10 =	smov.u32 s13;
	[sflag:s12] =	ssyncadd.s32 @!p0 $0xFFFFFFE0  }
0x2e: {  	_ =	sfence.sel $0x180000  }
0x2f: {  	s2 =	simm.s32 $0x2;
	[bflag:$0x0] =	sbarrier.arrive $0xFFFF  }
0x30: {  	s30 =	simm.s32 $0x3;
	[sflag:s2] =	ssyncpa.u1 $0x1  }
0x31: {  	s31 =	simm.s32 $0x1;
	[sflag:s30] =	ssyncpa.u1 $0x1  }
0x32: {  	[sflag:s31] =	ssyncpa.u1 $0x1  }
0x33: {  	p0 =	sne.s32 s0, $0x0;
	_ =	strace $0x9000004A  }
0x34: {  	s0 =	sadd.s32 @!p0 $0x100000, s1;
	[bflag:$0x2] =	sbarrier.arrive $0xFFFF  }
0x35: {  	[sflag:s0] =	ssyncadd.tile.s32 @!p0 $0x1;
	_ =	shalt  }
.Lfunc_end2:
_tile_overlayer_lowered:
.L_overlay_start_2:
0x36: {  	(tag) =	ssettag $0x2  }
0x37: {  	s0 =	rddreg [dreg:$0x0];
	s2 =	stileid.u32  }
0x38: {  	s1 =	rddreg [dreg:$0x1];
	p0 =	sne.s32 s2, $0x0  }
0x39: {  	s3 =	rddreg [dreg:$0x2];
	[bflag:$0x3] =	sbarrier.arrive $0xFFFF;
	s2 =	simm.s32 @!p0 $0x1C01  }
0x3a: {  	[timem:s3], [sflag:s2] =	dma.local @!p0 [hbm:s0], s1  }
0x3b: {  	s0 =	simm.s32 @!p0 $0x1  }
0x3c: {  	_ =	swait.ge @!p0 [sflag:s0], s1  }
0x3d: {  	s1 =	ssub.s32 @!p0 $0x0, s1;
	[sflag:s0] =	ssyncset.done @!p0 $0x0  }
0x3e: {  	[sflag:s0] =	ssyncadd.s32 @!p0 s1  }
0x3f: {  	[bflag:$0x3] =	sbarrier.arrive $0xFFFF  }
0x40: {  	_ =	shalt  }

// kernel: kernel.4.cloned.1.call-start
scs
__scs_entry_jumppad:
0x0: {  	(pc) =	sbr.rel $0x88, $3  }
0x1: {  	(tag) =	ssettag $0x0;
	lr =	simm.s32 $0x1  }
0x2: {  	[smem:$0x3F8C] =	sst lr;
	_ =	strace $0xD0000000  }
0x3: {  	_ = 	snop  }
0x4: {  	_ = 	snop  }
0x5: {  	_ = 	snop  }
0x6: {  	_ = 	snop  }
0x7: {  	_ = 	snop  }
__scs_overlays_trampoline_lowered:
0x8: {  	[smem:$0x3F9B] =	sst s0  }
0x9: {  	[smem:$0x3F9C] =	sst s1  }
0xa: {  	[smem:$0x3F9D] =	sst s2  }
0xb: {  	[smem:$0x3F9E] =	sst s3  }
0xc: {  	[smem:$0x3F9F] =	sst s4  }
0xd: {  	[smem:$0x3FA0] =	sst s5  }
0xe: {  	[smem:$0x3FA1] =	sst s6  }
0xf: {  	[smem:$0x3FA2] =	sst s7  }
0x10: {  	[smem:$0x3FA3] =	sst s8  }
0x11: {  	[smem:$0x3FA4] =	sst s9;
	s0 =	simm.s32 @!p0 $0x0  }
0x12: {  	s1 =	sld [smem:$0x3F8A];
	s0 =	simm.s32 @p0 $0x1  }
0x13: {  	[smem:$0x3FA5] =	sst s0;
	s0 =	simm.s32 @!p1 $0x0  }
0x14: {  	s2 =	sld [smem:$0x3F89];
	s0 =	simm.s32 @p1 $0x1  }
0x15: {  	[smem:$0x3FA6] =	sst s0;
	s0 =	simm.s32 @!p2 $0x0  }
0x16: {  	s3 =	sld [smem:$0x3FDB];
	s0 =	simm.s32 @p2 $0x1  }
0x17: {  	s4 =	simm.s32 $0x1BF5;
	[smem:$0x3FA8] =	sst s0  }
0x18: {  	s0 =	sld [smem:$0x3F8B];
	_ =	swait.ge [sflag:s4], $0x0  }
0x19: {  	s7 =	sld [smem:$0x3F8C]  }
0x1a: {  	s8 =	sadd.s32 $0xFFFFE003, lr  }
0x1b: {  	s9 =	sadd.s32 $0xFFFFFEF7, lr;
	s5 =	simm.s32 $0xFFFFFFFF;
	p2 =	slt.u32 s8, $0xFFFFF086  }
0x1c: {  	p1 =	slt.u32 s9, $0xF7A;
	s5 =	simm.s32 @!p2 $0x0  }
0x1d: {  	s5 =	simm.s32 @p1 $0x1;
	p0 =	seq.s32 s7, s2  }
0x1e: {  	s7 =	smul.u32 @!p0 $0xF7A, s2;
	p2 =	seq.s32 @!p0 s5, $0x0  }
0x1f: {  	s9 =	smul.u32 $0xF7A, s1;
	s8 =	simm.s32 @!p0 $0x1BF5;
	p2 =	por !p2, p0  }
0x20: {  	[sflag:s8] =	ssyncset.s32 @!p0 $0xFFFFF086;
	s6 =	sadd.s32 @!p0 s3, s7;
	s7 =	simm.s32 @!p0 $0x108  }
0x21: {  	s3 =	sadd.s32 s3, s9;
	s6 =	sadd.s32 @!p0 $0x88, s6;
	s7 =	simm.s32 @p2 $0x1082  }
0x22: {  	[simem:s7], [sflag:s8] =	dma.local @!p0 [hbm:s6], $0xF7A  }
0x23: {  	s9 =	sor.u32 $0xD0000000, s2;
	s6 =	simm.s32 $0x108;
	_ =	swait.ge @!p0 [sflag:s8], $0x0  }
0x24: {  	s3 =	sadd.s32 $0x88, s3;
	s6 =	simm.s32 @!p1 $0x1082;
	[sflag:s4] =	ssyncset.s32 $0xFFFFF086  }
0x25: {  	[simem:s6], [sflag:s4] =	dma.local [hbm:s3], $0xF7A  }
0x26: {  	[smem:$0x3F8C] =	sst s1;
	(tag) =	ssettag s2;
	_ =	strace s9  }
0x27: {  	s1 =	sld [smem:$0x3F9C]  }
0x28: {  	s2 =	sld [smem:$0x3F9D]  }
0x29: {  	s4 =	sld [smem:$0x3F9F]  }
0x2a: {  	p0 =	seq.s32 s5, $0x0;
	s5 =	sld [smem:$0x3FA0]  }
0x2b: {  	s6 =	sld [smem:$0x3FA1]  }
0x2c: {  	s7 =	sld [smem:$0x3FA2]  }
0x2d: {  	s3 =	simm.s32 $0x108;
	s8 =	sld [smem:$0x3FA3]  }
0x2e: {  	s3 =	simm.s32 @!p0 $0x1082;
	s9 =	sld [smem:$0x3FA4]  }
0x2f: {  	lr =	sadd.s32 s0, s3;
	s0 =	sld [smem:$0x3F9B]  }
0x30: {  	s3 =	sld [smem:$0x3F9E]  }
0x31: {  	[smem:$0x3FA7] =	sst s10  }
0x32: {  	s10 =	sld [smem:$0x3FA5];
	_ =	sdelay $0x3  }
0x33: {  	p0 =	seq.s32 s10, $0x1;
	s10 =	sld [smem:$0x3FA7];
	_ =	sdelay $0x3  }
0x34: {  	[smem:$0x3FA7] =	sst s10  }
0x35: {  	s10 =	sld [smem:$0x3FA6];
	_ =	sdelay $0x3  }
0x36: {  	p1 =	seq.s32 s10, $0x1;
	s10 =	sld [smem:$0x3FA7];
	_ =	sdelay $0x3  }
0x37: {  	[smem:$0x3FA7] =	sst s10  }
0x38: {  	s10 =	sld [smem:$0x3FA8]  }
0x39: {  	_ = 	snop;
	(pc) =	sbr.ind lr, $3  }
0x3a: {  	_ = 	snop  }
0x3b: {  	_ = 	snop  }
0x3c: {  	p2 =	seq.s32 s10, $0x1;
	s10 =	sld [smem:$0x3FA7]  }
0x3d: {  	_ =	shalt  }
0x3e: {  	_ =	shalt  }
0x3f: {  	_ =	shalt  }
0x40: {  	_ =	shalt  }
0x41: {  	_ =	shalt  }
0x42: {  	_ =	shalt  }
0x43: {  	_ =	shalt  }
0x44: {  	_ =	shalt  }
0x45: {  	_ =	shalt  }
0x46: {  	_ =	shalt  }
0x47: {  	_ =	shalt  }
0x48: {  	_ =	shalt  }
0x49: {  	_ =	shalt  }
0x4a: {  	_ =	shalt  }
0x4b: {  	_ =	shalt  }
0x4c: {  	_ =	shalt  }
0x4d: {  	_ =	shalt  }
0x4e: {  	_ =	shalt  }
0x4f: {  	_ =	shalt  }
0x50: {  	_ =	shalt  }
0x51: {  	_ =	shalt  }
0x52: {  	_ =	shalt  }
0x53: {  	_ =	shalt  }
0x54: {  	_ =	shalt  }
0x55: {  	_ =	shalt  }
0x56: {  	_ =	shalt  }
0x57: {  	_ =	shalt  }
0x58: {  	_ =	shalt  }
0x59: {  	_ =	shalt  }
0x5a: {  	_ =	shalt  }
0x5b: {  	_ =	shalt  }
0x5c: {  	_ =	shalt  }
0x5d: {  	_ =	shalt  }
0x5e: {  	_ =	shalt  }
0x5f: {  	_ =	shalt  }
0x60: {  	_ =	shalt  }
0x61: {  	_ =	shalt  }
0x62: {  	_ =	shalt  }
0x63: {  	_ =	shalt  }
0x64: {  	_ =	shalt  }
0x65: {  	_ =	shalt  }
0x66: {  	_ =	shalt  }
0x67: {  	_ =	shalt  }
0x68: {  	_ =	shalt  }
0x69: {  	_ =	shalt  }
0x6a: {  	_ =	shalt  }
0x6b: {  	_ =	shalt  }
0x6c: {  	_ =	shalt  }
0x6d: {  	_ =	shalt  }
0x6e: {  	_ =	shalt  }
0x6f: {  	_ =	shalt  }
0x70: {  	_ =	shalt  }
0x71: {  	_ =	shalt  }
0x72: {  	_ =	shalt  }
0x73: {  	_ =	shalt  }
0x74: {  	_ =	shalt  }
0x75: {  	_ =	shalt  }
0x76: {  	_ =	shalt  }
0x77: {  	_ =	shalt  }
0x78: {  	_ =	shalt  }
0x79: {  	_ =	shalt  }
0x7a: {  	_ =	shalt  }
0x7b: {  	_ =	shalt  }
0x7c: {  	_ =	shalt  }
0x7d: {  	_ =	shalt  }
0x7e: {  	_ =	shalt  }
0x7f: {  	_ =	shalt  }
0x80: {  	_ =	shalt  }
0x81: {  	_ =	shalt  }
0x82: {  	_ =	shalt  }
0x83: {  	_ =	shalt  }
0x84: {  	_ =	shalt  }
0x85: {  	_ =	shalt  }
0x86: {  	_ =	shalt  }
0x87: {  	_ =	shalt  }
.Lfunc_end0:
.L_simem_size_0:
called_computation.1_lowered:
.L_overlay_start_0:
0x88: {  	s2 =	sld [smem:$0x3FD9]  }
0x89: {  	s3 =	sld [smem:$0x3FFE];
	_ =	sdelay $0x1  }
0x8a: {  	s1 =	srdreg.scid  }
0x8b: {  	s0 =	sand.u32 $0x1, s1  }
0x8c: {  	s17 =	sshll.u32 s0, $0xA;
	s2 =	sadd.s32 s3, s2  }
0x8d: {  	s2 =	sadd.s32 s2, s17  }
0x8e: {  	[smem:$0x3FB3] =	sst s2  }
0x8f: {  	_ = 	snop  }
0x90: {  	s2 =	sld [smem:$0x3FC7]  }
0x91: {  	s18 =	sld [smem:$0x3FD0];
	(tm) =	ssettm $0x1  }
0x92: {  	s4 =	sld [smem:$0x3FFB];
	_ =	sdelay $0x3  }
0x93: {  	_ =	strace s4  }
0x94: {  	s4 =	sld [smem:$0x3FFC];
	_ =	sdelay $0x3  }
0x95: {  	_ =	strace s4  }
0x96: {  	s4 =	sld [smem:$0x3FFD];
	_ =	sdelay $0x3  }
0x97: {  	_ =	strace s4  }
0x98: {  	_ =	strace $0x8FFFFFFF  }
0x99: {  	s19 =	sld [smem:$0x3FDB];
	_ =	sdelay $0x1  }
0x9a: {  	s5 =	simm.s32 $_scs_section_size  }
0x9b: {  	s6 =	simm.s32 $_size__tile_overlayer_lowered;
	s7 =	simm.s32 $_tile_overlayer_lowered  }
0x9c: {  	s22 =	simm.s32 $0x1BFF;
	s21 =	sshll.u32 s7, $0x1;
	s4 =	sadd.s32 s5, s19  }
0x9d: {  	s8 =	simm.s32 $0x0;
	s20 =	sshll.u32 s6, $0x1;
	s6 =	sadd.s32 s21, s4  }
0x9e: {  	[timem:s8], [sflag:s22] =	dma.local [hbm:s6], s20  }
0x9f: {  	_ =	swait.ge [sflag:s22], s20  }
0xa0: {  	s5 =	ssub.s32 $0x0, s20;
	[sflag:s22] =	ssyncset.done $0x0  }
0xa1: {  	[sflag:s22] =	ssyncadd.s32 s5;
	_ =	sdelay $0x1  }
0xa2: {  	s23 =	simm.s32 $0x1B8B  }
0xa3: {  	_ =	swait.ge [sflag:s23], $0x1  }
0xa4: {  	[sflag:s23] =	ssyncset.done $0x0  }
0xa5: {  	s25 =	simm.s32 $0x1B8E;
	s24 =	sld [smem:$0x3FFE];
	[sflag:s23] =	ssyncadd.s32 $0xFFFFFFFF  }
0xa6: {  	s26 =	simm.s32 $execute0_lowered;
	[smem:$0x3FD2] =	sst s25  }
0xa7: {  	s6 =	sshll.u32 s26, $0x1;
	_ =	strace $0x80000046;
	[dreg:$0x1] =	wrdreg $0xFFFFFFFF  }
0xa8: {  	s28 =	simm.s32 $_size_execute0_lowered;
	s4 =	sadd.s32 s4, s6;
	[dreg:$0x0] =	wrdreg $0x0  }
0xa9: {  	s6 =	sshll.u32 s28, $0x1;
	[dreg:$0x2] =	wrdreg s4  }
0xaa: {  	[dreg:$0x3] =	wrdreg s6  }
0xab: {  	[dreg:$0x4] =	wrdreg $0xC0  }
0xac: {  	_ =	task [dreg:s8], $0x5FFFF  }
0xad: {  	[dreg:$0x1] =	wrdreg $0xFFFFFFFF  }
0xae: {  	[dreg:$0x0] =	wrdreg $0x60  }
0xaf: {  	[dreg:$0x2] =	wrdreg s2  }
0xb0: {  	[dreg:$0x3] =	wrdreg s24  }
0xb1: {  	[dreg:$0x4] =	wrdreg s18  }
0xb2: {  	[dreg:$0x5] =	wrdreg $0x9  }
0xb3: {  	_ =	task.clear_ibuf [dreg:s8], $0x6FFFF;
	_ =	strace $0x90000046  }
0xb4: {  	s29 =	simm.s32 $0x9;
	_ =	strace $0x80000048  }
0xb5: {  	_ =	swait.ge [sflag:s29], $0x1  }
0xb6: {  	[sflag:s29] =	ssyncadd.s32 $0xFFFFFFFF  }
0xb7: {  	_ =	strace $0x90000048  }
0xb8: {  	_ =	sfence  }
0xb9: {  	s30 =	sld [smem:$0x0];
	_ =	sdelay $0x2  }
0xba: {  	s31 =	sshll.u32 s1, $0xD;
	s1 =	sshrl.u32 s1, $0x2  }
0xbb: {  	s3 =	sand.u32 $0x4000, s31;
	s1 =	sadd.s32 s1, s30  }
0xbc: {  	s0 =	sor.u32 s3, s0;
	s1 =	sshll.u32 s1, $0x11  }
0xbd: {  	s0 =	sor.u32 s1, s0  }
0xbe: {  	s0 =	sadd.s32 $0x8F2B, s0  }
0xbf: {  	[sflag:s0] =	ssyncadd.remote.s32 $0x1  }
0xc0: {  	_ =	sfence.sel $0xFFFF  }
0xc1: {  	[dreg:$0x0] =	wrdreg $0xFFFFFFFF;
	(pc) =	sbr.abs _section_cstart, $3  }
0xc2: {  	[dreg:$0x1] =	wrdreg $0xFFFFFFFF  }
0xc3: {  	_ =	task.clear_ibuf [dreg:s8], $0x2FFFF;
	_ =	strace $0x9FFFFFFF  }
0xc4: {  	(tm) =	ssettm $0x7FFFFFFF  }
0xc5: {  	_ =	shalt  }
tec
execute0_lowered:
.L_overlay_start_1:
0x0: {  	(tag) =	ssettag $0x1  }
0x1: {  	s1 =	rddreg [dreg:$0x0];
	v3 =	vlaneseq.u32  }
0x2: {  	s8 =	rddreg [dreg:$0x1];
	v14 =	vmul.u32 $0x80, v3  }
0x3: {  	s3 =	rddreg [dreg:$0x2];
	s4 =	simm.s32 $0x0  }
0x4: {  	s2 =	srdreg.scid;
	[smem:$0x7FF] =	sst s4;
	v0 =	vor.u32 $0x7, v14  }
0x5: {  	s9 =	sand.u32 $0x1, s2;
	s2 =	rddreg [dreg:$0x3];
	_ =	strace $0x80000047;
	v1 =	vor.u32 $0x1, v14;
	[tilespmem:$0x1FCF0] =	vst v0  }
0x6: {  	v0 =	vor.u32 $0x8, v14;
	[tilespmem:$0x1FFF0] =	vst v1  }
0x7: {  	[tilespmem:$0x1FD00] =	vst v0;
	v0 =	vor.u32 $0x9, v14  }
0x8: {  	[tilespmem:$0x1FD10] =	vst v0;
	v0 =	vor.u32 $0xA, v14  }
0x9: {  	[tilespmem:$0x1FD20] =	vst v0;
	v0 =	vor.u32 $0xB, v14  }
0xa: {  	[tilespmem:$0x1FD30] =	vst v0;
	v0 =	vor.u32 $0xC, v14  }
0xb: {  	[tilespmem:$0x1FD40] =	vst v0;
	v0 =	vor.u32 $0xD, v14  }
0xc: {  	[tilespmem:$0x1FD50] =	vst v0;
	v0 =	vor.u32 $0xE, v14  }
0xd: {  	[tilespmem:$0x1FD60] =	vst v0;
	v0 =	vor.u32 $0xF, v14  }
0xe: {  	[tilespmem:$0x1FD70] =	vst v0;
	v0 =	vor.u32 $0x10, v14  }
0xf: {  	[tilespmem:$0x1FD80] =	vst v0;
	v0 =	vor.u32 $0x11, v14  }
0x10: {  	[tilespmem:$0x1FD90] =	vst v0;
	v0 =	vor.u32 $0x12, v14  }
0x11: {  	[tilespmem:$0x1FDA0] =	vst v0;
	v0 =	vor.u32 $0x13, v14  }
0x12: {  	[tilespmem:$0x1FDB0] =	vst v0;
	v0 =	vor.u32 $0x14, v14  }
0x13: {  	[tilespmem:$0x1FDC0] =	vst v0;
	v0 =	vor.u32 $0x15, v14  }
0x14: {  	s21 =	simm.s32 $0x1C700;
	[tilespmem:$0x1FDD0] =	vst v0;
	v0 =	vor.u32 $0x16, v14  }
0x15: {  	s23 =	simm.s32 $0x1C780;
	[dreg:$0x14] =	wrdreg s21;
	[tilespmem:$0x1FDE0] =	vst v0;
	v0 =	vor.u32 $0x17, v14  }
0x16: {  	s25 =	simm.s32 $0x1C880;
	[dreg:$0x15] =	wrdreg s23;
	[tilespmem:$0x1FDF0] =	vst v0;
	v0 =	vor.u32 $0x18, v14  }
0x17: {  	s0 =	stileid.u32;
	s26 =	simm.s32 $0x1C900;
	[dreg:$0x17] =	wrdreg s25;
	[tilespmem:$0x1FE00] =	vst v0;
	v0 =	vor.u32 $0x19, v14  }
0x18: {  	s28 =	simm.s32 $0x1C980;
	s5 =	sshll.u32 s0, $0x1;
	[dreg:$0x18] =	wrdreg s26;
	[tilespmem:$0x1FE10] =	vst v0;
	v0 =	vor.u32 $0x1A, v14  }
0x19: {  	s29 =	simm.s32 $0x1CA00;
	s5 =	sor.u32 s9, s5;
	[dreg:$0x19] =	wrdreg s28;
	[tilespmem:$0x1FE20] =	vst v0;
	v0 =	vor.u32 $0x1B, v14  }
0x1a: {  	s30 =	simm.s32 $0x1CA80;
	[dreg:$0x1a] =	wrdreg s29;
	s10 =	sshll.u32 s5, $0x4;
	[tilespmem:$0x1FE30] =	vst v0;
	v0 =	vor.u32 $0x1C, v14  }
0x1b: {  	[dreg:$0x1b] =	wrdreg s30;
	s6 =	sor.u32 $0x4000, s10;
	[tilespmem:$0x1FE40] =	vst v0;
	v0 =	vor.u32 $0x1D, v14  }
0x1c: {  	s31 =	sor.u32 $0x4001, s10;
	[dreg:$0x4] =	wrdreg s6;
	[tilespmem:$0x1FE50] =	vst v0;
	v0 =	vor.u32 $0x1E, v14  }
0x1d: {  	s7 =	sor.u32 $0x4002, s10;
	[dreg:$0x5] =	wrdreg s31;
	[tilespmem:$0x1FE60] =	vst v0;
	v0 =	vor.u32 $0x1F, v14  }
0x1e: {  	s11 =	sor.u32 $0x4003, s10;
	[dreg:$0x6] =	wrdreg s7;
	[tilespmem:$0x1FE70] =	vst v0;
	v0 =	vor.u32 $0x20, v14  }
0x1f: {  	s12 =	sor.u32 $0x4004, s10;
	[dreg:$0x7] =	wrdreg s11;
	[tilespmem:$0x1FE80] =	vst v0;
	v0 =	vor.u32 $0x21, v14  }
0x20: {  	s13 =	sor.u32 $0x4005, s10;
	[dreg:$0x8] =	wrdreg s12;
	[tilespmem:$0x1FE90] =	vst v0;
	v0 =	vor.u32 $0x22, v14  }
0x21: {  	s14 =	sor.u32 $0x4006, s10;
	[dreg:$0x9] =	wrdreg s13;
	[tilespmem:$0x1FEA0] =	vst v0;
	v0 =	vor.u32 $0x23, v14  }
0x22: {  	s9 =	ssub.s32 $0x2, s9;
	s15 =	sor.u32 $0x4007, s10;
	[dreg:$0xa] =	wrdreg s14;
	[tilespmem:$0x1FEB0] =	vst v0;
	v0 =	vor.u32 $0x24, v14  }
0x23: {  	s24 =	smul.u32 $0xC4, s5;
	s16 =	sor.u32 $0x400A, s10;
	[dreg:$0xb] =	wrdreg s15;
	[tilespmem:$0x1FEC0] =	vst v0;
	v0 =	vor.u32 $0x25, v14  }
0x24: {  	s17 =	sor.u32 $0x400B, s10;
	s18 =	sor.u32 $0x400C, s10;
	[dreg:$0xe] =	wrdreg s16;
	[tilespmem:$0x1FED0] =	vst v0;
	v0 =	vor.u32 $0x26, v14  }
0x25: {  	s19 =	sor.u32 $0x400D, s10;
	s20 =	sor.u32 $0x400E, s10;
	[dreg:$0xf] =	wrdreg s17;
	[tilespmem:$0x1FEE0] =	vst v0;
	v0 =	vor.u32 $0x27, v14  }
0x26: {  	s7 =	sor.u32 $0x4008, s10;
	s6 =	sadd.s32 $0x3000, s8;
	[dreg:$0x10] =	wrdreg s18;
	[tilespmem:$0x1FEF0] =	vst v0;
	v0 =	vor.u32 $0x28, v14  }
0x27: {  	s11 =	sor.u32 $0x4009, s10;
	s12 =	sshrl.u32 s9, $0x1;
	[dreg:$0x11] =	wrdreg s19;
	[tilespmem:$0x1FF00] =	vst v0;
	v0 =	vor.u32 $0x29, v14  }
0x28: {  	s13 =	smul.u32 $0xF5, s5;
	[dreg:$0x12] =	wrdreg s20;
	s10 =	sor.u32 $0x400F, s10;
	[tilespmem:$0x1FF10] =	vst v0;
	v0 =	vor.u32 $0x2A, v14  }
0x29: {  	s14 =	simm.s32 $0x1C800;
	s15 =	simm.s32 $0x1CB00;
	[dreg:$0xc] =	wrdreg s7;
	[tilespmem:$0x1FF20] =	vst v0;
	v0 =	vor.u32 $0x2B, v14  }
0x2a: {  	s16 =	simm.s32 $0x1CB80;
	s17 =	simm.s32 $0x1CC00;
	[dreg:$0xd] =	wrdreg s11;
	[tilespmem:$0x1FF30] =	vst v0;
	v0 =	vor.u32 $0x2C, v14  }
0x2b: {  	s18 =	simm.s32 $0x1CC80;
	s19 =	simm.s32 $0x1CD00;
	[dreg:$0x13] =	wrdreg s10;
	[tilespmem:$0x1FF40] =	vst v0;
	v0 =	vor.u32 $0x2D, v14  }
0x2c: {  	s20 =	simm.s32 $0x1CD80;
	s31 =	simm.s32 $0x1CE00;
	[dreg:$0x16] =	wrdreg s14;
	[tilespmem:$0x1FF50] =	vst v0;
	v0 =	vor.u32 $0x2E, v14  }
0x2d: {  	s7 =	sadd.s32 $0x3800, s8;
	s8 =	sadd.s32 $0x4000, s8;
	[dreg:$0x1c] =	wrdreg s15;
	[tilespmem:$0x1FF60] =	vst v0;
	v0 =	vor.u32 $0x2F, v14  }
0x2e: {  	s12 =	ssub.s32 s9, s12;
	s14 =	simm.s32 $0x8000;
	[dreg:$0x1d] =	wrdreg s16;
	[tilespmem:$0x1FF70] =	vst v0;
	v0 =	vor.u32 $0x30, v14  }
0x2f: {  	s15 =	simm.s32 $0x1400;
	s16 =	simm.s32 $0x7A1400;
	[dreg:$0x1e] =	wrdreg s17;
	[tilespmem:$0x1FF80] =	vst v0;
	v0 =	vor.u32 $0x31, v14  }
0x30: {  	s17 =	simm.s32 $0x8680;
	[dreg:$0x1f] =	wrdreg s18;
	s18 =	simm.s32 $0x1;
	[tilespmem:$0x1FF90] =	vst v0;
	v0 =	vor.u32 $0x32, v14  }
.Ltmp0:
0x31: {  	[smem:$0x7FB] =	sst s19;
	s19 =	simm.s32 $0x1C680;
	[tilespmem:$0x1FFA0] =	vst v0;
	v0 =	vor.u32 $0x33, v14;
	(pc) =	sbr.rel .LBB2_1-.Ltmp0, $4  }
0x32: {  	[smem:$0x7FC] =	sst s20;
	s9 =	smin.u32 s13, $0x1D8F;
	s13 =	sshrl.u32 s24, $0x2;
	[tilespmem:$0x1FFB0] =	vst v0;
	v0 =	vor.u32 $0x34, v14  }
0x33: {  	[smem:$0x7FD] =	sst s31;
	s20 =	simm.s32 $0x2;
	s21 =	sadd.s32 $0x8020, s13;
	[tilespmem:$0x1FFC0] =	vst v0;
	v0 =	vor.u32 $0x35, v14  }
0x34: {  	v15 =	vor.u32 $0x2, v14;
	v16 =	vor.u32 $0x3, v14;
	s11 =	smax.u32 s12, $0x1;
	s12 =	simm.s32 $0x3;
	s22 =	sshll.u32 s9, $0x7;
	[tilespmem:$0x1FFD0] =	vst v0;
	v0 =	vmov s21  }
0x35: {  	v17 =	vor.u32 $0x4, v14;
	v13 =	vor.u32 $0x5, v14;
	v19 =	vor.u32 $0x6, v14;
	s13 =	simm.s32 $0x4000;
	s10 =	sadd.s32 s1, s22;
	s21 =	simm.s32 $0x0;
	[tilespmem:$0x1FFE0] =	vst v0  }
.LBB2_6:
0x36: {  	s21 =	sadd.s32 $0x1, s21  }
0x37: {  	p0 =	sne.s32 s21, s11  }
.Ltmp1:
0x38: {  	_ = 	snop;
	(pc) =	sbr.rel @!p0 .LBB2_7-.Ltmp1, $4  }
0x39: {  	_ = 	snop  }
0x3a: {  	_ =	swait.ge [sflag:s18], $0xA000  }
0x3b: {  	[sflag:s18] =	ssyncset.done $0x0  }
0x3c: {  	[sflag:s18] =	ssyncadd.s32 $0xFFFF6000  }
.LBB2_1:
0x3d: {  	[tilespmem:s4], [sflag:$0x3] =	stream.linear.gather [hbm4b:s6+s4], $0x4000, $0x38;
	[tilespmem:$0x1CE80] =	vst v63  }
0x3e: {  	_ =	swait.ge [sflag:s12], $0x4000  }
0x3f: {  	[sflag:s12] =	ssyncset.done $0x0  }
0x40: {  	[sflag:s12] =	ssyncadd.s32 $0xFFFFC000  }
0x41: {  	[tilespmem:s13], [sflag:$0x3] =	stream.linear.gather [hbm4b:s7+s4], $0x4000, $0x38;
	[tilespmem:$0x1CE80] =	vst v63  }
0x42: {  	_ =	swait.ge [sflag:s12], $0x4000  }
0x43: {  	[sflag:s12] =	ssyncset.done $0x0  }
0x44: {  	[sflag:s12] =	ssyncadd.s32 $0xFFFFC000  }
0x45: {  	[tilespmem:s14], [sflag:$0x3] =	stream.linear.gather [hbm4b:s8+s4], $0x680, $0x38;
	[tilespmem:$0x1CE80] =	vst v63  }
0x46: {  	_ =	swait.ge [sflag:s12], $0x680  }
0x47: {  	[sflag:s12] =	ssyncset.done $0x0  }
0x48: {  	[sflag:s12] =	ssyncadd.s32 $0xFFFFF980  }
0x49: {  	v0 =	vld [tilespmem:s5+$0x8000];
	_ =	sdelay $0x4  }
0x4a: {  	(v2sf) =	vpush v0, $0x0;
	_ =	sdelay $0xa  }
.Ltmp2:
0x4b: {  	_ = 	snop;
	(pc) =	sbr.rel .LBB2_3-.Ltmp2, $3  }
0x4c: {  	_ =	sdelay $0x1  }
0x4d: {  	[tilespmem:s17], [sflag:$0x1] =	stream.strided.gather [hbm4b:s10+s15], $0xA000, s16, s15, $0x38;
	[tilespmem:$0x1CE80] =	vst v63  }
0x4e: {  	s23 =	simm.s32 $0x0;
	s22 =	spop (v2sf)  }
.LBB2_2:
0x4f: {  	p0 =	seq.s32 s23, $0x31  }
.Ltmp3:
0x50: {  	_ = 	snop;
	(pc) =	sbr.rel @p0 .LBB2_6-.Ltmp3, $1  }
0x51: {  	_ =	sdelay $0x3  }
.LBB2_3:
0x52: {  	_ =	swait.ge [sflag:s18], $0xA000  }
0x53: {  	v0 =	vld [tilespmem:$0x1FFE0]  }
0x54: {  	v27 =	vld [tilespmem:$0x1FD00]  }
0x55: {  	v28 =	vld [tilespmem:$0x1FD10]  }
0x56: {  	s26 =	smov.u32 s23;
	s23 =	sadd.s32 $0x1, s23;
	v29 =	vld [tilespmem:$0x1FD20]  }
0x57: {  	s24 =	smin.u32 s23, $0x30;
	v30 =	vld [tilespmem:$0x1FD30]  }
0x58: {  	v31 =	vld [tilespmem:$0x1FD40];
	s24 =	smul.u32 $0x5, s24  }
0x59: {  	v62 =	vld [tilespmem:$0x1FD50]  }
0x5a: {  	[sflag:s18] =	ssyncset.done $0x0;
	s25 =	sand.u32 $0x1, s23;
	v32 =	vld [tilespmem:$0x1FD60];
	s24 =	sadd.s32 s9, s24  }
0x5b: {  	v33 =	vld [tilespmem:$0x1FD70];
	p0 =	seq.s32 s25, $0x1;
	s25 =	simm.s32 $0x12680;
	s24 =	sshll.u32 s24, $0x7  }
0x5c: {  	v63 =	vld [tilespmem:$0x1FD80];
	[sflag:s18] =	ssyncadd.s32 $0xFFFF6000;
	s25 =	simm.s32 @!p0 $0x8680;
	s24 =	sadd.s32 s1, s24  }
0x5d: {  	v34 =	vld [tilespmem:$0x1FD90];
	[tilespmem:s25], [sflag:$0x1] =	stream.strided.gather [hbm4b:s24+s15], $0xA000, s16, s15, $0x38  }
0x5e: {  	v0 =	vld.idx.msk [tilespmem:v0+s26+$0x0 ss:$0x1], $0xffff  }
0x5f: {  	v35 =	vld [tilespmem:$0x1FDA0]  }
0x60: {  	v36 =	vld [tilespmem:$0x1FDB0]  }
0x61: {  	v55 =	vld [tilespmem:$0x1FDC0]  }
0x62: {  	v37 =	vld [tilespmem:$0x1FDD0]  }
0x63: {  	v38 =	vld [tilespmem:$0x1FDE0];
	(v2sf) =	vpush v0, $0x0  }
0x64: {  	v39 =	vld [tilespmem:$0x1FDF0]  }
0x65: {  	v40 =	vld [tilespmem:$0x1FE00]  }
0x66: {  	v41 =	vld [tilespmem:$0x1FE10]  }
0x67: {  	v42 =	vld [tilespmem:$0x1FE20]  }
0x68: {  	v43 =	vld [tilespmem:$0x1FE30]  }
0x69: {  	v44 =	vld [tilespmem:$0x1FE40]  }
0x6a: {  	v45 =	vld [tilespmem:$0x1FE50]  }
0x6b: {  	v46 =	vld [tilespmem:$0x1FE60]  }
0x6c: {  	v47 =	vld [tilespmem:$0x1FE70]  }
0x6d: {  	v48 =	vld [tilespmem:$0x1FE80]  }
0x6e: {  	v49 =	vld [tilespmem:$0x1FE90]  }
0x6f: {  	v50 =	vld [tilespmem:$0x1FEA0]  }
0x70: {  	v51 =	vld [tilespmem:$0x1FEB0]  }
0x71: {  	v52 =	vld [tilespmem:$0x1FEC0]  }
0x72: {  	s28 =	smov.u32 s22;
	v53 =	vld [tilespmem:$0x1FED0];
	s22 =	spop (v2sf)  }
0x73: {  	v54 =	vld [tilespmem:$0x1FEE0];
	s24 =	ssub.s32 s22, s28  }
0x74: {  	v57 =	vld [tilespmem:$0x1FEF0];
	s30 =	sadd.s32 $0xF, s24  }
0x75: {  	v58 =	vld [tilespmem:$0x1FF00];
	s29 =	sand.u32 $0xF, s30  }
0x76: {  	v20 =	vld [tilespmem:$0x1FF10];
	s31 =	sshra.s32 s30, $0x1F;
	p1 =	slt.s32 s30, $0x1;
	p6 =	sne.s32 s29, $0x0  }
0x77: {  	v59 =	vld [tilespmem:$0x1FF20];
	s29 =	sshrl.u32 s31, $0x1C;
	p0 =	por !p1, !p6  }
0x78: {  	v21 =	vld [tilespmem:$0x1FF30];
	s25 =	sadd.s32 s29, s30;
	s29 =	simm.s32 $0x1;
	p0 =	por !p0, !p0  }
0x79: {  	v22 =	vld [tilespmem:$0x1FF40];
	s25 =	sshra.s32 s25, $0x4;
	s29 =	simm.s32 @!p0 $0x0  }
0x7a: {  	v23 =	vld [tilespmem:$0x1FF50];
	s25 =	ssub.s32 s25, s29  }
0x7b: {  	v60 =	vld [tilespmem:$0x1FF60];
	p0 =	slt.s32 s25, $0x1  }
.Ltmp4:
0x7c: {  	v24 =	vld [tilespmem:$0x1FF70];
	(pc) =	sbr.rel @p0 .LBB2_2-.Ltmp4, $4  }
0x7d: {  	v25 =	vld [tilespmem:$0x1FF80]  }
0x7e: {  	v61 =	vld [tilespmem:$0x1FF90]  }
0x7f: {  	v26 =	vld [tilespmem:$0x1FFA0]  }
0x80: {  	v56 =	vld [tilespmem:$0x1FFB0]  }
0x81: {  	s29 =	sand.u32 $0x1, s26;
	s30 =	smul.u32 $0x5, s26  }
0x82: {  	v0 =	vmov s29  }
0x83: {  	v0 =	vmul.u32 $0xA000, v0;
	s26 =	sadd.s32 s9, s30  }
0x84: {  	s26 =	sshll.u32 s26, $0x7  }
0x85: {  	v2 =	vbroadcast v0, $0x0;
	v0 =	vmov s26  }
0x86: {  	[tilespmem:$0x1FC60] =	vst v0  }
0x87: {  	v0 =	vor.u32 $0x1400, v2;
	[tilespmem:$0x1FCD0] =	vst v2  }
0x88: {  	[tilespmem:$0x1FC70] =	vst v0;
	v0 =	vadd.s32 $0x2800, v2  }
0x89: {  	[tilespmem:$0x1FC80] =	vst v0;
	v0 =	vadd.s32 $0x3C00, v2  }
0x8a: {  	[tilespmem:$0x1FC90] =	vst v0;
	v0 =	vadd.s32 $0x5000, v2  }
0x8b: {  	[tilespmem:$0x1FCA0] =	vst v0;
	v0 =	vadd.s32 $0x6400, v2  }
0x8c: {  	s31 =	sshll.u32 s28, $0x2;
	[tilespmem:$0x1FCB0] =	vst v0;
	v0 =	vadd.s32 $0x7800, v2  }
0x8d: {  	s26 =	sshra.s32 s31, $0x2;
	[tilespmem:$0x1FCC0] =	vst v0;
	v0 =	vadd.s32 $0x8C00, v2  }
0x8e: {  	s28 =	sadd.s32 $0x4000, s26;
	[tilespmem:$0x1FCE0] =	vst v0  }
.LBB2_5:
0x8f: {  	v0 =	vld [tilespmem:s26+$0x0];
	v2 =	vmov s24  }
0x90: {  	vm0 =	vgt.s32 v2, v3;
	v2 =	vld [tilespmem:$0x1FC60];
	_ =	sdelay $0x4  }
0x91: {  	v0 =	vsub.s32 v0, v2  }
0x92: {  	v0 =	vnsel vm0, $0x0, v0  }
0x93: {  	v2 =	vshll.u32 v0, $0x3;
	v3 =	vand.u32 $0x7F, v0;
	v0 =	vld [tilespmem:$0x1FCD0];
	_ =	sdelay $0x3  }
0x94: {  	v4 =	vand.u32 $0xFFFFFC00, v2  }
0x95: {  	v11 =	vadd.s32 v0, v4  }
0x96: {  	v0 =	vor.u32 v3, v11;
	_ =	sdelay $0x4  }
0x97: {  	v5 =	vor.u32 $0x80, v3;
	v2 =	vld.idx.msk [tilespmem:v0+s17+$0x0], $0xffff  }
0x98: {  	v6 =	vor.u32 v11, v5;
	_ =	sdelay $0x3  }
0x99: {  	v0 =	vld [tilespmem:s28+$0x0];
	[tilespmem:v14+s19+$0x0] =	vst.idx.msk $0xffff, v2  }
0x9a: {  	v7 =	vor.u32 $0x100, v3;
	v2 =	vld.idx.msk [tilespmem:v6+s17+$0x0], $0xffff  }
0x9b: {  	v10 =	vor.u32 v11, v7;
	_ =	sdelay $0x3  }
0x9c: {  	[tilespmem:v1+s19+$0x0] =	vst.idx.msk $0xffff, v2  }
0x9d: {  	v8 =	vor.u32 $0x180, v3;
	v2 =	vld.idx.msk [tilespmem:v10+s17+$0x0], $0xffff  }
0x9e: {  	v9 =	vor.u32 v11, v8;
	_ =	sdelay $0x3  }
0x9f: {  	[tilespmem:v15+s19+$0x0] =	vst.idx.msk $0xffff, v2  }
0xa0: {  	v2 =	vld.idx.msk [tilespmem:v9+s17+$0x0], $0xffff;
	v9 =	vor.u32 $0x200, v3  }
0xa1: {  	v10 =	vor.u32 v11, v9;
	_ =	sdelay $0x3  }
0xa2: {  	[tilespmem:v16+s19+$0x0] =	vst.idx.msk $0xffff, v2  }
0xa3: {  	v2 =	vld.idx.msk [tilespmem:v10+s17+$0x0], $0xffff;
	v10 =	vor.u32 $0x280, v3  }
0xa4: {  	v6 =	vor.u32 v11, v10;
	_ =	sdelay $0x3  }
0xa5: {  	[tilespmem:v17+s19+$0x0] =	vst.idx.msk $0xffff, v2  }
0xa6: {  	v2 =	vld.idx.msk [tilespmem:v6+s17+$0x0], $0xffff;
	v6 =	vor.u32 $0x300, v3  }
0xa7: {  	v12 =	vor.u32 v11, v6;
	_ =	sdelay $0x2  }
0xa8: {  	v1 =	vmov v56;
	v56 =	vmov v26  }
0xa9: {  	v26 =	vmovc v61;
	v61 =	vmovc v25;
	v25 =	vmov v24;
	v24 =	vmov v60;
	v60 =	vmov v23;
	[tilespmem:v13+s19+$0x0] =	vst.idx.msk $0xffff, v2  }
0xaa: {  	v23 =	vmovc v22;
	v22 =	vmovc v21;
	v21 =	vmov v59;
	v59 =	vmov v20;
	v20 =	vmov v58;
	v12 =	vld.idx.msk [tilespmem:v12+s17+$0x0], $0xffff  }
0xab: {  	v58 =	vmovc v57;
	v57 =	vmovc v54;
	v54 =	vmov v53;
	v53 =	vmov v52;
	v52 =	vmov v51  }
0xac: {  	v51 =	vmovc v50;
	v50 =	vmovc v49;
	v49 =	vmov v48;
	v48 =	vmov v47;
	v47 =	vmov v46  }
0xad: {  	v46 =	vmovc v45;
	v45 =	vmovc v44;
	v44 =	vmov v43;
	v43 =	vmov v42;
	v42 =	vmov v41  }
0xae: {  	v41 =	vmovc v40;
	v40 =	vmovc v39;
	v39 =	vmov v38;
	v38 =	vmov v37;
	v2 =	vor.u32 $0x380, v3  }
0xaf: {  	v37 =	vmovc v55;
	v55 =	vmov v36;
	v36 =	vmov v35;
	v11 =	vor.u32 v11, v2;
	[tilespmem:v19+s19+$0x0] =	vst.idx.msk $0xffff, v12;
	v12 =	vld [tilespmem:$0x1FC70]  }
0xb0: {  	v35 =	vmovc v34;
	v34 =	vmovc v63;
	v63 =	vmov v33;
	v33 =	vmov v32;
	v32 =	vmov v62  }
0xb1: {  	v62 =	vmovc v31;
	v31 =	vmovc v30;
	v30 =	vmov v29;
	v29 =	vmov v28;
	v28 =	vmov v27;
	v27 =	vld [tilespmem:$0x1FCF0];
	_ =	sdelay $0x2  }
0xb2: {  	v11 =	vld.idx.msk [tilespmem:v11+s17+$0x0], $0xffff;
	v12 =	vadd.s32 v12, v4  }
0xb3: {  	v18 =	vmov v13;
	v13 =	vor.u32 v3, v12;
	_ =	sdelay $0x3  }
0xb4: {  	[tilespmem:v27+s19+$0x0] =	vst.idx.msk $0xffff, v11  }
0xb5: {  	v27 =	vmov v28;
	v11 =	vld.idx.msk [tilespmem:v13+s17+$0x0], $0xffff  }
0xb6: {  	v13 =	vor.u32 v12, v5;
	_ =	sdelay $0x3  }
0xb7: {  	[tilespmem:v27+s19+$0x0] =	vst.idx.msk $0xffff, v11  }
0xb8: {  	v28 =	vmov v29;
	v11 =	vld.idx.msk [tilespmem:v13+s17+$0x0], $0xffff  }
0xb9: {  	v13 =	vor.u32 v12, v7;
	_ =	sdelay $0x3  }
0xba: {  	[tilespmem:v28+s19+$0x0] =	vst.idx.msk $0xffff, v11  }
0xbb: {  	v29 =	vmov v30;
	v11 =	vld.idx.msk [tilespmem:v13+s17+$0x0], $0xffff  }
0xbc: {  	v13 =	vor.u32 v12, v8;
	_ =	sdelay $0x3  }
0xbd: {  	[tilespmem:v29+s19+$0x0] =	vst.idx.msk $0xffff, v11  }
0xbe: {  	v30 =	vmov v31;
	v11 =	vld.idx.msk [tilespmem:v13+s17+$0x0], $0xffff  }
0xbf: {  	v13 =	vor.u32 v12, v9;
	_ =	sdelay $0x3  }
0xc0: {  	[tilespmem:v30+s19+$0x0] =	vst.idx.msk $0xffff, v11  }
0xc1: {  	v31 =	vmov v62;
	v11 =	vld.idx.msk [tilespmem:v13+s17+$0x0], $0xffff  }
0xc2: {  	v13 =	vor.u32 v12, v10;
	_ =	sdelay $0x3  }
0xc3: {  	[tilespmem:v31+s19+$0x0] =	vst.idx.msk $0xffff, v11  }
0xc4: {  	v62 =	vmov v32;
	v11 =	vld.idx.msk [tilespmem:v13+s17+$0x0], $0xffff  }
0xc5: {  	v13 =	vor.u32 v12, v6;
	_ =	sdelay $0x3  }
0xc6: {  	[tilespmem:v62+s19+$0x0] =	vst.idx.msk $0xffff, v11  }
0xc7: {  	v32 =	vmov v33;
	v11 =	vld.idx.msk [tilespmem:v13+s17+$0x0], $0xffff  }
0xc8: {  	v12 =	vor.u32 v12, v2;
	_ =	sdelay $0x3  }
0xc9: {  	[tilespmem:v32+s19+$0x0] =	vst.idx.msk $0xffff, v11  }
0xca: {  	v11 =	vld.idx.msk [tilespmem:v12+s17+$0x0], $0xffff  }
0xcb: {  	v12 =	vld [tilespmem:$0x1FC80];
	_ =	sdelay $0x4  }
0xcc: {  	v33 =	vmov v63;
	v12 =	vadd.s32 v12, v4  }
0xcd: {  	v13 =	vor.u32 v12, v3;
	_ =	sdelay $0x3  }
0xce: {  	[tilespmem:v33+s19+$0x0] =	vst.idx.msk $0xffff, v11  }
0xcf: {  	v63 =	vmov v34;
	v11 =	vld.idx.msk [tilespmem:v13+s17+$0x0], $0xffff  }
0xd0: {  	v13 =	vor.u32 v12, v5;
	_ =	sdelay $0x3  }
0xd1: {  	[tilespmem:v63+s19+$0x0] =	vst.idx.msk $0xffff, v11  }
0xd2: {  	v34 =	vmov v35;
	v11 =	vld.idx.msk [tilespmem:v13+s17+$0x0], $0xffff  }
0xd3: {  	v13 =	vor.u32 v12, v7;
	_ =	sdelay $0x3  }
0xd4: {  	[tilespmem:v34+s19+$0x0] =	vst.idx.msk $0xffff, v11  }
0xd5: {  	v35 =	vmov v36;
	v11 =	vld.idx.msk [tilespmem:v13+s17+$0x0], $0xffff  }
0xd6: {  	v13 =	vor.u32 v12, v8;
	_ =	sdelay $0x3  }
0xd7: {  	[tilespmem:v35+s19+$0x0] =	vst.idx.msk $0xffff, v11  }
0xd8: {  	v36 =	vmov v55;
	v11 =	vld.idx.msk [tilespmem:v13+s17+$0x0], $0xffff  }
0xd9: {  	v13 =	vor.u32 v12, v9;
	_ =	sdelay $0x3  }
0xda: {  	[tilespmem:v36+s19+$0x0] =	vst.idx.msk $0xffff, v11  }
0xdb: {  	v55 =	vmov v37;
	v11 =	vld.idx.msk [tilespmem:v13+s17+$0x0], $0xffff  }
0xdc: {  	v13 =	vor.u32 v12, v10;
	_ =	sdelay $0x3  }
0xdd: {  	[tilespmem:v55+s19+$0x0] =	vst.idx.msk $0xffff, v11  }
0xde: {  	v37 =	vmov v38;
	v11 =	vld.idx.msk [tilespmem:v13+s17+$0x0], $0xffff  }
0xdf: {  	v38 =	vmov v39;
	v13 =	vor.u32 v12, v6  }
0xe0: {  	v39 =	vmovc v40;
	v40 =	vmovc v41;
	v41 =	vmov v42;
	v42 =	vmov v43;
	v43 =	vmov v44  }
0xe1: {  	v44 =	vmovc v45;
	v45 =	vmovc v46;
	v46 =	vmov v47;
	v47 =	vmov v48;
	v48 =	vmov v49  }
0xe2: {  	v49 =	vmovc v50;
	v50 =	vmovc v51;
	v51 =	vmov v52;
	v52 =	vmov v53;
	v53 =	vmov v54  }
0xe3: {  	v54 =	vmovc v57;
	v57 =	vmovc v58;
	v58 =	vmov v20;
	v20 =	vmov v59;
	v59 =	vmov v21;
	[tilespmem:v37+s19+$0x0] =	vst.idx.msk $0xffff, v11  }
0xe4: {  	v21 =	vmovc v22;
	v22 =	vmovc v23;
	v23 =	vmov v60;
	v60 =	vmov v24;
	v24 =	vmov v25;
	v11 =	vld.idx.msk [tilespmem:v13+s17+$0x0], $0xffff  }
0xe5: {  	v25 =	vmovc v61;
	v61 =	vmovc v26;
	v26 =	vmov v56;
	v56 =	vmov v1;
	v1 =	vld [tilespmem:$0x1FC90];
	v12 =	vor.u32 v12, v2;
	_ =	sdelay $0x3  }
0xe6: {  	[tilespmem:v38+s19+$0x0] =	vst.idx.msk $0xffff, v11  }
0xe7: {  	v11 =	vld.idx.msk [tilespmem:v12+s17+$0x0], $0xffff;
	v12 =	vadd.s32 v1, v4  }
0xe8: {  	v13 =	vor.u32 v12, v3;
	_ =	sdelay $0x3  }
0xe9: {  	[tilespmem:v39+s19+$0x0] =	vst.idx.msk $0xffff, v11  }
0xea: {  	v11 =	vld.idx.msk [tilespmem:v13+s17+$0x0], $0xffff  }
0xeb: {  	v13 =	vor.u32 v12, v5;
	_ =	sdelay $0x3  }
0xec: {  	[tilespmem:v40+s19+$0x0] =	vst.idx.msk $0xffff, v11  }
0xed: {  	v11 =	vld.idx.msk [tilespmem:v13+s17+$0x0], $0xffff  }
0xee: {  	v13 =	vor.u32 v12, v7;
	_ =	sdelay $0x3  }
0xef: {  	[tilespmem:v41+s19+$0x0] =	vst.idx.msk $0xffff, v11  }
0xf0: {  	v11 =	vld.idx.msk [tilespmem:v13+s17+$0x0], $0xffff  }
0xf1: {  	v13 =	vor.u32 v12, v8;
	_ =	sdelay $0x3  }
0xf2: {  	[tilespmem:v42+s19+$0x0] =	vst.idx.msk $0xffff, v11  }
0xf3: {  	v11 =	vld.idx.msk [tilespmem:v13+s17+$0x0], $0xffff  }
0xf4: {  	v13 =	vor.u32 v12, v9;
	_ =	sdelay $0x3  }
0xf5: {  	[tilespmem:v43+s19+$0x0] =	vst.idx.msk $0xffff, v11  }
0xf6: {  	v11 =	vld.idx.msk [tilespmem:v13+s17+$0x0], $0xffff  }
0xf7: {  	v13 =	vor.u32 v12, v10;
	_ =	sdelay $0x3  }
0xf8: {  	[tilespmem:v44+s19+$0x0] =	vst.idx.msk $0xffff, v11  }
0xf9: {  	v11 =	vld.idx.msk [tilespmem:v13+s17+$0x0], $0xffff  }
0xfa: {  	v13 =	vor.u32 v12, v6;
	_ =	sdelay $0x3  }
0xfb: {  	[tilespmem:v45+s19+$0x0] =	vst.idx.msk $0xffff, v11  }
0xfc: {  	v11 =	vld.idx.msk [tilespmem:v13+s17+$0x0], $0xffff  }
0xfd: {  	v1 =	vld [tilespmem:$0x1FCA0];
	v12 =	vor.u32 v12, v2;
	_ =	sdelay $0x3  }
0xfe: {  	[tilespmem:v46+s19+$0x0] =	vst.idx.msk $0xffff, v11  }
0xff: {  	v11 =	vld.idx.msk [tilespmem:v12+s17+$0x0], $0xffff;
	v12 =	vadd.s32 v1, v4  }
0x100: {  	v13 =	vor.u32 v12, v3;
	_ =	sdelay $0x3  }
0x101: {  	[tilespmem:v47+s19+$0x0] =	vst.idx.msk $0xffff, v11  }
0x102: {  	v11 =	vld.idx.msk [tilespmem:v13+s17+$0x0], $0xffff  }
0x103: {  	v13 =	vor.u32 v12, v5;
	_ =	sdelay $0x3  }
0x104: {  	[tilespmem:v48+s19+$0x0] =	vst.idx.msk $0xffff, v11  }
0x105: {  	v11 =	vld.idx.msk [tilespmem:v13+s17+$0x0], $0xffff  }
0x106: {  	v13 =	vor.u32 v12, v7;
	_ =	sdelay $0x3  }
0x107: {  	[tilespmem:v49+s19+$0x0] =	vst.idx.msk $0xffff, v11  }
0x108: {  	v11 =	vld.idx.msk [tilespmem:v13+s17+$0x0], $0xffff  }
0x109: {  	v13 =	vor.u32 v12, v8;
	_ =	sdelay $0x3  }
0x10a: {  	[tilespmem:v50+s19+$0x0] =	vst.idx.msk $0xffff, v11  }
0x10b: {  	v11 =	vld.idx.msk [tilespmem:v13+s17+$0x0], $0xffff  }
0x10c: {  	v13 =	vor.u32 v12, v9;
	_ =	sdelay $0x3  }
0x10d: {  	[tilespmem:v51+s19+$0x0] =	vst.idx.msk $0xffff, v11  }
0x10e: {  	v11 =	vld.idx.msk [tilespmem:v13+s17+$0x0], $0xffff  }
0x10f: {  	v13 =	vor.u32 v12, v10;
	_ =	sdelay $0x3  }
0x110: {  	[tilespmem:v52+s19+$0x0] =	vst.idx.msk $0xffff, v11  }
0x111: {  	v11 =	vld.idx.msk [tilespmem:v13+s17+$0x0], $0xffff  }
0x112: {  	v13 =	vor.u32 v12, v6;
	_ =	sdelay $0x3  }
0x113: {  	[tilespmem:v53+s19+$0x0] =	vst.idx.msk $0xffff, v11  }
0x114: {  	v11 =	vld.idx.msk [tilespmem:v13+s17+$0x0], $0xffff  }
0x115: {  	v1 =	vld [tilespmem:$0x1FCB0];
	v12 =	vor.u32 v12, v2;
	_ =	sdelay $0x3  }
0x116: {  	[tilespmem:v54+s19+$0x0] =	vst.idx.msk $0xffff, v11  }
0x117: {  	v11 =	vld.idx.msk [tilespmem:v12+s17+$0x0], $0xffff;
	v12 =	vadd.s32 v1, v4  }
0x118: {  	v13 =	vor.u32 v12, v3;
	_ =	sdelay $0x3  }
0x119: {  	[tilespmem:v57+s19+$0x0] =	vst.idx.msk $0xffff, v11  }
0x11a: {  	v11 =	vld.idx.msk [tilespmem:v13+s17+$0x0], $0xffff  }
0x11b: {  	v13 =	vor.u32 v12, v5;
	_ =	sdelay $0x3  }
0x11c: {  	[tilespmem:v58+s19+$0x0] =	vst.idx.msk $0xffff, v11  }
0x11d: {  	v11 =	vld.idx.msk [tilespmem:v13+s17+$0x0], $0xffff  }
0x11e: {  	v13 =	vor.u32 v12, v7;
	_ =	sdelay $0x3  }
0x11f: {  	[tilespmem:v20+s19+$0x0] =	vst.idx.msk $0xffff, v11  }
0x120: {  	v11 =	vld.idx.msk [tilespmem:v13+s17+$0x0], $0xffff  }
0x121: {  	v13 =	vor.u32 v12, v8;
	_ =	sdelay $0x3  }
0x122: {  	[tilespmem:v59+s19+$0x0] =	vst.idx.msk $0xffff, v11  }
0x123: {  	v11 =	vld.idx.msk [tilespmem:v13+s17+$0x0], $0xffff  }
0x124: {  	v13 =	vor.u32 v12, v9;
	_ =	sdelay $0x3  }
0x125: {  	[tilespmem:v21+s19+$0x0] =	vst.idx.msk $0xffff, v11  }
0x126: {  	v11 =	vld.idx.msk [tilespmem:v13+s17+$0x0], $0xffff  }
0x127: {  	v13 =	vor.u32 v12, v10;
	_ =	sdelay $0x3  }
0x128: {  	[tilespmem:v22+s19+$0x0] =	vst.idx.msk $0xffff, v11  }
0x129: {  	v11 =	vld.idx.msk [tilespmem:v13+s17+$0x0], $0xffff  }
0x12a: {  	v13 =	vor.u32 v12, v6;
	_ =	sdelay $0x3  }
0x12b: {  	[tilespmem:v23+s19+$0x0] =	vst.idx.msk $0xffff, v11  }
0x12c: {  	v11 =	vld.idx.msk [tilespmem:v13+s17+$0x0], $0xffff  }
0x12d: {  	v1 =	vld [tilespmem:$0x1FCC0];
	v12 =	vor.u32 v12, v2;
	_ =	sdelay $0x3  }
0x12e: {  	[tilespmem:v60+s19+$0x0] =	vst.idx.msk $0xffff, v11  }
0x12f: {  	v11 =	vld.idx.msk [tilespmem:v12+s17+$0x0], $0xffff;
	v12 =	vadd.s32 v1, v4  }
0x130: {  	v13 =	vor.u32 v12, v3;
	_ =	sdelay $0x3  }
0x131: {  	[tilespmem:v24+s19+$0x0] =	vst.idx.msk $0xffff, v11  }
0x132: {  	v11 =	vld.idx.msk [tilespmem:v13+s17+$0x0], $0xffff  }
0x133: {  	v13 =	vor.u32 v12, v5;
	_ =	sdelay $0x3  }
0x134: {  	[tilespmem:v25+s19+$0x0] =	vst.idx.msk $0xffff, v11  }
0x135: {  	v11 =	vld.idx.msk [tilespmem:v13+s17+$0x0], $0xffff  }
0x136: {  	v13 =	vor.u32 v12, v7;
	_ =	sdelay $0x3  }
0x137: {  	[tilespmem:v61+s19+$0x0] =	vst.idx.msk $0xffff, v11  }
0x138: {  	v11 =	vld.idx.msk [tilespmem:v13+s17+$0x0], $0xffff  }
0x139: {  	v13 =	vor.u32 v12, v8;
	_ =	sdelay $0x3  }
0x13a: {  	[tilespmem:v26+s19+$0x0] =	vst.idx.msk $0xffff, v11  }
0x13b: {  	v11 =	vld.idx.msk [tilespmem:v13+s17+$0x0], $0xffff  }
0x13c: {  	v13 =	vor.u32 v12, v9;
	_ =	sdelay $0x1  }
0x13d: {  	v1 =	vld [tilespmem:$0x1FFC0];
	_ =	sdelay $0x1  }
0x13e: {  	[tilespmem:v56+s19+$0x0] =	vst.idx.msk $0xffff, v11  }
0x13f: {  	v11 =	vld.idx.msk [tilespmem:v13+s17+$0x0], $0xffff;
	_ =	sdelay $0x2  }
0x140: {  	v13 =	vor.u32 v12, v10;
	_ =	sdelay $0x1  }
0x141: {  	[tilespmem:v1+s19+$0x0] =	vst.idx.msk $0xffff, v11;
	v1 =	vld [tilespmem:$0x1FFD0];
	_ =	sdelay $0x2  }
0x142: {  	v11 =	vld.idx.msk [tilespmem:v13+s17+$0x0], $0xffff  }
0x143: {  	v13 =	vor.u32 v12, v6;
	_ =	sdelay $0x3  }
0x144: {  	[tilespmem:v1+s19+$0x0] =	vst.idx.msk $0xffff, v11  }
0x145: {  	v11 =	vld.idx.msk [tilespmem:v13+s17+$0x0], $0xffff;
	v13 =	vor.u32 $0x36, v14  }
0x146: {  	v12 =	vor.u32 v12, v2;
	v1 =	vld [tilespmem:$0x1FCE0];
	_ =	sdelay $0x3  }
0x147: {  	[tilespmem:v13+s19+$0x0] =	vst.idx.msk $0xffff, v11  }
0x148: {  	v4 =	vadd.s32 v1, v4;
	v11 =	vld.idx.msk [tilespmem:v12+s17+$0x0], $0xffff;
	v12 =	vor.u32 $0x37, v14  }
0x149: {  	v3 =	vor.u32 v4, v3;
	_ =	sdelay $0x3  }
0x14a: {  	[tilespmem:v12+s19+$0x0] =	vst.idx.msk $0xffff, v11  }
0x14b: {  	v11 =	vor.u32 $0x38, v14;
	v3 =	vld.idx.msk [tilespmem:v3+s17+$0x0], $0xffff  }
0x14c: {  	v5 =	vor.u32 v4, v5;
	_ =	sdelay $0x3  }
0x14d: {  	[tilespmem:v11+s19+$0x0] =	vst.idx.msk $0xffff, v3  }
0x14e: {  	v3 =	vld.idx.msk [tilespmem:v5+s17+$0x0], $0xffff;
	v5 =	vor.u32 $0x39, v14  }
0x14f: {  	v7 =	vor.u32 v4, v7;
	_ =	sdelay $0x3  }
0x150: {  	[tilespmem:v5+s19+$0x0] =	vst.idx.msk $0xffff, v3  }
0x151: {  	v5 =	vor.u32 $0x3A, v14;
	v3 =	vld.idx.msk [tilespmem:v7+s17+$0x0], $0xffff  }
0x152: {  	v11 =	vor.u32 v4, v8;
	_ =	sdelay $0x3  }
0x153: {  	[tilespmem:v5+s19+$0x0] =	vst.idx.msk $0xffff, v3  }
0x154: {  	v5 =	vor.u32 $0x3B, v14;
	v3 =	vld.idx.msk [tilespmem:v11+s17+$0x0], $0xffff  }
0x155: {  	v9 =	vor.u32 v4, v9;
	_ =	sdelay $0x3  }
0x156: {  	[tilespmem:v5+s19+$0x0] =	vst.idx.msk $0xffff, v3  }
0x157: {  	v5 =	vor.u32 $0x3C, v14;
	v3 =	vld.idx.msk [tilespmem:v9+s17+$0x0], $0xffff  }
0x158: {  	v11 =	vor.u32 v4, v10;
	_ =	sdelay $0x2  }
0x159: {  	(v2sf) =	vpush v0, $0x0  }
0x15a: {  	[tilespmem:v5+s19+$0x0] =	vst.idx.msk $0xffff, v3  }
0x15b: {  	v5 =	vor.u32 $0x3D, v14;
	v3 =	vld.idx.msk [tilespmem:v11+s17+$0x0], $0xffff  }
0x15c: {  	v6 =	vor.u32 v4, v6;
	_ =	sdelay $0x2  }
0x15d: {  	(v2sf) =	vpush v0, $0x1  }
0x15e: {  	[tilespmem:v5+s19+$0x0] =	vst.idx.msk $0xffff, v3  }
0x15f: {  	v5 =	vor.u32 $0x3E, v14;
	v3 =	vld.idx.msk [tilespmem:v6+s17+$0x0], $0xffff  }
0x160: {  	v2 =	vor.u32 v4, v2;
	_ =	sdelay $0x2  }
0x161: {  	(v2sf) =	vpush v0, $0x2  }
0x162: {  	[tilespmem:v5+s19+$0x0] =	vst.idx.msk $0xffff, v3  }
0x163: {  	v3 =	vor.u32 $0x3F, v14;
	v2 =	vld.idx.msk [tilespmem:v2+s17+$0x0], $0xffff  }
0x164: {  	s29 =	rddreg [dreg:$0x4];
	p0 =	sgt.s32 s24, $0x0;
	s30 =	spop (v2sf)  }
0x165: {  	s29 =	smov.u32 @p0 s30  }
0x166: {  	s29 =	sshll.u32 s29, $0x3  }
0x167: {  	(v2sf) =	vpush v0, $0x3;
	s29 =	sand.u32 $0x1FFFFFF8, s29  }
0x168: {  	s29 =	sadd.s32 s3, s29;
	[tilespmem:v3+s19+$0x0] =	vst.idx.msk $0xffff, v2  }
0x169: {  	[hbm4b:s29+s4] =	stream.linear.scatter [tilespmem:s19], [sflag:$0x2], $0x40, $0x38;
	[tilespmem:$0x1CE80] =	vst v63  }
0x16a: {  	s30 =	rddreg [dreg:$0x5];
	p0 =	sgt.s32 s24, $0x1;
	s29 =	spop (v2sf)  }
0x16b: {  	s30 =	smov.u32 @p0 s29  }
0x16c: {  	s29 =	sshll.u32 s30, $0x3  }
0x16d: {  	(v2sf) =	vpush v0, $0x4;
	s29 =	sand.u32 $0x1FFFFFF8, s29  }
0x16e: {  	s30 =	rddreg [dreg:$0x14];
	s29 =	sadd.s32 s3, s29  }
0x16f: {  	[hbm4b:s29+s4] =	stream.linear.scatter [tilespmem:s30], [sflag:$0x2], $0x40, $0x38;
	[tilespmem:$0x1CE80] =	vst v63  }
0x170: {  	s31 =	rddreg [dreg:$0x6];
	p0 =	sgt.s32 s24, $0x2;
	s29 =	spop (v2sf)  }
0x171: {  	s31 =	smov.u32 @p0 s29  }
0x172: {  	s29 =	sshll.u32 s31, $0x3  }
0x173: {  	(v2sf) =	vpush v0, $0x5;
	s29 =	sand.u32 $0x1FFFFFF8, s29  }
0x174: {  	s30 =	rddreg [dreg:$0x15];
	s29 =	sadd.s32 s3, s29  }
0x175: {  	[hbm4b:s29+s4] =	stream.linear.scatter [tilespmem:s30], [sflag:$0x2], $0x40, $0x38;
	[tilespmem:$0x1CE80] =	vst v63  }
0x176: {  	p0 =	sgt.s32 s24, $0x3;
	s31 =	rddreg [dreg:$0x7];
	s29 =	spop (v2sf)  }
0x177: {  	s31 =	smov.u32 @p0 s29  }
0x178: {  	s29 =	sshll.u32 s31, $0x3  }
0x179: {  	(v2sf) =	vpush v0, $0x6;
	s29 =	sand.u32 $0x1FFFFFF8, s29  }
0x17a: {  	s30 =	rddreg [dreg:$0x16];
	s29 =	sadd.s32 s3, s29  }
0x17b: {  	[hbm4b:s29+s4] =	stream.linear.scatter [tilespmem:s30], [sflag:$0x2], $0x40, $0x38;
	[tilespmem:$0x1CE80] =	vst v63  }
0x17c: {  	p0 =	sgt.s32 s24, $0x4;
	s31 =	rddreg [dreg:$0x8];
	s29 =	spop (v2sf)  }
0x17d: {  	s31 =	smov.u32 @p0 s29  }
0x17e: {  	s29 =	sshll.u32 s31, $0x3  }
0x17f: {  	(v2sf) =	vpush v0, $0x7;
	s29 =	sand.u32 $0x1FFFFFF8, s29  }
0x180: {  	s30 =	rddreg [dreg:$0x17];
	s29 =	sadd.s32 s3, s29  }
0x181: {  	[hbm4b:s29+s4] =	stream.linear.scatter [tilespmem:s30], [sflag:$0x2], $0x40, $0x38;
	[tilespmem:$0x1CE80] =	vst v63  }
0x182: {  	p0 =	sgt.s32 s24, $0x5;
	s31 =	rddreg [dreg:$0x9];
	s29 =	spop (v2sf)  }
0x183: {  	s31 =	smov.u32 @p0 s29  }
0x184: {  	s29 =	sshll.u32 s31, $0x3  }
0x185: {  	(v2sf) =	vpush v0, $0x8;
	s29 =	sand.u32 $0x1FFFFFF8, s29  }
0x186: {  	s30 =	rddreg [dreg:$0x18];
	s29 =	sadd.s32 s3, s29  }
0x187: {  	[hbm4b:s29+s4] =	stream.linear.scatter [tilespmem:s30], [sflag:$0x2], $0x40, $0x38;
	[tilespmem:$0x1CE80] =	vst v63  }
0x188: {  	p0 =	sgt.s32 s24, $0x6;
	s31 =	rddreg [dreg:$0xa];
	s29 =	spop (v2sf)  }
0x189: {  	s31 =	smov.u32 @p0 s29  }
0x18a: {  	s29 =	sshll.u32 s31, $0x3  }
0x18b: {  	(v2sf) =	vpush v0, $0x9;
	s29 =	sand.u32 $0x1FFFFFF8, s29  }
0x18c: {  	s30 =	rddreg [dreg:$0x19];
	s29 =	sadd.s32 s3, s29  }
0x18d: {  	[hbm4b:s29+s4] =	stream.linear.scatter [tilespmem:s30], [sflag:$0x2], $0x40, $0x38;
	[tilespmem:$0x1CE80] =	vst v63  }
0x18e: {  	p0 =	sgt.s32 s24, $0x7;
	s31 =	rddreg [dreg:$0xb];
	s29 =	spop (v2sf)  }
0x18f: {  	s31 =	smov.u32 @p0 s29  }
0x190: {  	s29 =	sshll.u32 s31, $0x3  }
0x191: {  	(v2sf) =	vpush v0, $0xA;
	s29 =	sand.u32 $0x1FFFFFF8, s29  }
0x192: {  	s30 =	rddreg [dreg:$0x1a];
	s29 =	sadd.s32 s3, s29  }
0x193: {  	[hbm4b:s29+s4] =	stream.linear.scatter [tilespmem:s30], [sflag:$0x2], $0x40, $0x38;
	[tilespmem:$0x1CE80] =	vst v63  }
0x194: {  	p0 =	sgt.s32 s24, $0x8;
	s31 =	rddreg [dreg:$0xc];
	s29 =	spop (v2sf)  }
0x195: {  	s31 =	smov.u32 @p0 s29  }
0x196: {  	s29 =	sshll.u32 s31, $0x3  }
0x197: {  	(v2sf) =	vpush v0, $0xB;
	s29 =	sand.u32 $0x1FFFFFF8, s29  }
0x198: {  	s30 =	rddreg [dreg:$0x1b];
	s29 =	sadd.s32 s3, s29  }
0x199: {  	[hbm4b:s29+s4] =	stream.linear.scatter [tilespmem:s30], [sflag:$0x2], $0x40, $0x38;
	[tilespmem:$0x1CE80] =	vst v63  }
0x19a: {  	p0 =	sgt.s32 s24, $0x9;
	s31 =	rddreg [dreg:$0xd];
	s29 =	spop (v2sf)  }
0x19b: {  	s31 =	smov.u32 @p0 s29  }
0x19c: {  	s29 =	sshll.u32 s31, $0x3  }
0x19d: {  	(v2sf) =	vpush v0, $0xC;
	s29 =	sand.u32 $0x1FFFFFF8, s29  }
0x19e: {  	s30 =	rddreg [dreg:$0x1c];
	s29 =	sadd.s32 s3, s29  }
0x19f: {  	[hbm4b:s29+s4] =	stream.linear.scatter [tilespmem:s30], [sflag:$0x2], $0x40, $0x38;
	[tilespmem:$0x1CE80] =	vst v63  }
0x1a0: {  	p0 =	sgt.s32 s24, $0xA;
	s31 =	rddreg [dreg:$0xe];
	s29 =	spop (v2sf)  }
0x1a1: {  	s31 =	smov.u32 @p0 s29  }
0x1a2: {  	s29 =	sshll.u32 s31, $0x3  }
0x1a3: {  	(v2sf) =	vpush v0, $0xD;
	s29 =	sand.u32 $0x1FFFFFF8, s29  }
0x1a4: {  	s30 =	rddreg [dreg:$0x1d];
	s29 =	sadd.s32 s3, s29  }
0x1a5: {  	[hbm4b:s29+s4] =	stream.linear.scatter [tilespmem:s30], [sflag:$0x2], $0x40, $0x38;
	[tilespmem:$0x1CE80] =	vst v63  }
0x1a6: {  	p0 =	sgt.s32 s24, $0xB;
	s31 =	rddreg [dreg:$0xf];
	s29 =	spop (v2sf)  }
0x1a7: {  	s31 =	smov.u32 @p0 s29  }
0x1a8: {  	s29 =	sshll.u32 s31, $0x3  }
0x1a9: {  	(v2sf) =	vpush v0, $0xE;
	s29 =	sand.u32 $0x1FFFFFF8, s29  }
0x1aa: {  	s30 =	rddreg [dreg:$0x1e];
	s29 =	sadd.s32 s3, s29  }
0x1ab: {  	[hbm4b:s29+s4] =	stream.linear.scatter [tilespmem:s30], [sflag:$0x2], $0x40, $0x38;
	[tilespmem:$0x1CE80] =	vst v63  }
0x1ac: {  	p0 =	sgt.s32 s24, $0xC;
	s31 =	rddreg [dreg:$0x10];
	s29 =	spop (v2sf)  }
0x1ad: {  	s31 =	smov.u32 @p0 s29  }
0x1ae: {  	s29 =	sshll.u32 s31, $0x3  }
0x1af: {  	(v2sf) =	vpush v0, $0xF;
	s29 =	sand.u32 $0x1FFFFFF8, s29  }
0x1b0: {  	s30 =	rddreg [dreg:$0x1f];
	s29 =	sadd.s32 s3, s29  }
0x1b1: {  	[hbm4b:s29+s4] =	stream.linear.scatter [tilespmem:s30], [sflag:$0x2], $0x40, $0x38;
	[tilespmem:$0x1CE80] =	vst v63  }
0x1b2: {  	p0 =	sgt.s32 s24, $0xD;
	s31 =	rddreg [dreg:$0x11];
	s29 =	spop (v2sf)  }
0x1b3: {  	s31 =	smov.u32 @p0 s29  }
0x1b4: {  	s30 =	sld [smem:$0x7FB];
	s29 =	sshll.u32 s31, $0x3  }
0x1b5: {  	s29 =	sand.u32 $0x1FFFFFF8, s29  }
0x1b6: {  	s29 =	sadd.s32 s3, s29  }
0x1b7: {  	[hbm4b:s29+s4] =	stream.linear.scatter [tilespmem:s30], [sflag:$0x2], $0x40, $0x38;
	[tilespmem:$0x1CE80] =	vst v63  }
0x1b8: {  	p0 =	sgt.s32 s24, $0xE;
	s31 =	rddreg [dreg:$0x12];
	s29 =	spop (v2sf)  }
0x1b9: {  	s31 =	smov.u32 @p0 s29  }
0x1ba: {  	s30 =	sld [smem:$0x7FC];
	s29 =	sshll.u32 s31, $0x3  }
0x1bb: {  	s29 =	sand.u32 $0x1FFFFFF8, s29  }
0x1bc: {  	s29 =	sadd.s32 s3, s29  }
0x1bd: {  	[hbm4b:s29+s4] =	stream.linear.scatter [tilespmem:s30], [sflag:$0x2], $0x40, $0x38;
	[tilespmem:$0x1CE80] =	vst v63  }
0x1be: {  	p0 =	sgt.s32 s24, $0xF;
	s31 =	rddreg [dreg:$0x13];
	s29 =	spop (v2sf)  }
0x1bf: {  	s31 =	smov.u32 @p0 s29  }
0x1c0: {  	s29 =	sshll.u32 s31, $0x3;
	s31 =	sld [smem:$0x7FD]  }
0x1c1: {  	s29 =	sand.u32 $0x1FFFFFF8, s29  }
0x1c2: {  	s29 =	sadd.s32 s3, s29  }
0x1c3: {  	[hbm4b:s29+s4] =	stream.linear.scatter [tilespmem:s31], [sflag:$0x2], $0x40, $0x38;
	[tilespmem:$0x1CE80] =	vst v63  }
0x1c4: {  	v1 =	vld [tilespmem:$0x1FFF0];
	_ =	swait.ge [sflag:s20], $0x40  }
0x1c5: {  	[sflag:s20] =	ssyncset.done $0x0  }
0x1c6: {  	[sflag:s20] =	ssyncadd.s32 $0xFFFFFFC0  }
0x1c7: {  	_ =	swait.ge [sflag:s20], $0x40  }
0x1c8: {  	[sflag:s20] =	ssyncset.done $0x0  }
0x1c9: {  	[sflag:s20] =	ssyncadd.s32 $0xFFFFFFC0  }
0x1ca: {  	_ =	swait.ge [sflag:s20], $0x40  }
0x1cb: {  	[sflag:s20] =	ssyncset.done $0x0  }
0x1cc: {  	[sflag:s20] =	ssyncadd.s32 $0xFFFFFFC0  }
0x1cd: {  	_ =	swait.ge [sflag:s20], $0x40  }
0x1ce: {  	[sflag:s20] =	ssyncset.done $0x0  }
0x1cf: {  	[sflag:s20] =	ssyncadd.s32 $0xFFFFFFC0  }
0x1d0: {  	_ =	swait.ge [sflag:s20], $0x40  }
0x1d1: {  	[sflag:s20] =	ssyncset.done $0x0  }
0x1d2: {  	[sflag:s20] =	ssyncadd.s32 $0xFFFFFFC0  }
0x1d3: {  	_ =	swait.ge [sflag:s20], $0x40  }
0x1d4: {  	[sflag:s20] =	ssyncset.done $0x0  }
0x1d5: {  	[sflag:s20] =	ssyncadd.s32 $0xFFFFFFC0  }
0x1d6: {  	_ =	swait.ge [sflag:s20], $0x40  }
0x1d7: {  	[sflag:s20] =	ssyncset.done $0x0  }
0x1d8: {  	[sflag:s20] =	ssyncadd.s32 $0xFFFFFFC0  }
0x1d9: {  	_ =	swait.ge [sflag:s20], $0x40  }
0x1da: {  	[sflag:s20] =	ssyncset.done $0x0  }
0x1db: {  	[sflag:s20] =	ssyncadd.s32 $0xFFFFFFC0  }
0x1dc: {  	_ =	swait.ge [sflag:s20], $0x40  }
0x1dd: {  	[sflag:s20] =	ssyncset.done $0x0  }
0x1de: {  	[sflag:s20] =	ssyncadd.s32 $0xFFFFFFC0  }
0x1df: {  	_ =	swait.ge [sflag:s20], $0x40  }
0x1e0: {  	[sflag:s20] =	ssyncset.done $0x0  }
0x1e1: {  	[sflag:s20] =	ssyncadd.s32 $0xFFFFFFC0  }
0x1e2: {  	_ =	swait.ge [sflag:s20], $0x40  }
0x1e3: {  	[sflag:s20] =	ssyncset.done $0x0  }
0x1e4: {  	[sflag:s20] =	ssyncadd.s32 $0xFFFFFFC0  }
0x1e5: {  	_ =	swait.ge [sflag:s20], $0x40  }
0x1e6: {  	[sflag:s20] =	ssyncset.done $0x0  }
0x1e7: {  	[sflag:s20] =	ssyncadd.s32 $0xFFFFFFC0  }
0x1e8: {  	_ =	swait.ge [sflag:s20], $0x40  }
0x1e9: {  	[sflag:s20] =	ssyncset.done $0x0  }
0x1ea: {  	[sflag:s20] =	ssyncadd.s32 $0xFFFFFFC0  }
0x1eb: {  	_ =	swait.ge [sflag:s20], $0x40  }
0x1ec: {  	[sflag:s20] =	ssyncset.done $0x0  }
0x1ed: {  	[sflag:s20] =	ssyncadd.s32 $0xFFFFFFC0  }
0x1ee: {  	p0 =	seq.s32 s25, $0x1;
	_ =	swait.ge [sflag:s20], $0x40  }
.Ltmp5:
0x1ef: {  	[sflag:s20] =	ssyncset.done $0x0;
	(pc) =	sbr.rel @!p0 .LBB2_5-.Ltmp5, $4  }
0x1f0: {  	[sflag:s20] =	ssyncadd.s32 $0xFFFFFFC0  }
0x1f1: {  	_ =	swait.ge [sflag:s20], $0x40  }
0x1f2: {  	s26 =	sadd.s32 $0x10, s26;
	s28 =	sadd.s32 $0x10, s28;
	[sflag:s20] =	ssyncset.done $0x0  }
0x1f3: {  	v13 =	vmov v18;
	v3 =	vlaneseq.u32;
	s24 =	sadd.s32 $0xFFFFFFF0, s24;
	s25 =	sadd.s32 $0xFFFFFFFF, s25;
	[sflag:s20] =	ssyncadd.s32 $0xFFFFFFC0  }
.Ltmp6:
0x1f4: {  	_ = 	snop;
	(pc) =	sbr.rel .LBB2_2-.Ltmp6, $1  }
0x1f5: {  	_ =	sdelay $0x3  }
.LBB2_7:
0x1f6: {  	_ =	sfence.sel $0x180000  }
0x1f7: {  	[bflag:$0x0] =	sbarrier.arrive $0xFFFF  }
0x1f8: {  	p0 =	sne.s32 s0, $0x0;
	_ =	strace $0x90000047  }
0x1f9: {  	s0 =	sadd.s32 @!p0 $0x100000, s2;
	[bflag:$0x2] =	sbarrier.arrive $0xFFFF  }
0x1fa: {  	[sflag:s0] =	ssyncadd.tile.s32 @!p0 $0x1;
	_ =	shalt  }
.Lfunc_end2:
_tile_overlayer_lowered:
.L_overlay_start_2:
0x1fb: {  	(tag) =	ssettag $0x2  }
0x1fc: {  	s0 =	rddreg [dreg:$0x0];
	s2 =	stileid.u32  }
0x1fd: {  	s1 =	rddreg [dreg:$0x1];
	p0 =	sne.s32 s2, $0x0  }
0x1fe: {  	s3 =	rddreg [dreg:$0x2];
	[bflag:$0x3] =	sbarrier.arrive $0xFFFF;
	s2 =	simm.s32 @!p0 $0x1C03  }
0x1ff: {  	[timem:s3], [sflag:s2] =	dma.local @!p0 [hbm:s0], s1  }
0x200: {  	s0 =	simm.s32 @!p0 $0x3  }
0x201: {  	_ =	swait.ge @!p0 [sflag:s0], s1  }
0x202: {  	s1 =	ssub.s32 @!p0 $0x0, s1;
	[sflag:s0] =	ssyncset.done @!p0 $0x0  }
0x203: {  	[sflag:s0] =	ssyncadd.s32 @!p0 s1  }
0x204: {  	[bflag:$0x3] =	sbarrier.arrive $0xFFFF  }
0x205: {  	_ =	shalt  }

</sc_bundles>
